<compile_context>
chip_gen: v7x
topology: tpu7x:2x2x1
jax: 0.10.2.dev20260603
libtpu: 0.0.44.dev20260713+nightly
codegen_flags: <defaults>
</compile_context>

<pallas_src>
import functools

import numpy as np

import jax
import jax.numpy as jnp
from jax import lax
from jax.experimental import pallas as pl
from jax.experimental.pallas import tpu as pltpu
from jax.experimental.pallas import tpu_sc as plsc

N = 100100
E = 3203200
D = 16
NP = 100352
NP8 = NP // 8
RPS = NP // 16
NW = 32

CS = 640
ROUNDS = 162
KS = 6
NB_S = ROUNDS // KS
KD = 18
NB_D = ROUNDS // KD
PAD_E = NW * ROUNDS * CS
EROWS = PAD_E // CS
PAD_SPREAD = NP - N

SPH = 128
NSEL = 9 * SPH
_sel_np = np.full((9, SPH), N, dtype=np.int32)
for _i in range(9):
    _sel_np[_i, :70] = 1421 + _i + 1430 * np.arange(70, dtype=np.int32)
SEL_IDX = _sel_np.reshape(-1)

_mesh = plsc.VectorSubcoreMesh(core_axis_name="c", subcore_axis_name="s")
_sc_params = pltpu.CompilerParams(use_tc_tiling_on_sc=False)



@functools.partial(
    pl.kernel,
    out_type=jax.ShapeDtypeStruct((2 * NP,), jnp.float32),
    mesh=_mesh,
    compiler_params=_sc_params,
    scratch_types=[
        pltpu.VMEM_SHARED((NP,), jnp.float32),
        pltpu.VMEM((KD, CS), jnp.int32),
        pltpu.VMEM((CS,), jnp.float32),
        pltpu.SemaphoreType.DMA,
        pltpu.SemaphoreType.DMA,
    ],
)
def _deg_kernel(dst_hbm, zeros1_hbm, ones_hbm, out_hbm,
                acc, dst_b, ones_v, ss0, ss1):
    cid = lax.axis_index("c")
    sid = lax.axis_index("s")
    wid = sid * 2 + cid
    base = sid * RPS
    pltpu.sync_copy(zeros1_hbm, acc.at[pl.ds(base, RPS)])
    pltpu.sync_copy(ones_hbm, ones_v)
    plsc.subcore_barrier()
    ss = (ss0, ss1)

    def batch(b, carry):
        @pl.when(b > 0)
        def _drain():
            pltpu.make_async_copy(ones_v, acc.at[dst_b.at[KD - 2]], ss0).wait()
            pltpu.make_async_copy(ones_v, acc.at[dst_b.at[KD - 1]], ss1).wait()

        pltpu.sync_copy(dst_hbm.at[pl.ds(wid * ROUNDS + b * KD, KD)], dst_b)
        for k in range(KD):
            p = k % 2
            if k >= 2:
                pltpu.make_async_copy(ones_v, acc.at[dst_b.at[k - 2]],
                                      ss[p]).wait()
            pltpu.async_copy(ones_v, acc.at[dst_b.at[k]], ss[p], add=True)
        return carry

    lax.fori_loop(0, NB_D, batch, 0)
    pltpu.make_async_copy(ones_v, acc.at[dst_b.at[KD - 2]], ss0).wait()
    pltpu.make_async_copy(ones_v, acc.at[dst_b.at[KD - 1]], ss1).wait()
    plsc.subcore_barrier()
    pltpu.sync_copy(acc.at[pl.ds(base, RPS)],
                    out_hbm.at[pl.ds(cid * NP + base, RPS)])


def _segsum_body(g_hbm, src_hbm, dst_hbm,
                 acc, src_b, dst_b, rows0, rows1, sg0, sg1, ss0, ss1,
                 wid, base):
    rows = (rows0, rows1)
    sg = (sg0, sg1)
    ss = (ss0, ss1)

    def batch(b, carry):
        @pl.when(b > 0)
        def _drain():
            pltpu.make_async_copy(rows0, acc.at[dst_b.at[KS - 2]], ss0).wait()
            pltpu.make_async_copy(rows1, acc.at[dst_b.at[KS - 1]], ss1).wait()

        row0 = wid * ROUNDS + b * KS
        pltpu.sync_copy(src_hbm.at[pl.ds(row0, KS)], src_b)
        pltpu.sync_copy(dst_hbm.at[pl.ds(row0, KS)], dst_b)
        for k in range(KS):
            p = k % 2
            if k >= 2:
                pltpu.make_async_copy(rows[p], acc.at[dst_b.at[k - 2]],
                                      ss[p]).wait()
            pltpu.async_copy(g_hbm.at[src_b.at[k]], rows[p], sg[p])
            if k >= 1:
                pltpu.make_async_copy(g_hbm.at[src_b.at[k - 1]],
                                      rows[1 - p], sg[1 - p]).wait()
                pltpu.async_copy(rows[1 - p], acc.at[dst_b.at[k - 1]],
                                 ss[1 - p], add=True)
        pltpu.make_async_copy(g_hbm.at[src_b.at[KS - 1]],
                              rows[(KS - 1) % 2], sg[(KS - 1) % 2]).wait()
        pltpu.async_copy(rows[(KS - 1) % 2], acc.at[dst_b.at[KS - 1]],
                         ss[(KS - 1) % 2], add=True)
        return carry

    lax.fori_loop(0, NB_S, batch, 0)
    pltpu.make_async_copy(rows0, acc.at[dst_b.at[KS - 2]], ss0).wait()
    pltpu.make_async_copy(rows1, acc.at[dst_b.at[KS - 1]], ss1).wait()
    plsc.subcore_barrier()


_SEG_SCRATCH = [
    pltpu.VMEM_SHARED((NP, D), jnp.float32),
    pltpu.VMEM((KS, CS), jnp.int32),
    pltpu.VMEM((KS, CS), jnp.int32),
    pltpu.VMEM((CS, D), jnp.float32),
    pltpu.VMEM((CS, D), jnp.float32),
    pltpu.SemaphoreType.DMA,
    pltpu.SemaphoreType.DMA,
    pltpu.SemaphoreType.DMA,
    pltpu.SemaphoreType.DMA,
]


@functools.partial(
    pl.kernel,
    out_type=[
        jax.ShapeDtypeStruct((NP, D), jnp.float32),
        jax.ShapeDtypeStruct((NP, D), jnp.float32),
    ],
    mesh=_mesh,
    compiler_params=_sc_params,
    scratch_types=_SEG_SCRATCH,
)
def _segsum1_kernel(g_hbm, src_hbm, dst_hbm, zeros2_hbm, out0, out1,
                    acc, src_b, dst_b, rows0, rows1, sg0, sg1, ss0, ss1):
    cid = lax.axis_index("c")
    sid = lax.axis_index("s")
    wid = sid * 2 + cid
    base = sid * RPS
    pltpu.sync_copy(zeros2_hbm, acc.at[pl.ds(base, RPS)])
    plsc.subcore_barrier()
    _segsum_body(g_hbm, src_hbm, dst_hbm,
                 acc, src_b, dst_b, rows0, rows1, sg0, sg1, ss0, ss1,
                 wid, base)

    @pl.when(cid == 0)
    def _w0():
        pltpu.sync_copy(acc.at[pl.ds(base, RPS)], out0.at[pl.ds(base, RPS)])

    @pl.when(cid == 1)
    def _w1():
        pltpu.sync_copy(acc.at[pl.ds(base, RPS)], out1.at[pl.ds(base, RPS)])


@functools.partial(
    pl.kernel,
    out_type=[
        jax.ShapeDtypeStruct((2 * NSEL, D), jnp.float32),
        jax.ShapeDtypeStruct((NSEL, D), jnp.float32),
        jax.ShapeDtypeStruct((NSEL, D), jnp.float32),
        jax.ShapeDtypeStruct((2 * NP, D), jnp.float32),
    ],
    mesh=_mesh,
    compiler_params=_sc_params,
    scratch_types=_SEG_SCRATCH + [pltpu.VMEM((NSEL,), jnp.int32)],
)
def _segsum2_kernel(g_hbm, src_hbm, dst_hbm, zeros2_hbm, dinv_hbm, sel_hbm,
                    sel_out, g2_out, dinv_out, full_out,
                    acc, src_b, dst_b, rows0, rows1, sg0, sg1, ss0, ss1,
                    sel_v):
    cid = lax.axis_index("c")
    sid = lax.axis_index("s")
    wid = sid * 2 + cid
    base = sid * RPS
    pltpu.sync_copy(zeros2_hbm, acc.at[pl.ds(base, RPS)])
    plsc.subcore_barrier()
    _segsum_body(g_hbm, src_hbm, dst_hbm,
                 acc, src_b, dst_b, rows0, rows1, sg0, sg1, ss0, ss1,
                 wid, base)
    pltpu.sync_copy(acc.at[pl.ds(base, RPS)],
                    full_out.at[pl.ds(cid * NP + base, RPS)])
    plsc.subcore_barrier()

    @pl.when(sid == 0)
    def _sel_partial():
        pltpu.sync_copy(sel_hbm.at[pl.ds(cid * NSEL, NSEL)], sel_v)
        pltpu.sync_copy(full_out.at[sel_v.at[pl.ds(0, CS)]], rows0)
        pltpu.sync_copy(rows0, sel_out.at[pl.ds(cid * NSEL, CS)])
        pltpu.sync_copy(full_out.at[sel_v.at[pl.ds(CS, NSEL - CS)]],
                        rows1.at[pl.ds(0, NSEL - CS)])
        pltpu.sync_copy(rows1.at[pl.ds(0, NSEL - CS)],
                        sel_out.at[pl.ds(cid * NSEL + CS, NSEL - CS)])

    @pl.when((sid == 1) & (cid == 0))
    def _sel_g2():
        pltpu.sync_copy(sel_hbm.at[pl.ds(0, NSEL)], sel_v)
        pltpu.sync_copy(g_hbm.at[sel_v.at[pl.ds(0, CS)]], rows0)
        pltpu.sync_copy(rows0, g2_out.at[pl.ds(0, CS)])
        pltpu.sync_copy(g_hbm.at[sel_v.at[pl.ds(CS, NSEL - CS)]],
                        rows1.at[pl.ds(0, NSEL - CS)])
        pltpu.sync_copy(rows1.at[pl.ds(0, NSEL - CS)],
                        g2_out.at[pl.ds(CS, NSEL - CS)])

    @pl.when((sid == 1) & (cid == 1))
    def _sel_dinv():
        pltpu.sync_copy(sel_hbm.at[pl.ds(0, NSEL)], sel_v)
        pltpu.sync_copy(dinv_hbm.at[sel_v.at[pl.ds(0, CS)]], rows0)
        pltpu.sync_copy(rows0, dinv_out.at[pl.ds(0, CS)])
        pltpu.sync_copy(dinv_hbm.at[sel_v.at[pl.ds(CS, NSEL - CS)]],
                        rows1.at[pl.ds(0, NSEL - CS)])
        pltpu.sync_copy(rows1.at[pl.ds(0, NSEL - CS)],
                        dinv_out.at[pl.ds(CS, NSEL - CS)])



BN = 6272
GRID = NP // BN


def _dense1_body(x_ref, d0_ref, d1_ref, w1_ref, g1_ref, dinv_ref):
    deg = d0_ref[:, :] + d1_ref[:, :] + 1.0
    dinv = lax.rsqrt(deg)
    dinv = dinv * (1.5 - 0.5 * deg * dinv * dinv)
    xw = jnp.dot(x_ref[:, :], w1_ref[:, :], preferred_element_type=jnp.float32)
    g1_ref[:, :] = xw * dinv
    dinv_ref[:, :] = jnp.broadcast_to(dinv, (BN, D))


_dense1 = pl.pallas_call(
    _dense1_body,
    grid=(GRID,),
    in_specs=[
        pl.BlockSpec((BN, D), lambda i: (i, 0)),
        pl.BlockSpec((BN, 1), lambda i: (i, 0)),
        pl.BlockSpec((BN, 1), lambda i: (i, 0)),
        pl.BlockSpec((D, D), lambda i: (0, 0)),
    ],
    out_specs=[
        pl.BlockSpec((BN, D), lambda i: (i, 0)),
        pl.BlockSpec((BN, D), lambda i: (i, 0)),
    ],
    out_shape=[
        jax.ShapeDtypeStruct((NP, D), jnp.float32),
        jax.ShapeDtypeStruct((NP, D), jnp.float32),
    ],
)


def _dense2_body(s1a_ref, s1b_ref, g1_ref, dinv_ref, w2_ref, b1_ref, g2_ref):
    dv = dinv_ref[:, :]
    h1 = (s1a_ref[:, :] + s1b_ref[:, :] + g1_ref[:, :]) * dv + b1_ref[0:1, :]
    h1 = jnp.maximum(h1, 0.0)
    g2_ref[:, :] = jnp.dot(h1 * dv, w2_ref[:, :],
                           preferred_element_type=jnp.float32)


_dense2 = pl.pallas_call(
    _dense2_body,
    grid=(GRID,),
    in_specs=[
        pl.BlockSpec((BN, D), lambda i: (i, 0)),
        pl.BlockSpec((BN, D), lambda i: (i, 0)),
        pl.BlockSpec((BN, D), lambda i: (i, 0)),
        pl.BlockSpec((BN, D), lambda i: (i, 0)),
        pl.BlockSpec((D, D), lambda i: (0, 0)),
        pl.BlockSpec((8, D), lambda i: (0, 0)),
    ],
    out_specs=pl.BlockSpec((BN, D), lambda i: (i, 0)),
    out_shape=jax.ShapeDtypeStruct((NP, D), jnp.float32),
)


def _heads_body(s2a_ref, s2b_ref, g2_ref, dinv_ref, b2_ref,
                f1w_ref, f1b_ref, f2w_ref, f2b_ref, out_ref):
    t = (s2a_ref[0] + s2b_ref[0] + g2_ref[0]) * dinv_ref[0] + b2_ref[0:1, :]
    t = jnp.maximum(t, 0.0)
    hid = jnp.dot(t, f1w_ref[0], preferred_element_type=jnp.float32)
    hid = jnp.maximum(hid + f1b_ref[0, 0:1, :], 0.0)
    out_ref[0] = (jnp.dot(hid, f2w_ref[0], preferred_element_type=jnp.float32)
                  + f2b_ref[0, 0:1, 0:1])


_heads = pl.pallas_call(
    _heads_body,
    grid=(9,),
    in_specs=[
        pl.BlockSpec((1, SPH, D), lambda i: (i, 0, 0)),
        pl.BlockSpec((1, SPH, D), lambda i: (i, 0, 0)),
        pl.BlockSpec((1, SPH, D), lambda i: (i, 0, 0)),
        pl.BlockSpec((1, SPH, D), lambda i: (i, 0, 0)),
        pl.BlockSpec((8, D), lambda i: (0, 0)),
        pl.BlockSpec((1, D, 8), lambda i: (i, 0, 0)),
        pl.BlockSpec((1, 8, 8), lambda i: (i, 0, 0)),
        pl.BlockSpec((1, 8, 1), lambda i: (i, 0, 0)),
        pl.BlockSpec((1, 8, 8), lambda i: (i, 0, 0)),
    ],
    out_specs=pl.BlockSpec((1, SPH, 1), lambda i: (i, 0, 0)),
    out_shape=jax.ShapeDtypeStruct((9, SPH, 1), jnp.float32),
)


def kernel(x, edge_index, y, W1, b1, W2, b2, fc1_W, fc1_b, fc2_W, fc2_b):
    f32 = jnp.float32
    pad_idx = N + (jnp.arange(PAD_E - E, dtype=jnp.int32) % PAD_SPREAD)
    src = jnp.concatenate([edge_index[0], pad_idx]).reshape(EROWS, CS)
    dst = jnp.concatenate([edge_index[1], pad_idx]).reshape(EROWS, CS)
    xp = jnp.pad(x.astype(f32), ((0, NP - N), (0, 0)))
    zeros1 = jnp.zeros((RPS,), f32)
    zeros2 = jnp.zeros((RPS, D), f32)
    ones_c = jnp.ones((CS,), f32)
    sel = jnp.concatenate([jnp.asarray(SEL_IDX), jnp.asarray(SEL_IDX) + NP])

    degp = _deg_kernel(dst, zeros1, ones_c)
    d0 = degp[:NP].reshape(NP, 1)
    d1 = degp[NP:].reshape(NP, 1)

    g1, dinv = _dense1(xp, d0, d1, W1)
    s1a, s1b = _segsum1_kernel(g1, src, dst, zeros2)
    g2 = _dense2(s1a, s1b, g1, dinv, W2,
                 jnp.broadcast_to(b1, (8, D)))
    s2sel, g2sel, dinvsel, _ = _segsum2_kernel(
        g2, src, dst, zeros2, dinv, sel)

    outs = _heads(
        s2sel[:NSEL].reshape(9, SPH, D),
        s2sel[NSEL:].reshape(9, SPH, D),
        g2sel.reshape(9, SPH, D),
        dinvsel.reshape(9, SPH, D),
        jnp.broadcast_to(b2, (8, D)),
        fc1_W,
        jnp.broadcast_to(fc1_b[:, None, :], (9, 8, 8)),
        fc2_W,
        jnp.broadcast_to(fc2_b[:, :, None], (9, 8, 8)),
    )
    return tuple(outs[i, :70, :] for i in range(9))

# --- scband reference (transcript-rebuilt; emitter-appended) ---
"""Pipeline reference for scband-multi-gcninference-network-29643864277061 (READ-ONLY COPY).

The authoritative reference and input builder live on the scoring server;
editing this copy changes nothing except your own understanding.
"""

import jax, jax.numpy as jnp
import numpy as np

N_NODES = 100100
N_EDGES = 3203200
D_IN = 16
N_BLOCKS = 70
BLOCK = 1430


def gcn_conv(x, edge_index, W, b):
    n = x.shape[0]
    src = edge_index[0]
    dst = edge_index[1]
    loop = jnp.arange(n, dtype=src.dtype)
    src = jnp.concatenate([src, loop])
    dst = jnp.concatenate([dst, loop])
    h = x @ W
    deg = jnp.zeros((n,), x.dtype).at[dst].add(1.0)
    dinv = jax.lax.rsqrt(jnp.maximum(deg, 1e-12))
    norm = dinv[src] * dinv[dst]
    msg = h[src] * norm[:, None]
    out = jnp.zeros((n, h.shape[1]), h.dtype).at[dst].add(msg)
    return out + b


def setup_inputs(seed: int = 0) -> dict:
    key = jax.random.key(seed)
    ks = jax.random.split(key, 12)
    x = jax.random.normal(ks[0], (N_NODES, D_IN), dtype=jnp.float32)
    edge_index = jax.random.randint(ks[1], (2, N_EDGES), 0, N_NODES, dtype=jnp.int32)
    y = jax.random.normal(ks[2], (N_BLOCKS * 9,), dtype=jnp.float32)
    W1 = jax.random.normal(ks[3], (D_IN, 16), dtype=jnp.float32) * (1.0 / np.sqrt(D_IN))
    b1 = jnp.zeros((16,), jnp.float32)
    W2 = jax.random.normal(ks[4], (16, 16), dtype=jnp.float32) * 0.25
    b2 = jnp.zeros((16,), jnp.float32)
    fc1_W = jax.random.normal(ks[5], (9, 16, 8), dtype=jnp.float32) * 0.25
    fc1_b = jnp.zeros((9, 8), jnp.float32)
    fc2_W = jax.random.normal(ks[6], (9, 8, 1), dtype=jnp.float32) * (1.0 / np.sqrt(8))
    fc2_b = jnp.zeros((9, 1), jnp.float32)
    return {"x": x, "edge_index": edge_index, "y": y, "W1": W1, "b1": b1, "W2": W2, "b2": b2, "fc1_W": fc1_W, "fc1_b": fc1_b, "fc2_W": fc2_W, "fc2_b": fc2_b}


def reference(x, edge_index, y, W1, b1, W2, b2, fc1_W, fc1_b, fc2_W, fc2_b):
    h = jax.nn.relu(gcn_conv(x, edge_index, W1, b1))
    # F.dropout(p=0.4) treated as identity for a deterministic reference
    h = jax.nn.relu(gcn_conv(h, edge_index, W2, b2))
    n_blocks = y.shape[0] // 9
    preds = []
    for i in range(9):
        idx = 1421 + i + jnp.arange(n_blocks) * BLOCK
        t = h[idx]  # gather [n_blocks, 16]
        hid = jax.nn.relu(t @ fc1_W[i] + fc1_b[i])
        preds.append(hid @ fc2_W[i] + fc2_b[i])
    return tuple(preds)

if __name__ == "__main__":
    import jax
    _d = setup_inputs()
    print(jax.jit(kernel)(*tuple(_d.values())))

</pallas_src>

<mosaic_0001>
#map = affine_map<(d0, d1) -> (0, 0)>
#map1 = affine_map<(d0, d1) -> (0)>
module attributes {stable_mosaic.version = 14 : i64} {
  func.func @_segsum2_kernel(%arg0: i32, %arg1: i32, %arg2: memref<100352x16xf32, #tpu.memory_space<hbm>>, %arg3: memref<5184x640xi32, #tpu.memory_space<hbm>>, %arg4: memref<5184x640xi32, #tpu.memory_space<hbm>>, %arg5: memref<6272x16xf32, #tpu.memory_space<hbm>>, %arg6: memref<100352x16xf32, #tpu.memory_space<hbm>>, %arg7: memref<2304xi32, #tpu.memory_space<hbm>>, %arg8: memref<2304x16xf32, #tpu.memory_space<hbm>>, %arg9: memref<1152x16xf32, #tpu.memory_space<hbm>>, %arg10: memref<1152x16xf32, #tpu.memory_space<hbm>>, %arg11: memref<200704x16xf32, #tpu.memory_space<hbm>>, %arg12: memref<100352x16xf32, #tpu.memory_space<vmem_shared>>, %arg13: memref<6x640xi32, #tpu.memory_space<vmem>>, %arg14: memref<6x640xi32, #tpu.memory_space<vmem>>, %arg15: memref<640x16xf32, #tpu.memory_space<vmem>>, %arg16: memref<640x16xf32, #tpu.memory_space<vmem>>, %arg17: memref<!tpu.dma_semaphore, #tpu.memory_space<semaphore_mem>>, %arg18: memref<!tpu.dma_semaphore, #tpu.memory_space<semaphore_mem>>, %arg19: memref<!tpu.dma_semaphore, #tpu.memory_space<semaphore_mem>>, %arg20: memref<!tpu.dma_semaphore, #tpu.memory_space<semaphore_mem>>, %arg21: memref<1152xi32, #tpu.memory_space<vmem>>) attributes {dimension_semantics = [#tpu.dimension_semantics<core_parallel>, #tpu.dimension_semantics<subcore_parallel>], iteration_bounds = array<i64: 2, 16>, scalar_prefetch = 0 : i64, scratch_operands = 10 : i64, tpu.core_type = #tpu.core_type<sc_vector_subcore>, window_params = [{transform_indices = #map}, {transform_indices = #map}, {transform_indices = #map}, {transform_indices = #map}, {transform_indices = #map}, {transform_indices = #map1}, {transform_indices = #map}, {transform_indices = #map}, {transform_indices = #map}, {transform_indices = #map}]} {
    %mul3A = arith.constant 2 : i32
    %mul3A_0 = arith.muli %arg1, %mul3A : i32
    %add3A = arith.addi %mul3A_0, %arg0 : i32
    %mul3A_1 = arith.constant 6272 : i32
    %mul3A_2 = arith.muli %arg1, %mul3A_1 : i32
    "tpu.region"() ({
      %run_scoped3A = tpu.sem_alloc : memref<!tpu.dma_semaphore, #tpu.memory_space<semaphore_mem>>
      %dma_start3A = arith.constant 0 : i32
      %dma_start3A_43 = tpu.memref_slice %arg12[%mul3A_2, %dma_start3A] : memref<100352x16xf32, #tpu.memory_space<vmem_shared>> -> memref<6272x16xf32, #tpu.memory_space<vmem_shared>>
      tpu.enqueue_dma source(%arg5 : memref<6272x16xf32, #tpu.memory_space<hbm>>) target(%dma_start3A_43 : memref<6272x16xf32, #tpu.memory_space<vmem_shared>>) target_semaphore(%run_scoped3A : memref<!tpu.dma_semaphore, #tpu.memory_space<semaphore_mem>>)
      %dma_wait3A_44 = arith.constant 0 : i32
      %dma_wait3A_45 = tpu.memref_slice %arg12[%mul3A_2, %dma_wait3A_44] : memref<100352x16xf32, #tpu.memory_space<vmem_shared>> -> memref<6272x16xf32, #tpu.memory_space<vmem_shared>>
      tpu.wait_dma2 semaphore(%run_scoped3A : memref<!tpu.dma_semaphore, #tpu.memory_space<semaphore_mem>>) src(%arg5 : memref<6272x16xf32, #tpu.memory_space<hbm>>) dst(%dma_wait3A_45 : memref<6272x16xf32, #tpu.memory_space<vmem_shared>>)
      tpu.yield
    }) : () -> ()
    %barrier3A = arith.constant 0 : index
    tpu.barrier barrier_id(%barrier3A)
    %scan3A = arith.constant 0 : i32
    %scan3A_3 = arith.constant 0 : i32
    %scan3A_4 = arith.constant 27 : i32
    %scan3A_5 = arith.addi %scan3A_3, %scan3A_4 : i32
    %scan3A_6 = arith.constant 1 : i32
    scf.for %scan3A_43 = %scan3A_3 to %scan3A_5 step %scan3A_6  : i32 {
      %gt3A = arith.constant 0 : i32
      %gt3A_44 = arith.cmpi sgt, %scan3A_43, %gt3A : i32
      %convert_element_type3A_45 = arith.extui %gt3A_44 : i1 to i32
      %cond3A_46 = arith.constant 0 : i32
      %cond3A_47 = arith.cmpi ne, %convert_element_type3A_45, %cond3A_46 : i32
      scf.if %cond3A_47 {
        %dma_wait3A_206 = arith.constant 4 : i32
        %dma_wait3A_207 = arith.constant 0 : i32
        %dma_wait3A_208 = tpu.memref_slice %arg14[%dma_wait3A_206, %dma_wait3A_207] : memref<6x640xi32, #tpu.memory_space<vmem>> -> memref<1x640xi32, #tpu.memory_space<vmem>>
        %dma_wait3A_209 = tpu.memref_squeeze %dma_wait3A_208 : memref<1x640xi32, #tpu.memory_space<vmem>> -> memref<640xi32, #tpu.memory_space<vmem>>
        %dma_wait3A_210 = arith.constant 0 : i32
        %dma_wait3A_211 = arith.constant 0 : i32
        %dma_wait3A_212 = tpu.memref_slice %arg12[%dma_wait3A_210, %dma_wait3A_211] : memref<100352x16xf32, #tpu.memory_space<vmem_shared>> -> memref<100352x16xf32, #tpu.memory_space<vmem_shared>>
        tpu.wait_indirect_dma semaphore(%arg19 : memref<!tpu.dma_semaphore, #tpu.memory_space<semaphore_mem>>) src(%arg15 : memref<640x16xf32, #tpu.memory_space<vmem>>) dst(%dma_wait3A_212 : memref<100352x16xf32, #tpu.memory_space<vmem_shared>>)
        %dma_wait3A_213 = arith.constant 5 : i32
        %dma_wait3A_214 = arith.constant 0 : i32
        %dma_wait3A_215 = tpu.memref_slice %arg14[%dma_wait3A_213, %dma_wait3A_214] : memref<6x640xi32, #tpu.memory_space<vmem>> -> memref<1x640xi32, #tpu.memory_space<vmem>>
        %dma_wait3A_216 = tpu.memref_squeeze %dma_wait3A_215 : memref<1x640xi32, #tpu.memory_space<vmem>> -> memref<640xi32, #tpu.memory_space<vmem>>
        %dma_wait3A_217 = arith.constant 0 : i32
        %dma_wait3A_218 = arith.constant 0 : i32
        %dma_wait3A_219 = tpu.memref_slice %arg12[%dma_wait3A_217, %dma_wait3A_218] : memref<100352x16xf32, #tpu.memory_space<vmem_shared>> -> memref<100352x16xf32, #tpu.memory_space<vmem_shared>>
        tpu.wait_indirect_dma semaphore(%arg20 : memref<!tpu.dma_semaphore, #tpu.memory_space<semaphore_mem>>) src(%arg16 : memref<640x16xf32, #tpu.memory_space<vmem>>) dst(%dma_wait3A_219 : memref<100352x16xf32, #tpu.memory_space<vmem_shared>>)
      } else {
      }
      %mul3A_48 = arith.constant 162 : i32
      %mul3A_49 = arith.muli %add3A, %mul3A_48 : i32
      %mul3A_50 = arith.constant 6 : i32
      %mul3A_51 = arith.muli %scan3A_43, %mul3A_50 : i32
      %add3A_52 = arith.addi %mul3A_49, %mul3A_51 : i32
      "tpu.region"() ({
        %run_scoped3A = tpu.sem_alloc : memref<!tpu.dma_semaphore, #tpu.memory_space<semaphore_mem>>
        %dma_start3A_206 = arith.constant 0 : i32
        %dma_start3A_207 = tpu.memref_slice %arg3[%add3A_52, %dma_start3A_206] : memref<5184x640xi32, #tpu.memory_space<hbm>> -> memref<6x640xi32, #tpu.memory_space<hbm>>
        %dma_start3A_208 = arith.constant 0 : i32
        %dma_start3A_209 = tpu.memref_slice %arg3[%add3A_52, %dma_start3A_208] : memref<5184x640xi32, #tpu.memory_space<hbm>> -> memref<6x640xi32, #tpu.memory_space<hbm>>
        tpu.enqueue_dma source(%dma_start3A_209 : memref<6x640xi32, #tpu.memory_space<hbm>>) target(%arg13 : memref<6x640xi32, #tpu.memory_space<vmem>>) target_semaphore(%run_scoped3A : memref<!tpu.dma_semaphore, #tpu.memory_space<semaphore_mem>>)
        %dma_wait3A_210 = arith.constant 0 : i32
        %dma_wait3A_211 = tpu.memref_slice %arg3[%add3A_52, %dma_wait3A_210] : memref<5184x640xi32, #tpu.memory_space<hbm>> -> memref<6x640xi32, #tpu.memory_space<hbm>>
        %dma_wait3A_212 = arith.constant 0 : i32
        %dma_wait3A_213 = tpu.memref_slice %arg3[%add3A_52, %dma_wait3A_212] : memref<5184x640xi32, #tpu.memory_space<hbm>> -> memref<6x640xi32, #tpu.memory_space<hbm>>
        tpu.wait_dma2 semaphore(%run_scoped3A : memref<!tpu.dma_semaphore, #tpu.memory_space<semaphore_mem>>) src(%dma_wait3A_213 : memref<6x640xi32, #tpu.memory_space<hbm>>) dst(%arg13 : memref<6x640xi32, #tpu.memory_space<vmem>>)
        tpu.yield
      }) : () -> ()
      "tpu.region"() ({
        %run_scoped3A = tpu.sem_alloc : memref<!tpu.dma_semaphore, #tpu.memory_space<semaphore_mem>>
        %dma_start3A_206 = arith.constant 0 : i32
        %dma_start3A_207 = tpu.memref_slice %arg4[%add3A_52, %dma_start3A_206] : memref<5184x640xi32, #tpu.memory_space<hbm>> -> memref<6x640xi32, #tpu.memory_space<hbm>>
        %dma_start3A_208 = arith.constant 0 : i32
        %dma_start3A_209 = tpu.memref_slice %arg4[%add3A_52, %dma_start3A_208] : memref<5184x640xi32, #tpu.memory_space<hbm>> -> memref<6x640xi32, #tpu.memory_space<hbm>>
        tpu.enqueue_dma source(%dma_start3A_209 : memref<6x640xi32, #tpu.memory_space<hbm>>) target(%arg14 : memref<6x640xi32, #tpu.memory_space<vmem>>) target_semaphore(%run_scoped3A : memref<!tpu.dma_semaphore, #tpu.memory_space<semaphore_mem>>)
        %dma_wait3A_210 = arith.constant 0 : i32
        %dma_wait3A_211 = tpu.memref_slice %arg4[%add3A_52, %dma_wait3A_210] : memref<5184x640xi32, #tpu.memory_space<hbm>> -> memref<6x640xi32, #tpu.memory_space<hbm>>
        %dma_wait3A_212 = arith.constant 0 : i32
        %dma_wait3A_213 = tpu.memref_slice %arg4[%add3A_52, %dma_wait3A_212] : memref<5184x640xi32, #tpu.memory_space<hbm>> -> memref<6x640xi32, #tpu.memory_space<hbm>>
        tpu.wait_dma2 semaphore(%run_scoped3A : memref<!tpu.dma_semaphore, #tpu.memory_space<semaphore_mem>>) src(%dma_wait3A_213 : memref<6x640xi32, #tpu.memory_space<hbm>>) dst(%arg14 : memref<6x640xi32, #tpu.memory_space<vmem>>)
        tpu.yield
      }) : () -> ()
      %dma_start3A = arith.constant 0 : i32
      %dma_start3A_53 = arith.constant 0 : i32
      %dma_start3A_54 = tpu.memref_slice %arg13[%dma_start3A, %dma_start3A_53] : memref<6x640xi32, #tpu.memory_space<vmem>> -> memref<1x640xi32, #tpu.memory_space<vmem>>
      %dma_start3A_55 = tpu.memref_squeeze %dma_start3A_54 : memref<1x640xi32, #tpu.memory_space<vmem>> -> memref<640xi32, #tpu.memory_space<vmem>>
      %dma_start3A_56 = arith.constant 0 : i32
      %dma_start3A_57 = arith.constant 0 : i32
      %dma_start3A_58 = tpu.memref_slice %arg2[%dma_start3A_56, %dma_start3A_57] : memref<100352x16xf32, #tpu.memory_space<hbm>> -> memref<100352x16xf32, #tpu.memory_space<hbm>>
      tpu.enqueue_indirect_dma source(%dma_start3A_58 : memref<100352x16xf32, #tpu.memory_space<hbm>>) target(%arg15 : memref<640x16xf32, #tpu.memory_space<vmem>>) offsets(%dma_start3A_55 : memref<640xi32, #tpu.memory_space<vmem>>) semaphore(%arg17 : memref<!tpu.dma_semaphore, #tpu.memory_space<semaphore_mem>>)
      %dma_start3A_59 = arith.constant 1 : i32
      %dma_start3A_60 = arith.constant 0 : i32
      %dma_start3A_61 = tpu.memref_slice %arg13[%dma_start3A_59, %dma_start3A_60] : memref<6x640xi32, #tpu.memory_space<vmem>> -> memref<1x640xi32, #tpu.memory_space<vmem>>
      %dma_start3A_62 = tpu.memref_squeeze %dma_start3A_61 : memref<1x640xi32, #tpu.memory_space<vmem>> -> memref<640xi32, #tpu.memory_space<vmem>>
      %dma_start3A_63 = arith.constant 0 : i32
      %dma_start3A_64 = arith.constant 0 : i32
      %dma_start3A_65 = tpu.memref_slice %arg2[%dma_start3A_63, %dma_start3A_64] : memref<100352x16xf32, #tpu.memory_space<hbm>> -> memref<100352x16xf32, #tpu.memory_space<hbm>>
      tpu.enqueue_indirect_dma source(%dma_start3A_65 : memref<100352x16xf32, #tpu.memory_space<hbm>>) target(%arg16 : memref<640x16xf32, #tpu.memory_space<vmem>>) offsets(%dma_start3A_62 : memref<640xi32, #tpu.memory_space<vmem>>) semaphore(%arg18 : memref<!tpu.dma_semaphore, #tpu.memory_space<semaphore_mem>>)
      %dma_wait3A_66 = arith.constant 0 : i32
      %dma_wait3A_67 = arith.constant 0 : i32
      %dma_wait3A_68 = tpu.memref_slice %arg13[%dma_wait3A_66, %dma_wait3A_67] : memref<6x640xi32, #tpu.memory_space<vmem>> -> memref<1x640xi32, #tpu.memory_space<vmem>>
      %dma_wait3A_69 = tpu.memref_squeeze %dma_wait3A_68 : memref<1x640xi32, #tpu.memory_space<vmem>> -> memref<640xi32, #tpu.memory_space<vmem>>
      %dma_wait3A_70 = arith.constant 0 : i32
      %dma_wait3A_71 = arith.constant 0 : i32
      %dma_wait3A_72 = tpu.memref_slice %arg2[%dma_wait3A_70, %dma_wait3A_71] : memref<100352x16xf32, #tpu.memory_space<hbm>> -> memref<100352x16xf32, #tpu.memory_space<hbm>>
      tpu.wait_indirect_dma semaphore(%arg17 : memref<!tpu.dma_semaphore, #tpu.memory_space<semaphore_mem>>) src(%dma_wait3A_72 : memref<100352x16xf32, #tpu.memory_space<hbm>>) dst(%arg15 : memref<640x16xf32, #tpu.memory_space<vmem>>)
      %dma_start3A_73 = arith.constant 0 : i32
      %dma_start3A_74 = arith.constant 0 : i32
      %dma_start3A_75 = tpu.memref_slice %arg14[%dma_start3A_73, %dma_start3A_74] : memref<6x640xi32, #tpu.memory_space<vmem>> -> memref<1x640xi32, #tpu.memory_space<vmem>>
      %dma_start3A_76 = tpu.memref_squeeze %dma_start3A_75 : memref<1x640xi32, #tpu.memory_space<vmem>> -> memref<640xi32, #tpu.memory_space<vmem>>
      %dma_start3A_77 = arith.constant 0 : i32
      %dma_start3A_78 = arith.constant 0 : i32
      %dma_start3A_79 = tpu.memref_slice %arg12[%dma_start3A_77, %dma_start3A_78] : memref<100352x16xf32, #tpu.memory_space<vmem_shared>> -> memref<100352x16xf32, #tpu.memory_space<vmem_shared>>
      tpu.enqueue_indirect_dma source(%arg15 : memref<640x16xf32, #tpu.memory_space<vmem>>) target(%dma_start3A_79 : memref<100352x16xf32, #tpu.memory_space<vmem_shared>>) offsets(%dma_start3A_76 : memref<640xi32, #tpu.memory_space<vmem>>) semaphore(%arg19 : memref<!tpu.dma_semaphore, #tpu.memory_space<semaphore_mem>>) {add = true}
      %dma_wait3A_80 = arith.constant 0 : i32
      %dma_wait3A_81 = arith.constant 0 : i32
      %dma_wait3A_82 = tpu.memref_slice %arg14[%dma_wait3A_80, %dma_wait3A_81] : memref<6x640xi32, #tpu.memory_space<vmem>> -> memref<1x640xi32, #tpu.memory_space<vmem>>
      %dma_wait3A_83 = tpu.memref_squeeze %dma_wait3A_82 : memref<1x640xi32, #tpu.memory_space<vmem>> -> memref<640xi32, #tpu.memory_space<vmem>>
      %dma_wait3A_84 = arith.constant 0 : i32
      %dma_wait3A_85 = arith.constant 0 : i32
      %dma_wait3A_86 = tpu.memref_slice %arg12[%dma_wait3A_84, %dma_wait3A_85] : memref<100352x16xf32, #tpu.memory_space<vmem_shared>> -> memref<100352x16xf32, #tpu.memory_space<vmem_shared>>
      tpu.wait_indirect_dma semaphore(%arg19 : memref<!tpu.dma_semaphore, #tpu.memory_space<semaphore_mem>>) src(%arg15 : memref<640x16xf32, #tpu.memory_space<vmem>>) dst(%dma_wait3A_86 : memref<100352x16xf32, #tpu.memory_space<vmem_shared>>)
      %dma_start3A_87 = arith.constant 2 : i32
      %dma_start3A_88 = arith.constant 0 : i32
      %dma_start3A_89 = tpu.memref_slice %arg13[%dma_start3A_87, %dma_start3A_88] : memref<6x640xi32, #tpu.memory_space<vmem>> -> memref<1x640xi32, #tpu.memory_space<vmem>>
      %dma_start3A_90 = tpu.memref_squeeze %dma_start3A_89 : memref<1x640xi32, #tpu.memory_space<vmem>> -> memref<640xi32, #tpu.memory_space<vmem>>
      %dma_start3A_91 = arith.constant 0 : i32
      %dma_start3A_92 = arith.constant 0 : i32
      %dma_start3A_93 = tpu.memref_slice %arg2[%dma_start3A_91, %dma_start3A_92] : memref<100352x16xf32, #tpu.memory_space<hbm>> -> memref<100352x16xf32, #tpu.memory_space<hbm>>
      tpu.enqueue_indirect_dma source(%dma_start3A_93 : memref<100352x16xf32, #tpu.memory_space<hbm>>) target(%arg15 : memref<640x16xf32, #tpu.memory_space<vmem>>) offsets(%dma_start3A_90 : memref<640xi32, #tpu.memory_space<vmem>>) semaphore(%arg17 : memref<!tpu.dma_semaphore, #tpu.memory_space<semaphore_mem>>)
      %dma_wait3A_94 = arith.constant 1 : i32
      %dma_wait3A_95 = arith.constant 0 : i32
      %dma_wait3A_96 = tpu.memref_slice %arg13[%dma_wait3A_94, %dma_wait3A_95] : memref<6x640xi32, #tpu.memory_space<vmem>> -> memref<1x640xi32, #tpu.memory_space<vmem>>
      %dma_wait3A_97 = tpu.memref_squeeze %dma_wait3A_96 : memref<1x640xi32, #tpu.memory_space<vmem>> -> memref<640xi32, #tpu.memory_space<vmem>>
      %dma_wait3A_98 = arith.constant 0 : i32
      %dma_wait3A_99 = arith.constant 0 : i32
      %dma_wait3A_100 = tpu.memref_slice %arg2[%dma_wait3A_98, %dma_wait3A_99] : memref<100352x16xf32, #tpu.memory_space<hbm>> -> memref<100352x16xf32, #tpu.memory_space<hbm>>
      tpu.wait_indirect_dma semaphore(%arg18 : memref<!tpu.dma_semaphore, #tpu.memory_space<semaphore_mem>>) src(%dma_wait3A_100 : memref<100352x16xf32, #tpu.memory_space<hbm>>) dst(%arg16 : memref<640x16xf32, #tpu.memory_space<vmem>>)
      %dma_start3A_101 = arith.constant 1 : i32
      %dma_start3A_102 = arith.constant 0 : i32
      %dma_start3A_103 = tpu.memref_slice %arg14[%dma_start3A_101, %dma_start3A_102] : memref<6x640xi32, #tpu.memory_space<vmem>> -> memref<1x640xi32, #tpu.memory_space<vmem>>
      %dma_start3A_104 = tpu.memref_squeeze %dma_start3A_103 : memref<1x640xi32, #tpu.memory_space<vmem>> -> memref<640xi32, #tpu.memory_space<vmem>>
      %dma_start3A_105 = arith.constant 0 : i32
      %dma_start3A_106 = arith.constant 0 : i32
      %dma_start3A_107 = tpu.memref_slice %arg12[%dma_start3A_105, %dma_start3A_106] : memref<100352x16xf32, #tpu.memory_space<vmem_shared>> -> memref<100352x16xf32, #tpu.memory_space<vmem_shared>>
      tpu.enqueue_indirect_dma source(%arg16 : memref<640x16xf32, #tpu.memory_space<vmem>>) target(%dma_start3A_107 : memref<100352x16xf32, #tpu.memory_space<vmem_shared>>) offsets(%dma_start3A_104 : memref<640xi32, #tpu.memory_space<vmem>>) semaphore(%arg20 : memref<!tpu.dma_semaphore, #tpu.memory_space<semaphore_mem>>) {add = true}
      %dma_wait3A_108 = arith.constant 1 : i32
      %dma_wait3A_109 = arith.constant 0 : i32
      %dma_wait3A_110 = tpu.memref_slice %arg14[%dma_wait3A_108, %dma_wait3A_109] : memref<6x640xi32, #tpu.memory_space<vmem>> -> memref<1x640xi32, #tpu.memory_space<vmem>>
      %dma_wait3A_111 = tpu.memref_squeeze %dma_wait3A_110 : memref<1x640xi32, #tpu.memory_space<vmem>> -> memref<640xi32, #tpu.memory_space<vmem>>
      %dma_wait3A_112 = arith.constant 0 : i32
      %dma_wait3A_113 = arith.constant 0 : i32
      %dma_wait3A_114 = tpu.memref_slice %arg12[%dma_wait3A_112, %dma_wait3A_113] : memref<100352x16xf32, #tpu.memory_space<vmem_shared>> -> memref<100352x16xf32, #tpu.memory_space<vmem_shared>>
      tpu.wait_indirect_dma semaphore(%arg20 : memref<!tpu.dma_semaphore, #tpu.memory_space<semaphore_mem>>) src(%arg16 : memref<640x16xf32, #tpu.memory_space<vmem>>) dst(%dma_wait3A_114 : memref<100352x16xf32, #tpu.memory_space<vmem_shared>>)
      %dma_start3A_115 = arith.constant 3 : i32
      %dma_start3A_116 = arith.constant 0 : i32
      %dma_start3A_117 = tpu.memref_slice %arg13[%dma_start3A_115, %dma_start3A_116] : memref<6x640xi32, #tpu.memory_space<vmem>> -> memref<1x640xi32, #tpu.memory_space<vmem>>
      %dma_start3A_118 = tpu.memref_squeeze %dma_start3A_117 : memref<1x640xi32, #tpu.memory_space<vmem>> -> memref<640xi32, #tpu.memory_space<vmem>>
      %dma_start3A_119 = arith.constant 0 : i32
      %dma_start3A_120 = arith.constant 0 : i32
      %dma_start3A_121 = tpu.memref_slice %arg2[%dma_start3A_119, %dma_start3A_120] : memref<100352x16xf32, #tpu.memory_space<hbm>> -> memref<100352x16xf32, #tpu.memory_space<hbm>>
      tpu.enqueue_indirect_dma source(%dma_start3A_121 : memref<100352x16xf32, #tpu.memory_space<hbm>>) target(%arg16 : memref<640x16xf32, #tpu.memory_space<vmem>>) offsets(%dma_start3A_118 : memref<640xi32, #tpu.memory_space<vmem>>) semaphore(%arg18 : memref<!tpu.dma_semaphore, #tpu.memory_space<semaphore_mem>>)
      %dma_wait3A_122 = arith.constant 2 : i32
      %dma_wait3A_123 = arith.constant 0 : i32
      %dma_wait3A_124 = tpu.memref_slice %arg13[%dma_wait3A_122, %dma_wait3A_123] : memref<6x640xi32, #tpu.memory_space<vmem>> -> memref<1x640xi32, #tpu.memory_space<vmem>>
      %dma_wait3A_125 = tpu.memref_squeeze %dma_wait3A_124 : memref<1x640xi32, #tpu.memory_space<vmem>> -> memref<640xi32, #tpu.memory_space<vmem>>
      %dma_wait3A_126 = arith.constant 0 : i32
      %dma_wait3A_127 = arith.constant 0 : i32
      %dma_wait3A_128 = tpu.memref_slice %arg2[%dma_wait3A_126, %dma_wait3A_127] : memref<100352x16xf32, #tpu.memory_space<hbm>> -> memref<100352x16xf32, #tpu.memory_space<hbm>>
      tpu.wait_indirect_dma semaphore(%arg17 : memref<!tpu.dma_semaphore, #tpu.memory_space<semaphore_mem>>) src(%dma_wait3A_128 : memref<100352x16xf32, #tpu.memory_space<hbm>>) dst(%arg15 : memref<640x16xf32, #tpu.memory_space<vmem>>)
      %dma_start3A_129 = arith.constant 2 : i32
      %dma_start3A_130 = arith.constant 0 : i32
      %dma_start3A_131 = tpu.memref_slice %arg14[%dma_start3A_129, %dma_start3A_130] : memref<6x640xi32, #tpu.memory_space<vmem>> -> memref<1x640xi32, #tpu.memory_space<vmem>>
      %dma_start3A_132 = tpu.memref_squeeze %dma_start3A_131 : memref<1x640xi32, #tpu.memory_space<vmem>> -> memref<640xi32, #tpu.memory_space<vmem>>
      %dma_start3A_133 = arith.constant 0 : i32
      %dma_start3A_134 = arith.constant 0 : i32
      %dma_start3A_135 = tpu.memref_slice %arg12[%dma_start3A_133, %dma_start3A_134] : memref<100352x16xf32, #tpu.memory_space<vmem_shared>> -> memref<100352x16xf32, #tpu.memory_space<vmem_shared>>
      tpu.enqueue_indirect_dma source(%arg15 : memref<640x16xf32, #tpu.memory_space<vmem>>) target(%dma_start3A_135 : memref<100352x16xf32, #tpu.memory_space<vmem_shared>>) offsets(%dma_start3A_132 : memref<640xi32, #tpu.memory_space<vmem>>) semaphore(%arg19 : memref<!tpu.dma_semaphore, #tpu.memory_space<semaphore_mem>>) {add = true}
      %dma_wait3A_136 = arith.constant 2 : i32
      %dma_wait3A_137 = arith.constant 0 : i32
      %dma_wait3A_138 = tpu.memref_slice %arg14[%dma_wait3A_136, %dma_wait3A_137] : memref<6x640xi32, #tpu.memory_space<vmem>> -> memref<1x640xi32, #tpu.memory_space<vmem>>
      %dma_wait3A_139 = tpu.memref_squeeze %dma_wait3A_138 : memref<1x640xi32, #tpu.memory_space<vmem>> -> memref<640xi32, #tpu.memory_space<vmem>>
      %dma_wait3A_140 = arith.constant 0 : i32
      %dma_wait3A_141 = arith.constant 0 : i32
      %dma_wait3A_142 = tpu.memref_slice %arg12[%dma_wait3A_140, %dma_wait3A_141] : memref<100352x16xf32, #tpu.memory_space<vmem_shared>> -> memref<100352x16xf32, #tpu.memory_space<vmem_shared>>
      tpu.wait_indirect_dma semaphore(%arg19 : memref<!tpu.dma_semaphore, #tpu.memory_space<semaphore_mem>>) src(%arg15 : memref<640x16xf32, #tpu.memory_space<vmem>>) dst(%dma_wait3A_142 : memref<100352x16xf32, #tpu.memory_space<vmem_shared>>)
      %dma_start3A_143 = arith.constant 4 : i32
      %dma_start3A_144 = arith.constant 0 : i32
      %dma_start3A_145 = tpu.memref_slice %arg13[%dma_start3A_143, %dma_start3A_144] : memref<6x640xi32, #tpu.memory_space<vmem>> -> memref<1x640xi32, #tpu.memory_space<vmem>>
      %dma_start3A_146 = tpu.memref_squeeze %dma_start3A_145 : memref<1x640xi32, #tpu.memory_space<vmem>> -> memref<640xi32, #tpu.memory_space<vmem>>
      %dma_start3A_147 = arith.constant 0 : i32
      %dma_start3A_148 = arith.constant 0 : i32
      %dma_start3A_149 = tpu.memref_slice %arg2[%dma_start3A_147, %dma_start3A_148] : memref<100352x16xf32, #tpu.memory_space<hbm>> -> memref<100352x16xf32, #tpu.memory_space<hbm>>
      tpu.enqueue_indirect_dma source(%dma_start3A_149 : memref<100352x16xf32, #tpu.memory_space<hbm>>) target(%arg15 : memref<640x16xf32, #tpu.memory_space<vmem>>) offsets(%dma_start3A_146 : memref<640xi32, #tpu.memory_space<vmem>>) semaphore(%arg17 : memref<!tpu.dma_semaphore, #tpu.memory_space<semaphore_mem>>)
      %dma_wait3A_150 = arith.constant 3 : i32
      %dma_wait3A_151 = arith.constant 0 : i32
      %dma_wait3A_152 = tpu.memref_slice %arg13[%dma_wait3A_150, %dma_wait3A_151] : memref<6x640xi32, #tpu.memory_space<vmem>> -> memref<1x640xi32, #tpu.memory_space<vmem>>
      %dma_wait3A_153 = tpu.memref_squeeze %dma_wait3A_152 : memref<1x640xi32, #tpu.memory_space<vmem>> -> memref<640xi32, #tpu.memory_space<vmem>>
      %dma_wait3A_154 = arith.constant 0 : i32
      %dma_wait3A_155 = arith.constant 0 : i32
      %dma_wait3A_156 = tpu.memref_slice %arg2[%dma_wait3A_154, %dma_wait3A_155] : memref<100352x16xf32, #tpu.memory_space<hbm>> -> memref<100352x16xf32, #tpu.memory_space<hbm>>
      tpu.wait_indirect_dma semaphore(%arg18 : memref<!tpu.dma_semaphore, #tpu.memory_space<semaphore_mem>>) src(%dma_wait3A_156 : memref<100352x16xf32, #tpu.memory_space<hbm>>) dst(%arg16 : memref<640x16xf32, #tpu.memory_space<vmem>>)
      %dma_start3A_157 = arith.constant 3 : i32
      %dma_start3A_158 = arith.constant 0 : i32
      %dma_start3A_159 = tpu.memref_slice %arg14[%dma_start3A_157, %dma_start3A_158] : memref<6x640xi32, #tpu.memory_space<vmem>> -> memref<1x640xi32, #tpu.memory_space<vmem>>
      %dma_start3A_160 = tpu.memref_squeeze %dma_start3A_159 : memref<1x640xi32, #tpu.memory_space<vmem>> -> memref<640xi32, #tpu.memory_space<vmem>>
      %dma_start3A_161 = arith.constant 0 : i32
      %dma_start3A_162 = arith.constant 0 : i32
      %dma_start3A_163 = tpu.memref_slice %arg12[%dma_start3A_161, %dma_start3A_162] : memref<100352x16xf32, #tpu.memory_space<vmem_shared>> -> memref<100352x16xf32, #tpu.memory_space<vmem_shared>>
      tpu.enqueue_indirect_dma source(%arg16 : memref<640x16xf32, #tpu.memory_space<vmem>>) target(%dma_start3A_163 : memref<100352x16xf32, #tpu.memory_space<vmem_shared>>) offsets(%dma_start3A_160 : memref<640xi32, #tpu.memory_space<vmem>>) semaphore(%arg20 : memref<!tpu.dma_semaphore, #tpu.memory_space<semaphore_mem>>) {add = true}
      %dma_wait3A_164 = arith.constant 3 : i32
      %dma_wait3A_165 = arith.constant 0 : i32
      %dma_wait3A_166 = tpu.memref_slice %arg14[%dma_wait3A_164, %dma_wait3A_165] : memref<6x640xi32, #tpu.memory_space<vmem>> -> memref<1x640xi32, #tpu.memory_space<vmem>>
      %dma_wait3A_167 = tpu.memref_squeeze %dma_wait3A_166 : memref<1x640xi32, #tpu.memory_space<vmem>> -> memref<640xi32, #tpu.memory_space<vmem>>
      %dma_wait3A_168 = arith.constant 0 : i32
      %dma_wait3A_169 = arith.constant 0 : i32
      %dma_wait3A_170 = tpu.memref_slice %arg12[%dma_wait3A_168, %dma_wait3A_169] : memref<100352x16xf32, #tpu.memory_space<vmem_shared>> -> memref<100352x16xf32, #tpu.memory_space<vmem_shared>>
      tpu.wait_indirect_dma semaphore(%arg20 : memref<!tpu.dma_semaphore, #tpu.memory_space<semaphore_mem>>) src(%arg16 : memref<640x16xf32, #tpu.memory_space<vmem>>) dst(%dma_wait3A_170 : memref<100352x16xf32, #tpu.memory_space<vmem_shared>>)
      %dma_start3A_171 = arith.constant 5 : i32
      %dma_start3A_172 = arith.constant 0 : i32
      %dma_start3A_173 = tpu.memref_slice %arg13[%dma_start3A_171, %dma_start3A_172] : memref<6x640xi32, #tpu.memory_space<vmem>> -> memref<1x640xi32, #tpu.memory_space<vmem>>
      %dma_start3A_174 = tpu.memref_squeeze %dma_start3A_173 : memref<1x640xi32, #tpu.memory_space<vmem>> -> memref<640xi32, #tpu.memory_space<vmem>>
      %dma_start3A_175 = arith.constant 0 : i32
      %dma_start3A_176 = arith.constant 0 : i32
      %dma_start3A_177 = tpu.memref_slice %arg2[%dma_start3A_175, %dma_start3A_176] : memref<100352x16xf32, #tpu.memory_space<hbm>> -> memref<100352x16xf32, #tpu.memory_space<hbm>>
      tpu.enqueue_indirect_dma source(%dma_start3A_177 : memref<100352x16xf32, #tpu.memory_space<hbm>>) target(%arg16 : memref<640x16xf32, #tpu.memory_space<vmem>>) offsets(%dma_start3A_174 : memref<640xi32, #tpu.memory_space<vmem>>) semaphore(%arg18 : memref<!tpu.dma_semaphore, #tpu.memory_space<semaphore_mem>>)
      %dma_wait3A_178 = arith.constant 4 : i32
      %dma_wait3A_179 = arith.constant 0 : i32
      %dma_wait3A_180 = tpu.memref_slice %arg13[%dma_wait3A_178, %dma_wait3A_179] : memref<6x640xi32, #tpu.memory_space<vmem>> -> memref<1x640xi32, #tpu.memory_space<vmem>>
      %dma_wait3A_181 = tpu.memref_squeeze %dma_wait3A_180 : memref<1x640xi32, #tpu.memory_space<vmem>> -> memref<640xi32, #tpu.memory_space<vmem>>
      %dma_wait3A_182 = arith.constant 0 : i32
      %dma_wait3A_183 = arith.constant 0 : i32
      %dma_wait3A_184 = tpu.memref_slice %arg2[%dma_wait3A_182, %dma_wait3A_183] : memref<100352x16xf32, #tpu.memory_space<hbm>> -> memref<100352x16xf32, #tpu.memory_space<hbm>>
      tpu.wait_indirect_dma semaphore(%arg17 : memref<!tpu.dma_semaphore, #tpu.memory_space<semaphore_mem>>) src(%dma_wait3A_184 : memref<100352x16xf32, #tpu.memory_space<hbm>>) dst(%arg15 : memref<640x16xf32, #tpu.memory_space<vmem>>)
      %dma_start3A_185 = arith.constant 4 : i32
      %dma_start3A_186 = arith.constant 0 : i32
      %dma_start3A_187 = tpu.memref_slice %arg14[%dma_start3A_185, %dma_start3A_186] : memref<6x640xi32, #tpu.memory_space<vmem>> -> memref<1x640xi32, #tpu.memory_space<vmem>>
      %dma_start3A_188 = tpu.memref_squeeze %dma_start3A_187 : memref<1x640xi32, #tpu.memory_space<vmem>> -> memref<640xi32, #tpu.memory_space<vmem>>
      %dma_start3A_189 = arith.constant 0 : i32
      %dma_start3A_190 = arith.constant 0 : i32
      %dma_start3A_191 = tpu.memref_slice %arg12[%dma_start3A_189, %dma_start3A_190] : memref<100352x16xf32, #tpu.memory_space<vmem_shared>> -> memref<100352x16xf32, #tpu.memory_space<vmem_shared>>
      tpu.enqueue_indirect_dma source(%arg15 : memref<640x16xf32, #tpu.memory_space<vmem>>) target(%dma_start3A_191 : memref<100352x16xf32, #tpu.memory_space<vmem_shared>>) offsets(%dma_start3A_188 : memref<640xi32, #tpu.memory_space<vmem>>) semaphore(%arg19 : memref<!tpu.dma_semaphore, #tpu.memory_space<semaphore_mem>>) {add = true}
      %dma_wait3A_192 = arith.constant 5 : i32
      %dma_wait3A_193 = arith.constant 0 : i32
      %dma_wait3A_194 = tpu.memref_slice %arg13[%dma_wait3A_192, %dma_wait3A_193] : memref<6x640xi32, #tpu.memory_space<vmem>> -> memref<1x640xi32, #tpu.memory_space<vmem>>
      %dma_wait3A_195 = tpu.memref_squeeze %dma_wait3A_194 : memref<1x640xi32, #tpu.memory_space<vmem>> -> memref<640xi32, #tpu.memory_space<vmem>>
      %dma_wait3A_196 = arith.constant 0 : i32
      %dma_wait3A_197 = arith.constant 0 : i32
      %dma_wait3A_198 = tpu.memref_slice %arg2[%dma_wait3A_196, %dma_wait3A_197] : memref<100352x16xf32, #tpu.memory_space<hbm>> -> memref<100352x16xf32, #tpu.memory_space<hbm>>
      tpu.wait_indirect_dma semaphore(%arg18 : memref<!tpu.dma_semaphore, #tpu.memory_space<semaphore_mem>>) src(%dma_wait3A_198 : memref<100352x16xf32, #tpu.memory_space<hbm>>) dst(%arg16 : memref<640x16xf32, #tpu.memory_space<vmem>>)
      %dma_start3A_199 = arith.constant 5 : i32
      %dma_start3A_200 = arith.constant 0 : i32
      %dma_start3A_201 = tpu.memref_slice %arg14[%dma_start3A_199, %dma_start3A_200] : memref<6x640xi32, #tpu.memory_space<vmem>> -> memref<1x640xi32, #tpu.memory_space<vmem>>
      %dma_start3A_202 = tpu.memref_squeeze %dma_start3A_201 : memref<1x640xi32, #tpu.memory_space<vmem>> -> memref<640xi32, #tpu.memory_space<vmem>>
      %dma_start3A_203 = arith.constant 0 : i32
      %dma_start3A_204 = arith.constant 0 : i32
      %dma_start3A_205 = tpu.memref_slice %arg12[%dma_start3A_203, %dma_start3A_204] : memref<100352x16xf32, #tpu.memory_space<vmem_shared>> -> memref<100352x16xf32, #tpu.memory_space<vmem_shared>>
      tpu.enqueue_indirect_dma source(%arg16 : memref<640x16xf32, #tpu.memory_space<vmem>>) target(%dma_start3A_205 : memref<100352x16xf32, #tpu.memory_space<vmem_shared>>) offsets(%dma_start3A_202 : memref<640xi32, #tpu.memory_space<vmem>>) semaphore(%arg20 : memref<!tpu.dma_semaphore, #tpu.memory_space<semaphore_mem>>) {add = true}
    }
    %scan3A_7 = arith.constant 27 : i32
    %dma_wait3A = arith.constant 4 : i32
    %dma_wait3A_8 = arith.constant 0 : i32
    %dma_wait3A_9 = tpu.memref_slice %arg14[%dma_wait3A, %dma_wait3A_8] : memref<6x640xi32, #tpu.memory_space<vmem>> -> memref<1x640xi32, #tpu.memory_space<vmem>>
    %dma_wait3A_10 = tpu.memref_squeeze %dma_wait3A_9 : memref<1x640xi32, #tpu.memory_space<vmem>> -> memref<640xi32, #tpu.memory_space<vmem>>
    %dma_wait3A_11 = arith.constant 0 : i32
    %dma_wait3A_12 = arith.constant 0 : i32
    %dma_wait3A_13 = tpu.memref_slice %arg12[%dma_wait3A_11, %dma_wait3A_12] : memref<100352x16xf32, #tpu.memory_space<vmem_shared>> -> memref<100352x16xf32, #tpu.memory_space<vmem_shared>>
    tpu.wait_indirect_dma semaphore(%arg19 : memref<!tpu.dma_semaphore, #tpu.memory_space<semaphore_mem>>) src(%arg15 : memref<640x16xf32, #tpu.memory_space<vmem>>) dst(%dma_wait3A_13 : memref<100352x16xf32, #tpu.memory_space<vmem_shared>>)
    %dma_wait3A_14 = arith.constant 5 : i32
    %dma_wait3A_15 = arith.constant 0 : i32
    %dma_wait3A_16 = tpu.memref_slice %arg14[%dma_wait3A_14, %dma_wait3A_15] : memref<6x640xi32, #tpu.memory_space<vmem>> -> memref<1x640xi32, #tpu.memory_space<vmem>>
    %dma_wait3A_17 = tpu.memref_squeeze %dma_wait3A_16 : memref<1x640xi32, #tpu.memory_space<vmem>> -> memref<640xi32, #tpu.memory_space<vmem>>
    %dma_wait3A_18 = arith.constant 0 : i32
    %dma_wait3A_19 = arith.constant 0 : i32
    %dma_wait3A_20 = tpu.memref_slice %arg12[%dma_wait3A_18, %dma_wait3A_19] : memref<100352x16xf32, #tpu.memory_space<vmem_shared>> -> memref<100352x16xf32, #tpu.memory_space<vmem_shared>>
    tpu.wait_indirect_dma semaphore(%arg20 : memref<!tpu.dma_semaphore, #tpu.memory_space<semaphore_mem>>) src(%arg16 : memref<640x16xf32, #tpu.memory_space<vmem>>) dst(%dma_wait3A_20 : memref<100352x16xf32, #tpu.memory_space<vmem_shared>>)
    %barrier3A_21 = arith.constant 0 : index
    tpu.barrier barrier_id(%barrier3A_21)
    %mul3A_22 = arith.constant 100352 : i32
    %mul3A_23 = arith.muli %arg0, %mul3A_22 : i32
    %add3A_24 = arith.addi %mul3A_23, %mul3A_2 : i32
    "tpu.region"() ({
      %run_scoped3A = tpu.sem_alloc : memref<!tpu.dma_semaphore, #tpu.memory_space<semaphore_mem>>
      %dma_start3A = arith.constant 0 : i32
      %dma_start3A_43 = tpu.memref_slice %arg11[%add3A_24, %dma_start3A] : memref<200704x16xf32, #tpu.memory_space<hbm>> -> memref<6272x16xf32, #tpu.memory_space<hbm>>
      %dma_start3A_44 = arith.constant 0 : i32
      %dma_start3A_45 = tpu.memref_slice %arg12[%mul3A_2, %dma_start3A_44] : memref<100352x16xf32, #tpu.memory_space<vmem_shared>> -> memref<6272x16xf32, #tpu.memory_space<vmem_shared>>
      tpu.enqueue_dma source(%dma_start3A_45 : memref<6272x16xf32, #tpu.memory_space<vmem_shared>>) target(%dma_start3A_43 : memref<6272x16xf32, #tpu.memory_space<hbm>>) target_semaphore(%run_scoped3A : memref<!tpu.dma_semaphore, #tpu.memory_space<semaphore_mem>>)
      %dma_wait3A_46 = arith.constant 0 : i32
      %dma_wait3A_47 = tpu.memref_slice %arg11[%add3A_24, %dma_wait3A_46] : memref<200704x16xf32, #tpu.memory_space<hbm>> -> memref<6272x16xf32, #tpu.memory_space<hbm>>
      %dma_wait3A_48 = arith.constant 0 : i32
      %dma_wait3A_49 = tpu.memref_slice %arg12[%mul3A_2, %dma_wait3A_48] : memref<100352x16xf32, #tpu.memory_space<vmem_shared>> -> memref<6272x16xf32, #tpu.memory_space<vmem_shared>>
      tpu.wait_dma2 semaphore(%run_scoped3A : memref<!tpu.dma_semaphore, #tpu.memory_space<semaphore_mem>>) src(%dma_wait3A_49 : memref<6272x16xf32, #tpu.memory_space<vmem_shared>>) dst(%dma_wait3A_47 : memref<6272x16xf32, #tpu.memory_space<hbm>>)
      tpu.yield
    }) : () -> ()
    %barrier3A_25 = arith.constant 0 : index
    tpu.barrier barrier_id(%barrier3A_25)
    %eq3A = arith.constant 0 : i32
    %eq3A_26 = arith.cmpi eq, %arg1, %eq3A : i32
    %convert_element_type3A = arith.extui %eq3A_26 : i1 to i32
    %cond3A = arith.constant 0 : i32
    %cond3A_27 = arith.cmpi ne, %convert_element_type3A, %cond3A : i32
    scf.if %cond3A_27 {
      %mul3A_43 = arith.constant 1152 : i32
      %mul3A_44 = arith.muli %arg0, %mul3A_43 : i32
      "tpu.region"() ({
        %run_scoped3A = tpu.sem_alloc : memref<!tpu.dma_semaphore, #tpu.memory_space<semaphore_mem>>
        %dma_start3A = tpu.memref_slice %arg7[%mul3A_44] : memref<2304xi32, #tpu.memory_space<hbm>> -> memref<1152xi32, #tpu.memory_space<hbm>>
        %dma_start3A_51 = tpu.memref_slice %arg7[%mul3A_44] : memref<2304xi32, #tpu.memory_space<hbm>> -> memref<1152xi32, #tpu.memory_space<hbm>>
        tpu.enqueue_dma source(%dma_start3A_51 : memref<1152xi32, #tpu.memory_space<hbm>>) target(%arg21 : memref<1152xi32, #tpu.memory_space<vmem>>) target_semaphore(%run_scoped3A : memref<!tpu.dma_semaphore, #tpu.memory_space<semaphore_mem>>)
        %dma_wait3A_52 = tpu.memref_slice %arg7[%mul3A_44] : memref<2304xi32, #tpu.memory_space<hbm>> -> memref<1152xi32, #tpu.memory_space<hbm>>
        %dma_wait3A_53 = tpu.memref_slice %arg7[%mul3A_44] : memref<2304xi32, #tpu.memory_space<hbm>> -> memref<1152xi32, #tpu.memory_space<hbm>>
        tpu.wait_dma2 semaphore(%run_scoped3A : memref<!tpu.dma_semaphore, #tpu.memory_space<semaphore_mem>>) src(%dma_wait3A_53 : memref<1152xi32, #tpu.memory_space<hbm>>) dst(%arg21 : memref<1152xi32, #tpu.memory_space<vmem>>)
        tpu.yield
      }) : () -> ()
      "tpu.region"() ({
        %run_scoped3A = tpu.sem_alloc : memref<!tpu.dma_semaphore, #tpu.memory_space<semaphore_mem>>
        %dma_start3A = arith.constant 0 : i32
        %dma_start3A_51 = tpu.memref_slice %arg21[%dma_start3A] : memref<1152xi32, #tpu.memory_space<vmem>> -> memref<640xi32, #tpu.memory_space<vmem>>
        %dma_start3A_52 = arith.constant 0 : i32
        %dma_start3A_53 = arith.constant 0 : i32
        %dma_start3A_54 = tpu.memref_slice %arg11[%dma_start3A_52, %dma_start3A_53] : memref<200704x16xf32, #tpu.memory_space<hbm>> -> memref<200704x16xf32, #tpu.memory_space<hbm>>
        tpu.enqueue_indirect_dma source(%dma_start3A_54 : memref<200704x16xf32, #tpu.memory_space<hbm>>) target(%arg15 : memref<640x16xf32, #tpu.memory_space<vmem>>) offsets(%dma_start3A_51 : memref<640xi32, #tpu.memory_space<vmem>>) semaphore(%run_scoped3A : memref<!tpu.dma_semaphore, #tpu.memory_space<semaphore_mem>>)
        %dma_wait3A_55 = arith.constant 0 : i32
        %dma_wait3A_56 = tpu.memref_slice %arg21[%dma_wait3A_55] : memref<1152xi32, #tpu.memory_space<vmem>> -> memref<640xi32, #tpu.memory_space<vmem>>
        %dma_wait3A_57 = arith.constant 0 : i32
        %dma_wait3A_58 = arith.constant 0 : i32
        %dma_wait3A_59 = tpu.memref_slice %arg11[%dma_wait3A_57, %dma_wait3A_58] : memref<200704x16xf32, #tpu.memory_space<hbm>> -> memref<200704x16xf32, #tpu.memory_space<hbm>>
        tpu.wait_indirect_dma semaphore(%run_scoped3A : memref<!tpu.dma_semaphore, #tpu.memory_space<semaphore_mem>>) src(%dma_wait3A_59 : memref<200704x16xf32, #tpu.memory_space<hbm>>) dst(%arg15 : memref<640x16xf32, #tpu.memory_space<vmem>>)
        tpu.yield
      }) : () -> ()
      %mul3A_45 = arith.constant 1152 : i32
      %mul3A_46 = arith.muli %arg0, %mul3A_45 : i32
      "tpu.region"() ({
        %run_scoped3A = tpu.sem_alloc : memref<!tpu.dma_semaphore, #tpu.memory_space<semaphore_mem>>
        %dma_start3A = arith.constant 0 : i32
        %dma_start3A_51 = tpu.memref_slice %arg8[%mul3A_46, %dma_start3A] : memref<2304x16xf32, #tpu.memory_space<hbm>> -> memref<640x16xf32, #tpu.memory_space<hbm>>
        %dma_start3A_52 = arith.constant 0 : i32
        %dma_start3A_53 = tpu.memref_slice %arg8[%mul3A_46, %dma_start3A_52] : memref<2304x16xf32, #tpu.memory_space<hbm>> -> memref<640x16xf32, #tpu.memory_space<hbm>>
        tpu.enqueue_dma source(%arg15 : memref<640x16xf32, #tpu.memory_space<vmem>>) target(%dma_start3A_53 : memref<640x16xf32, #tpu.memory_space<hbm>>) target_semaphore(%run_scoped3A : memref<!tpu.dma_semaphore, #tpu.memory_space<semaphore_mem>>)
        %dma_wait3A_54 = arith.constant 0 : i32
        %dma_wait3A_55 = tpu.memref_slice %arg8[%mul3A_46, %dma_wait3A_54] : memref<2304x16xf32, #tpu.memory_space<hbm>> -> memref<640x16xf32, #tpu.memory_space<hbm>>
        %dma_wait3A_56 = arith.constant 0 : i32
        %dma_wait3A_57 = tpu.memref_slice %arg8[%mul3A_46, %dma_wait3A_56] : memref<2304x16xf32, #tpu.memory_space<hbm>> -> memref<640x16xf32, #tpu.memory_space<hbm>>
        tpu.wait_dma2 semaphore(%run_scoped3A : memref<!tpu.dma_semaphore, #tpu.memory_space<semaphore_mem>>) src(%arg15 : memref<640x16xf32, #tpu.memory_space<vmem>>) dst(%dma_wait3A_57 : memref<640x16xf32, #tpu.memory_space<hbm>>)
        tpu.yield
      }) : () -> ()
      "tpu.region"() ({
        %run_scoped3A = tpu.sem_alloc : memref<!tpu.dma_semaphore, #tpu.memory_space<semaphore_mem>>
        %dma_start3A = arith.constant 0 : i32
        %dma_start3A_51 = arith.constant 0 : i32
        %dma_start3A_52 = tpu.memref_slice %arg16[%dma_start3A, %dma_start3A_51] : memref<640x16xf32, #tpu.memory_space<vmem>> -> memref<512x16xf32, #tpu.memory_space<vmem>>
        %dma_start3A_53 = arith.constant 640 : i32
        %dma_start3A_54 = tpu.memref_slice %arg21[%dma_start3A_53] : memref<1152xi32, #tpu.memory_space<vmem>> -> memref<512xi32, #tpu.memory_space<vmem>>
        %dma_start3A_55 = arith.constant 0 : i32
        %dma_start3A_56 = arith.constant 0 : i32
        %dma_start3A_57 = tpu.memref_slice %arg11[%dma_start3A_55, %dma_start3A_56] : memref<200704x16xf32, #tpu.memory_space<hbm>> -> memref<200704x16xf32, #tpu.memory_space<hbm>>
        tpu.enqueue_indirect_dma source(%dma_start3A_57 : memref<200704x16xf32, #tpu.memory_space<hbm>>) target(%dma_start3A_52 : memref<512x16xf32, #tpu.memory_space<vmem>>) offsets(%dma_start3A_54 : memref<512xi32, #tpu.memory_space<vmem>>) semaphore(%run_scoped3A : memref<!tpu.dma_semaphore, #tpu.memory_space<semaphore_mem>>)
        %dma_wait3A_58 = arith.constant 0 : i32
        %dma_wait3A_59 = arith.constant 0 : i32
        %dma_wait3A_60 = tpu.memref_slice %arg16[%dma_wait3A_58, %dma_wait3A_59] : memref<640x16xf32, #tpu.memory_space<vmem>> -> memref<512x16xf32, #tpu.memory_space<vmem>>
        %dma_wait3A_61 = arith.constant 640 : i32
        %dma_wait3A_62 = tpu.memref_slice %arg21[%dma_wait3A_61] : memref<1152xi32, #tpu.memory_space<vmem>> -> memref<512xi32, #tpu.memory_space<vmem>>
        %dma_wait3A_63 = arith.constant 0 : i32
        %dma_wait3A_64 = arith.constant 0 : i32
        %dma_wait3A_65 = tpu.memref_slice %arg11[%dma_wait3A_63, %dma_wait3A_64] : memref<200704x16xf32, #tpu.memory_space<hbm>> -> memref<200704x16xf32, #tpu.memory_space<hbm>>
        tpu.wait_indirect_dma semaphore(%run_scoped3A : memref<!tpu.dma_semaphore, #tpu.memory_space<semaphore_mem>>) src(%dma_wait3A_65 : memref<200704x16xf32, #tpu.memory_space<hbm>>) dst(%dma_wait3A_60 : memref<512x16xf32, #tpu.memory_space<vmem>>)
        tpu.yield
      }) : () -> ()
      %mul3A_47 = arith.constant 1152 : i32
      %mul3A_48 = arith.muli %arg0, %mul3A_47 : i32
      %add3A_49 = arith.constant 640 : i32
      %add3A_50 = arith.addi %mul3A_48, %add3A_49 : i32
      "tpu.region"() ({
        %run_scoped3A = tpu.sem_alloc : memref<!tpu.dma_semaphore, #tpu.memory_space<semaphore_mem>>
        %dma_start3A = arith.constant 0 : i32
        %dma_start3A_51 = arith.constant 0 : i32
        %dma_start3A_52 = tpu.memref_slice %arg16[%dma_start3A, %dma_start3A_51] : memref<640x16xf32, #tpu.memory_space<vmem>> -> memref<512x16xf32, #tpu.memory_space<vmem>>
        %dma_start3A_53 = arith.constant 0 : i32
        %dma_start3A_54 = tpu.memref_slice %arg8[%add3A_50, %dma_start3A_53] : memref<2304x16xf32, #tpu.memory_space<hbm>> -> memref<512x16xf32, #tpu.memory_space<hbm>>
        %dma_start3A_55 = arith.constant 0 : i32
        %dma_start3A_56 = tpu.memref_slice %arg8[%add3A_50, %dma_start3A_55] : memref<2304x16xf32, #tpu.memory_space<hbm>> -> memref<512x16xf32, #tpu.memory_space<hbm>>
        %dma_start3A_57 = arith.constant 0 : i32
        %dma_start3A_58 = arith.constant 0 : i32
        %dma_start3A_59 = tpu.memref_slice %arg16[%dma_start3A_57, %dma_start3A_58] : memref<640x16xf32, #tpu.memory_space<vmem>> -> memref<512x16xf32, #tpu.memory_space<vmem>>
        tpu.enqueue_dma source(%dma_start3A_59 : memref<512x16xf32, #tpu.memory_space<vmem>>) target(%dma_start3A_56 : memref<512x16xf32, #tpu.memory_space<hbm>>) target_semaphore(%run_scoped3A : memref<!tpu.dma_semaphore, #tpu.memory_space<semaphore_mem>>)
        %dma_wait3A_60 = arith.constant 0 : i32
        %dma_wait3A_61 = arith.constant 0 : i32
        %dma_wait3A_62 = tpu.memref_slice %arg16[%dma_wait3A_60, %dma_wait3A_61] : memref<640x16xf32, #tpu.memory_space<vmem>> -> memref<512x16xf32, #tpu.memory_space<vmem>>
        %dma_wait3A_63 = arith.constant 0 : i32
        %dma_wait3A_64 = tpu.memref_slice %arg8[%add3A_50, %dma_wait3A_63] : memref<2304x16xf32, #tpu.memory_space<hbm>> -> memref<512x16xf32, #tpu.memory_space<hbm>>
        %dma_wait3A_65 = arith.constant 0 : i32
        %dma_wait3A_66 = tpu.memref_slice %arg8[%add3A_50, %dma_wait3A_65] : memref<2304x16xf32, #tpu.memory_space<hbm>> -> memref<512x16xf32, #tpu.memory_space<hbm>>
        %dma_wait3A_67 = arith.constant 0 : i32
        %dma_wait3A_68 = arith.constant 0 : i32
        %dma_wait3A_69 = tpu.memref_slice %arg16[%dma_wait3A_67, %dma_wait3A_68] : memref<640x16xf32, #tpu.memory_space<vmem>> -> memref<512x16xf32, #tpu.memory_space<vmem>>
        tpu.wait_dma2 semaphore(%run_scoped3A : memref<!tpu.dma_semaphore, #tpu.memory_space<semaphore_mem>>) src(%dma_wait3A_69 : memref<512x16xf32, #tpu.memory_space<vmem>>) dst(%dma_wait3A_66 : memref<512x16xf32, #tpu.memory_space<hbm>>)
        tpu.yield
      }) : () -> ()
    } else {
    }
    %eq3A_28 = arith.constant 1 : i32
    %eq3A_29 = arith.cmpi eq, %arg1, %eq3A_28 : i32
    %eq3A_30 = arith.constant 0 : i32
    %eq3A_31 = arith.cmpi eq, %arg0, %eq3A_30 : i32
    %and3A = arith.andi %eq3A_29, %eq3A_31 : i1
    %convert_element_type3A_32 = arith.extui %and3A : i1 to i32
    %cond3A_33 = arith.constant 0 : i32
    %cond3A_34 = arith.cmpi ne, %convert_element_type3A_32, %cond3A_33 : i32
    scf.if %cond3A_34 {
      "tpu.region"() ({
        %run_scoped3A = tpu.sem_alloc : memref<!tpu.dma_semaphore, #tpu.memory_space<semaphore_mem>>
        %dma_start3A = arith.constant 0 : i32
        %dma_start3A_43 = tpu.memref_slice %arg7[%dma_start3A] : memref<2304xi32, #tpu.memory_space<hbm>> -> memref<1152xi32, #tpu.memory_space<hbm>>
        %dma_start3A_44 = arith.constant 0 : i32
        %dma_start3A_45 = tpu.memref_slice %arg7[%dma_start3A_44] : memref<2304xi32, #tpu.memory_space<hbm>> -> memref<1152xi32, #tpu.memory_space<hbm>>
        tpu.enqueue_dma source(%dma_start3A_45 : memref<1152xi32, #tpu.memory_space<hbm>>) target(%arg21 : memref<1152xi32, #tpu.memory_space<vmem>>) target_semaphore(%run_scoped3A : memref<!tpu.dma_semaphore, #tpu.memory_space<semaphore_mem>>)
        %dma_wait3A_46 = arith.constant 0 : i32
        %dma_wait3A_47 = tpu.memref_slice %arg7[%dma_wait3A_46] : memref<2304xi32, #tpu.memory_space<hbm>> -> memref<1152xi32, #tpu.memory_space<hbm>>
        %dma_wait3A_48 = arith.constant 0 : i32
        %dma_wait3A_49 = tpu.memref_slice %arg7[%dma_wait3A_48] : memref<2304xi32, #tpu.memory_space<hbm>> -> memref<1152xi32, #tpu.memory_space<hbm>>
        tpu.wait_dma2 semaphore(%run_scoped3A : memref<!tpu.dma_semaphore, #tpu.memory_space<semaphore_mem>>) src(%dma_wait3A_49 : memref<1152xi32, #tpu.memory_space<hbm>>) dst(%arg21 : memref<1152xi32, #tpu.memory_space<vmem>>)
        tpu.yield
      }) : () -> ()
      "tpu.region"() ({
        %run_scoped3A = tpu.sem_alloc : memref<!tpu.dma_semaphore, #tpu.memory_space<semaphore_mem>>
        %dma_start3A = arith.constant 0 : i32
        %dma_start3A_43 = tpu.memref_slice %arg21[%dma_start3A] : memref<1152xi32, #tpu.memory_space<vmem>> -> memref<640xi32, #tpu.memory_space<vmem>>
        %dma_start3A_44 = arith.constant 0 : i32
        %dma_start3A_45 = arith.constant 0 : i32
        %dma_start3A_46 = tpu.memref_slice %arg2[%dma_start3A_44, %dma_start3A_45] : memref<100352x16xf32, #tpu.memory_space<hbm>> -> memref<100352x16xf32, #tpu.memory_space<hbm>>
        tpu.enqueue_indirect_dma source(%dma_start3A_46 : memref<100352x16xf32, #tpu.memory_space<hbm>>) target(%arg15 : memref<640x16xf32, #tpu.memory_space<vmem>>) offsets(%dma_start3A_43 : memref<640xi32, #tpu.memory_space<vmem>>) semaphore(%run_scoped3A : memref<!tpu.dma_semaphore, #tpu.memory_space<semaphore_mem>>)
        %dma_wait3A_47 = arith.constant 0 : i32
        %dma_wait3A_48 = tpu.memref_slice %arg21[%dma_wait3A_47] : memref<1152xi32, #tpu.memory_space<vmem>> -> memref<640xi32, #tpu.memory_space<vmem>>
        %dma_wait3A_49 = arith.constant 0 : i32
        %dma_wait3A_50 = arith.constant 0 : i32
        %dma_wait3A_51 = tpu.memref_slice %arg2[%dma_wait3A_49, %dma_wait3A_50] : memref<100352x16xf32, #tpu.memory_space<hbm>> -> memref<100352x16xf32, #tpu.memory_space<hbm>>
        tpu.wait_indirect_dma semaphore(%run_scoped3A : memref<!tpu.dma_semaphore, #tpu.memory_space<semaphore_mem>>) src(%dma_wait3A_51 : memref<100352x16xf32, #tpu.memory_space<hbm>>) dst(%arg15 : memref<640x16xf32, #tpu.memory_space<vmem>>)
        tpu.yield
      }) : () -> ()
      "tpu.region"() ({
        %run_scoped3A = tpu.sem_alloc : memref<!tpu.dma_semaphore, #tpu.memory_space<semaphore_mem>>
        %dma_start3A = arith.constant 0 : i32
        %dma_start3A_43 = arith.constant 0 : i32
        %dma_start3A_44 = tpu.memref_slice %arg9[%dma_start3A, %dma_start3A_43] : memref<1152x16xf32, #tpu.memory_space<hbm>> -> memref<640x16xf32, #tpu.memory_space<hbm>>
        %dma_start3A_45 = arith.constant 0 : i32
        %dma_start3A_46 = arith.constant 0 : i32
        %dma_start3A_47 = tpu.memref_slice %arg9[%dma_start3A_45, %dma_start3A_46] : memref<1152x16xf32, #tpu.memory_space<hbm>> -> memref<640x16xf32, #tpu.memory_space<hbm>>
        tpu.enqueue_dma source(%arg15 : memref<640x16xf32, #tpu.memory_space<vmem>>) target(%dma_start3A_47 : memref<640x16xf32, #tpu.memory_space<hbm>>) target_semaphore(%run_scoped3A : memref<!tpu.dma_semaphore, #tpu.memory_space<semaphore_mem>>)
        %dma_wait3A_48 = arith.constant 0 : i32
        %dma_wait3A_49 = arith.constant 0 : i32
        %dma_wait3A_50 = tpu.memref_slice %arg9[%dma_wait3A_48, %dma_wait3A_49] : memref<1152x16xf32, #tpu.memory_space<hbm>> -> memref<640x16xf32, #tpu.memory_space<hbm>>
        %dma_wait3A_51 = arith.constant 0 : i32
        %dma_wait3A_52 = arith.constant 0 : i32
        %dma_wait3A_53 = tpu.memref_slice %arg9[%dma_wait3A_51, %dma_wait3A_52] : memref<1152x16xf32, #tpu.memory_space<hbm>> -> memref<640x16xf32, #tpu.memory_space<hbm>>
        tpu.wait_dma2 semaphore(%run_scoped3A : memref<!tpu.dma_semaphore, #tpu.memory_space<semaphore_mem>>) src(%arg15 : memref<640x16xf32, #tpu.memory_space<vmem>>) dst(%dma_wait3A_53 : memref<640x16xf32, #tpu.memory_space<hbm>>)
        tpu.yield
      }) : () -> ()
      "tpu.region"() ({
        %run_scoped3A = tpu.sem_alloc : memref<!tpu.dma_semaphore, #tpu.memory_space<semaphore_mem>>
        %dma_start3A = arith.constant 0 : i32
        %dma_start3A_43 = arith.constant 0 : i32
        %dma_start3A_44 = tpu.memref_slice %arg16[%dma_start3A, %dma_start3A_43] : memref<640x16xf32, #tpu.memory_space<vmem>> -> memref<512x16xf32, #tpu.memory_space<vmem>>
        %dma_start3A_45 = arith.constant 640 : i32
        %dma_start3A_46 = tpu.memref_slice %arg21[%dma_start3A_45] : memref<1152xi32, #tpu.memory_space<vmem>> -> memref<512xi32, #tpu.memory_space<vmem>>
        %dma_start3A_47 = arith.constant 0 : i32
        %dma_start3A_48 = arith.constant 0 : i32
        %dma_start3A_49 = tpu.memref_slice %arg2[%dma_start3A_47, %dma_start3A_48] : memref<100352x16xf32, #tpu.memory_space<hbm>> -> memref<100352x16xf32, #tpu.memory_space<hbm>>
        tpu.enqueue_indirect_dma source(%dma_start3A_49 : memref<100352x16xf32, #tpu.memory_space<hbm>>) target(%dma_start3A_44 : memref<512x16xf32, #tpu.memory_space<vmem>>) offsets(%dma_start3A_46 : memref<512xi32, #tpu.memory_space<vmem>>) semaphore(%run_scoped3A : memref<!tpu.dma_semaphore, #tpu.memory_space<semaphore_mem>>)
        %dma_wait3A_50 = arith.constant 0 : i32
        %dma_wait3A_51 = arith.constant 0 : i32
        %dma_wait3A_52 = tpu.memref_slice %arg16[%dma_wait3A_50, %dma_wait3A_51] : memref<640x16xf32, #tpu.memory_space<vmem>> -> memref<512x16xf32, #tpu.memory_space<vmem>>
        %dma_wait3A_53 = arith.constant 640 : i32
        %dma_wait3A_54 = tpu.memref_slice %arg21[%dma_wait3A_53] : memref<1152xi32, #tpu.memory_space<vmem>> -> memref<512xi32, #tpu.memory_space<vmem>>
        %dma_wait3A_55 = arith.constant 0 : i32
        %dma_wait3A_56 = arith.constant 0 : i32
        %dma_wait3A_57 = tpu.memref_slice %arg2[%dma_wait3A_55, %dma_wait3A_56] : memref<100352x16xf32, #tpu.memory_space<hbm>> -> memref<100352x16xf32, #tpu.memory_space<hbm>>
        tpu.wait_indirect_dma semaphore(%run_scoped3A : memref<!tpu.dma_semaphore, #tpu.memory_space<semaphore_mem>>) src(%dma_wait3A_57 : memref<100352x16xf32, #tpu.memory_space<hbm>>) dst(%dma_wait3A_52 : memref<512x16xf32, #tpu.memory_space<vmem>>)
        tpu.yield
      }) : () -> ()
      "tpu.region"() ({
        %run_scoped3A = tpu.sem_alloc : memref<!tpu.dma_semaphore, #tpu.memory_space<semaphore_mem>>
        %dma_start3A = arith.constant 0 : i32
        %dma_start3A_43 = arith.constant 0 : i32
        %dma_start3A_44 = tpu.memref_slice %arg16[%dma_start3A, %dma_start3A_43] : memref<640x16xf32, #tpu.memory_space<vmem>> -> memref<512x16xf32, #tpu.memory_space<vmem>>
        %dma_start3A_45 = arith.constant 640 : i32
        %dma_start3A_46 = arith.constant 0 : i32
        %dma_start3A_47 = tpu.memref_slice %arg9[%dma_start3A_45, %dma_start3A_46] : memref<1152x16xf32, #tpu.memory_space<hbm>> -> memref<512x16xf32, #tpu.memory_space<hbm>>
        %dma_start3A_48 = arith.constant 640 : i32
        %dma_start3A_49 = arith.constant 0 : i32
        %dma_start3A_50 = tpu.memref_slice %arg9[%dma_start3A_48, %dma_start3A_49] : memref<1152x16xf32, #tpu.memory_space<hbm>> -> memref<512x16xf32, #tpu.memory_space<hbm>>
        %dma_start3A_51 = arith.constant 0 : i32
        %dma_start3A_52 = arith.constant 0 : i32
        %dma_start3A_53 = tpu.memref_slice %arg16[%dma_start3A_51, %dma_start3A_52] : memref<640x16xf32, #tpu.memory_space<vmem>> -> memref<512x16xf32, #tpu.memory_space<vmem>>
        tpu.enqueue_dma source(%dma_start3A_53 : memref<512x16xf32, #tpu.memory_space<vmem>>) target(%dma_start3A_50 : memref<512x16xf32, #tpu.memory_space<hbm>>) target_semaphore(%run_scoped3A : memref<!tpu.dma_semaphore, #tpu.memory_space<semaphore_mem>>)
        %dma_wait3A_54 = arith.constant 0 : i32
        %dma_wait3A_55 = arith.constant 0 : i32
        %dma_wait3A_56 = tpu.memref_slice %arg16[%dma_wait3A_54, %dma_wait3A_55] : memref<640x16xf32, #tpu.memory_space<vmem>> -> memref<512x16xf32, #tpu.memory_space<vmem>>
        %dma_wait3A_57 = arith.constant 640 : i32
        %dma_wait3A_58 = arith.constant 0 : i32
        %dma_wait3A_59 = tpu.memref_slice %arg9[%dma_wait3A_57, %dma_wait3A_58] : memref<1152x16xf32, #tpu.memory_space<hbm>> -> memref<512x16xf32, #tpu.memory_space<hbm>>
        %dma_wait3A_60 = arith.constant 640 : i32
        %dma_wait3A_61 = arith.constant 0 : i32
        %dma_wait3A_62 = tpu.memref_slice %arg9[%dma_wait3A_60, %dma_wait3A_61] : memref<1152x16xf32, #tpu.memory_space<hbm>> -> memref<512x16xf32, #tpu.memory_space<hbm>>
        %dma_wait3A_63 = arith.constant 0 : i32
        %dma_wait3A_64 = arith.constant 0 : i32
        %dma_wait3A_65 = tpu.memref_slice %arg16[%dma_wait3A_63, %dma_wait3A_64] : memref<640x16xf32, #tpu.memory_space<vmem>> -> memref<512x16xf32, #tpu.memory_space<vmem>>
        tpu.wait_dma2 semaphore(%run_scoped3A : memref<!tpu.dma_semaphore, #tpu.memory_space<semaphore_mem>>) src(%dma_wait3A_65 : memref<512x16xf32, #tpu.memory_space<vmem>>) dst(%dma_wait3A_62 : memref<512x16xf32, #tpu.memory_space<hbm>>)
        tpu.yield
      }) : () -> ()
    } else {
    }
    %eq3A_35 = arith.constant 1 : i32
    %eq3A_36 = arith.cmpi eq, %arg1, %eq3A_35 : i32
    %eq3A_37 = arith.constant 1 : i32
    %eq3A_38 = arith.cmpi eq, %arg0, %eq3A_37 : i32
    %and3A_39 = arith.andi %eq3A_36, %eq3A_38 : i1
    %convert_element_type3A_40 = arith.extui %and3A_39 : i1 to i32
    %cond3A_41 = arith.constant 0 : i32
    %cond3A_42 = arith.cmpi ne, %convert_element_type3A_40, %cond3A_41 : i32
    scf.if %cond3A_42 {
      "tpu.region"() ({
        %run_scoped3A = tpu.sem_alloc : memref<!tpu.dma_semaphore, #tpu.memory_space<semaphore_mem>>
        %dma_start3A = arith.constant 0 : i32
        %dma_start3A_43 = tpu.memref_slice %arg7[%dma_start3A] : memref<2304xi32, #tpu.memory_space<hbm>> -> memref<1152xi32, #tpu.memory_space<hbm>>
        %dma_start3A_44 = arith.constant 0 : i32
        %dma_start3A_45 = tpu.memref_slice %arg7[%dma_start3A_44] : memref<2304xi32, #tpu.memory_space<hbm>> -> memref<1152xi32, #tpu.memory_space<hbm>>
        tpu.enqueue_dma source(%dma_start3A_45 : memref<1152xi32, #tpu.memory_space<hbm>>) target(%arg21 : memref<1152xi32, #tpu.memory_space<vmem>>) target_semaphore(%run_scoped3A : memref<!tpu.dma_semaphore, #tpu.memory_space<semaphore_mem>>)
        %dma_wait3A_46 = arith.constant 0 : i32
        %dma_wait3A_47 = tpu.memref_slice %arg7[%dma_wait3A_46] : memref<2304xi32, #tpu.memory_space<hbm>> -> memref<1152xi32, #tpu.memory_space<hbm>>
        %dma_wait3A_48 = arith.constant 0 : i32
        %dma_wait3A_49 = tpu.memref_slice %arg7[%dma_wait3A_48] : memref<2304xi32, #tpu.memory_space<hbm>> -> memref<1152xi32, #tpu.memory_space<hbm>>
        tpu.wait_dma2 semaphore(%run_scoped3A : memref<!tpu.dma_semaphore, #tpu.memory_space<semaphore_mem>>) src(%dma_wait3A_49 : memref<1152xi32, #tpu.memory_space<hbm>>) dst(%arg21 : memref<1152xi32, #tpu.memory_space<vmem>>)
        tpu.yield
      }) : () -> ()
      "tpu.region"() ({
        %run_scoped3A = tpu.sem_alloc : memref<!tpu.dma_semaphore, #tpu.memory_space<semaphore_mem>>
        %dma_start3A = arith.constant 0 : i32
        %dma_start3A_43 = tpu.memref_slice %arg21[%dma_start3A] : memref<1152xi32, #tpu.memory_space<vmem>> -> memref<640xi32, #tpu.memory_space<vmem>>
        %dma_start3A_44 = arith.constant 0 : i32
        %dma_start3A_45 = arith.constant 0 : i32
        %dma_start3A_46 = tpu.memref_slice %arg6[%dma_start3A_44, %dma_start3A_45] : memref<100352x16xf32, #tpu.memory_space<hbm>> -> memref<100352x16xf32, #tpu.memory_space<hbm>>
        tpu.enqueue_indirect_dma source(%dma_start3A_46 : memref<100352x16xf32, #tpu.memory_space<hbm>>) target(%arg15 : memref<640x16xf32, #tpu.memory_space<vmem>>) offsets(%dma_start3A_43 : memref<640xi32, #tpu.memory_space<vmem>>) semaphore(%run_scoped3A : memref<!tpu.dma_semaphore, #tpu.memory_space<semaphore_mem>>)
        %dma_wait3A_47 = arith.constant 0 : i32
        %dma_wait3A_48 = tpu.memref_slice %arg21[%dma_wait3A_47] : memref<1152xi32, #tpu.memory_space<vmem>> -> memref<640xi32, #tpu.memory_space<vmem>>
        %dma_wait3A_49 = arith.constant 0 : i32
        %dma_wait3A_50 = arith.constant 0 : i32
        %dma_wait3A_51 = tpu.memref_slice %arg6[%dma_wait3A_49, %dma_wait3A_50] : memref<100352x16xf32, #tpu.memory_space<hbm>> -> memref<100352x16xf32, #tpu.memory_space<hbm>>
        tpu.wait_indirect_dma semaphore(%run_scoped3A : memref<!tpu.dma_semaphore, #tpu.memory_space<semaphore_mem>>) src(%dma_wait3A_51 : memref<100352x16xf32, #tpu.memory_space<hbm>>) dst(%arg15 : memref<640x16xf32, #tpu.memory_space<vmem>>)
        tpu.yield
      }) : () -> ()
      "tpu.region"() ({
        %run_scoped3A = tpu.sem_alloc : memref<!tpu.dma_semaphore, #tpu.memory_space<semaphore_mem>>
        %dma_start3A = arith.constant 0 : i32
        %dma_start3A_43 = arith.constant 0 : i32
        %dma_start3A_44 = tpu.memref_slice %arg10[%dma_start3A, %dma_start3A_43] : memref<1152x16xf32, #tpu.memory_space<hbm>> -> memref<640x16xf32, #tpu.memory_space<hbm>>
        %dma_start3A_45 = arith.constant 0 : i32
        %dma_start3A_46 = arith.constant 0 : i32
        %dma_start3A_47 = tpu.memref_slice %arg10[%dma_start3A_45, %dma_start3A_46] : memref<1152x16xf32, #tpu.memory_space<hbm>> -> memref<640x16xf32, #tpu.memory_space<hbm>>
        tpu.enqueue_dma source(%arg15 : memref<640x16xf32, #tpu.memory_space<vmem>>) target(%dma_start3A_47 : memref<640x16xf32, #tpu.memory_space<hbm>>) target_semaphore(%run_scoped3A : memref<!tpu.dma_semaphore, #tpu.memory_space<semaphore_mem>>)
        %dma_wait3A_48 = arith.constant 0 : i32
        %dma_wait3A_49 = arith.constant 0 : i32
        %dma_wait3A_50 = tpu.memref_slice %arg10[%dma_wait3A_48, %dma_wait3A_49] : memref<1152x16xf32, #tpu.memory_space<hbm>> -> memref<640x16xf32, #tpu.memory_space<hbm>>
        %dma_wait3A_51 = arith.constant 0 : i32
        %dma_wait3A_52 = arith.constant 0 : i32
        %dma_wait3A_53 = tpu.memref_slice %arg10[%dma_wait3A_51, %dma_wait3A_52] : memref<1152x16xf32, #tpu.memory_space<hbm>> -> memref<640x16xf32, #tpu.memory_space<hbm>>
        tpu.wait_dma2 semaphore(%run_scoped3A : memref<!tpu.dma_semaphore, #tpu.memory_space<semaphore_mem>>) src(%arg15 : memref<640x16xf32, #tpu.memory_space<vmem>>) dst(%dma_wait3A_53 : memref<640x16xf32, #tpu.memory_space<hbm>>)
        tpu.yield
      }) : () -> ()
      "tpu.region"() ({
        %run_scoped3A = tpu.sem_alloc : memref<!tpu.dma_semaphore, #tpu.memory_space<semaphore_mem>>
        %dma_start3A = arith.constant 0 : i32
        %dma_start3A_43 = arith.constant 0 : i32
        %dma_start3A_44 = tpu.memref_slice %arg16[%dma_start3A, %dma_start3A_43] : memref<640x16xf32, #tpu.memory_space<vmem>> -> memref<512x16xf32, #tpu.memory_space<vmem>>
        %dma_start3A_45 = arith.constant 640 : i32
        %dma_start3A_46 = tpu.memref_slice %arg21[%dma_start3A_45] : memref<1152xi32, #tpu.memory_space<vmem>> -> memref<512xi32, #tpu.memory_space<vmem>>
        %dma_start3A_47 = arith.constant 0 : i32
        %dma_start3A_48 = arith.constant 0 : i32
        %dma_start3A_49 = tpu.memref_slice %arg6[%dma_start3A_47, %dma_start3A_48] : memref<100352x16xf32, #tpu.memory_space<hbm>> -> memref<100352x16xf32, #tpu.memory_space<hbm>>
        tpu.enqueue_indirect_dma source(%dma_start3A_49 : memref<100352x16xf32, #tpu.memory_space<hbm>>) target(%dma_start3A_44 : memref<512x16xf32, #tpu.memory_space<vmem>>) offsets(%dma_start3A_46 : memref<512xi32, #tpu.memory_space<vmem>>) semaphore(%run_scoped3A : memref<!tpu.dma_semaphore, #tpu.memory_space<semaphore_mem>>)
        %dma_wait3A_50 = arith.constant 0 : i32
        %dma_wait3A_51 = arith.constant 0 : i32
        %dma_wait3A_52 = tpu.memref_slice %arg16[%dma_wait3A_50, %dma_wait3A_51] : memref<640x16xf32, #tpu.memory_space<vmem>> -> memref<512x16xf32, #tpu.memory_space<vmem>>
        %dma_wait3A_53 = arith.constant 640 : i32
        %dma_wait3A_54 = tpu.memref_slice %arg21[%dma_wait3A_53] : memref<1152xi32, #tpu.memory_space<vmem>> -> memref<512xi32, #tpu.memory_space<vmem>>
        %dma_wait3A_55 = arith.constant 0 : i32
        %dma_wait3A_56 = arith.constant 0 : i32
        %dma_wait3A_57 = tpu.memref_slice %arg6[%dma_wait3A_55, %dma_wait3A_56] : memref<100352x16xf32, #tpu.memory_space<hbm>> -> memref<100352x16xf32, #tpu.memory_space<hbm>>
        tpu.wait_indirect_dma semaphore(%run_scoped3A : memref<!tpu.dma_semaphore, #tpu.memory_space<semaphore_mem>>) src(%dma_wait3A_57 : memref<100352x16xf32, #tpu.memory_space<hbm>>) dst(%dma_wait3A_52 : memref<512x16xf32, #tpu.memory_space<vmem>>)
        tpu.yield
      }) : () -> ()
      "tpu.region"() ({
        %run_scoped3A = tpu.sem_alloc : memref<!tpu.dma_semaphore, #tpu.memory_space<semaphore_mem>>
        %dma_start3A = arith.constant 0 : i32
        %dma_start3A_43 = arith.constant 0 : i32
        %dma_start3A_44 = tpu.memref_slice %arg16[%dma_start3A, %dma_start3A_43] : memref<640x16xf32, #tpu.memory_space<vmem>> -> memref<512x16xf32, #tpu.memory_space<vmem>>
        %dma_start3A_45 = arith.constant 640 : i32
        %dma_start3A_46 = arith.constant 0 : i32
        %dma_start3A_47 = tpu.memref_slice %arg10[%dma_start3A_45, %dma_start3A_46] : memref<1152x16xf32, #tpu.memory_space<hbm>> -> memref<512x16xf32, #tpu.memory_space<hbm>>
        %dma_start3A_48 = arith.constant 640 : i32
        %dma_start3A_49 = arith.constant 0 : i32
        %dma_start3A_50 = tpu.memref_slice %arg10[%dma_start3A_48, %dma_start3A_49] : memref<1152x16xf32, #tpu.memory_space<hbm>> -> memref<512x16xf32, #tpu.memory_space<hbm>>
        %dma_start3A_51 = arith.constant 0 : i32
        %dma_start3A_52 = arith.constant 0 : i32
        %dma_start3A_53 = tpu.memref_slice %arg16[%dma_start3A_51, %dma_start3A_52] : memref<640x16xf32, #tpu.memory_space<vmem>> -> memref<512x16xf32, #tpu.memory_space<vmem>>
        tpu.enqueue_dma source(%dma_start3A_53 : memref<512x16xf32, #tpu.memory_space<vmem>>) target(%dma_start3A_50 : memref<512x16xf32, #tpu.memory_space<hbm>>) target_semaphore(%run_scoped3A : memref<!tpu.dma_semaphore, #tpu.memory_space<semaphore_mem>>)
        %dma_wait3A_54 = arith.constant 0 : i32
        %dma_wait3A_55 = arith.constant 0 : i32
        %dma_wait3A_56 = tpu.memref_slice %arg16[%dma_wait3A_54, %dma_wait3A_55] : memref<640x16xf32, #tpu.memory_space<vmem>> -> memref<512x16xf32, #tpu.memory_space<vmem>>
        %dma_wait3A_57 = arith.constant 640 : i32
        %dma_wait3A_58 = arith.constant 0 : i32
        %dma_wait3A_59 = tpu.memref_slice %arg10[%dma_wait3A_57, %dma_wait3A_58] : memref<1152x16xf32, #tpu.memory_space<hbm>> -> memref<512x16xf32, #tpu.memory_space<hbm>>
        %dma_wait3A_60 = arith.constant 640 : i32
        %dma_wait3A_61 = arith.constant 0 : i32
        %dma_wait3A_62 = tpu.memref_slice %arg10[%dma_wait3A_60, %dma_wait3A_61] : memref<1152x16xf32, #tpu.memory_space<hbm>> -> memref<512x16xf32, #tpu.memory_space<hbm>>
        %dma_wait3A_63 = arith.constant 0 : i32
        %dma_wait3A_64 = arith.constant 0 : i32
        %dma_wait3A_65 = tpu.memref_slice %arg16[%dma_wait3A_63, %dma_wait3A_64] : memref<640x16xf32, #tpu.memory_space<vmem>> -> memref<512x16xf32, #tpu.memory_space<vmem>>
        tpu.wait_dma2 semaphore(%run_scoped3A : memref<!tpu.dma_semaphore, #tpu.memory_space<semaphore_mem>>) src(%dma_wait3A_65 : memref<512x16xf32, #tpu.memory_space<vmem>>) dst(%dma_wait3A_62 : memref<512x16xf32, #tpu.memory_space<hbm>>)
        tpu.yield
      }) : () -> ()
    } else {
    }
    return
  }
}

#map = affine_map<(d0, d1) -> (0, 0)>
module attributes {stable_mosaic.version = 14 : i64} {
  func.func @_segsum1_kernel(%arg0: i32, %arg1: i32, %arg2: memref<100352x16xf32, #tpu.memory_space<hbm>>, %arg3: memref<5184x640xi32, #tpu.memory_space<hbm>>, %arg4: memref<5184x640xi32, #tpu.memory_space<hbm>>, %arg5: memref<6272x16xf32, #tpu.memory_space<hbm>>, %arg6: memref<100352x16xf32, #tpu.memory_space<hbm>>, %arg7: memref<100352x16xf32, #tpu.memory_space<hbm>>, %arg8: memref<100352x16xf32, #tpu.memory_space<vmem_shared>>, %arg9: memref<6x640xi32, #tpu.memory_space<vmem>>, %arg10: memref<6x640xi32, #tpu.memory_space<vmem>>, %arg11: memref<640x16xf32, #tpu.memory_space<vmem>>, %arg12: memref<640x16xf32, #tpu.memory_space<vmem>>, %arg13: memref<!tpu.dma_semaphore, #tpu.memory_space<semaphore_mem>>, %arg14: memref<!tpu.dma_semaphore, #tpu.memory_space<semaphore_mem>>, %arg15: memref<!tpu.dma_semaphore, #tpu.memory_space<semaphore_mem>>, %arg16: memref<!tpu.dma_semaphore, #tpu.memory_space<semaphore_mem>>) attributes {dimension_semantics = [#tpu.dimension_semantics<core_parallel>, #tpu.dimension_semantics<subcore_parallel>], iteration_bounds = array<i64: 2, 16>, scalar_prefetch = 0 : i64, scratch_operands = 9 : i64, tpu.core_type = #tpu.core_type<sc_vector_subcore>, window_params = [{transform_indices = #map}, {transform_indices = #map}, {transform_indices = #map}, {transform_indices = #map}, {transform_indices = #map}, {transform_indices = #map}]} {
    %mul3A = arith.constant 2 : i32
    %mul3A_0 = arith.muli %arg1, %mul3A : i32
    %add3A = arith.addi %mul3A_0, %arg0 : i32
    %mul3A_1 = arith.constant 6272 : i32
    %mul3A_2 = arith.muli %arg1, %mul3A_1 : i32
    "tpu.region"() ({
      %run_scoped3A = tpu.sem_alloc : memref<!tpu.dma_semaphore, #tpu.memory_space<semaphore_mem>>
      %dma_start3A = arith.constant 0 : i32
      %dma_start3A_29 = tpu.memref_slice %arg8[%mul3A_2, %dma_start3A] : memref<100352x16xf32, #tpu.memory_space<vmem_shared>> -> memref<6272x16xf32, #tpu.memory_space<vmem_shared>>
      tpu.enqueue_dma source(%arg5 : memref<6272x16xf32, #tpu.memory_space<hbm>>) target(%dma_start3A_29 : memref<6272x16xf32, #tpu.memory_space<vmem_shared>>) target_semaphore(%run_scoped3A : memref<!tpu.dma_semaphore, #tpu.memory_space<semaphore_mem>>)
      %dma_wait3A_30 = arith.constant 0 : i32
      %dma_wait3A_31 = tpu.memref_slice %arg8[%mul3A_2, %dma_wait3A_30] : memref<100352x16xf32, #tpu.memory_space<vmem_shared>> -> memref<6272x16xf32, #tpu.memory_space<vmem_shared>>
      tpu.wait_dma2 semaphore(%run_scoped3A : memref<!tpu.dma_semaphore, #tpu.memory_space<semaphore_mem>>) src(%arg5 : memref<6272x16xf32, #tpu.memory_space<hbm>>) dst(%dma_wait3A_31 : memref<6272x16xf32, #tpu.memory_space<vmem_shared>>)
      tpu.yield
    }) : () -> ()
    %barrier3A = arith.constant 0 : index
    tpu.barrier barrier_id(%barrier3A)
    %scan3A = arith.constant 0 : i32
    %scan3A_3 = arith.constant 0 : i32
    %scan3A_4 = arith.constant 27 : i32
    %scan3A_5 = arith.addi %scan3A_3, %scan3A_4 : i32
    %scan3A_6 = arith.constant 1 : i32
    scf.for %scan3A_29 = %scan3A_3 to %scan3A_5 step %scan3A_6  : i32 {
      %gt3A = arith.constant 0 : i32
      %gt3A_30 = arith.cmpi sgt, %scan3A_29, %gt3A : i32
      %convert_element_type3A_31 = arith.extui %gt3A_30 : i1 to i32
      %cond3A_32 = arith.constant 0 : i32
      %cond3A_33 = arith.cmpi ne, %convert_element_type3A_31, %cond3A_32 : i32
      scf.if %cond3A_33 {
        %dma_wait3A_192 = arith.constant 4 : i32
        %dma_wait3A_193 = arith.constant 0 : i32
        %dma_wait3A_194 = tpu.memref_slice %arg10[%dma_wait3A_192, %dma_wait3A_193] : memref<6x640xi32, #tpu.memory_space<vmem>> -> memref<1x640xi32, #tpu.memory_space<vmem>>
        %dma_wait3A_195 = tpu.memref_squeeze %dma_wait3A_194 : memref<1x640xi32, #tpu.memory_space<vmem>> -> memref<640xi32, #tpu.memory_space<vmem>>
        %dma_wait3A_196 = arith.constant 0 : i32
        %dma_wait3A_197 = arith.constant 0 : i32
        %dma_wait3A_198 = tpu.memref_slice %arg8[%dma_wait3A_196, %dma_wait3A_197] : memref<100352x16xf32, #tpu.memory_space<vmem_shared>> -> memref<100352x16xf32, #tpu.memory_space<vmem_shared>>
        tpu.wait_indirect_dma semaphore(%arg15 : memref<!tpu.dma_semaphore, #tpu.memory_space<semaphore_mem>>) src(%arg11 : memref<640x16xf32, #tpu.memory_space<vmem>>) dst(%dma_wait3A_198 : memref<100352x16xf32, #tpu.memory_space<vmem_shared>>)
        %dma_wait3A_199 = arith.constant 5 : i32
        %dma_wait3A_200 = arith.constant 0 : i32
        %dma_wait3A_201 = tpu.memref_slice %arg10[%dma_wait3A_199, %dma_wait3A_200] : memref<6x640xi32, #tpu.memory_space<vmem>> -> memref<1x640xi32, #tpu.memory_space<vmem>>
        %dma_wait3A_202 = tpu.memref_squeeze %dma_wait3A_201 : memref<1x640xi32, #tpu.memory_space<vmem>> -> memref<640xi32, #tpu.memory_space<vmem>>
        %dma_wait3A_203 = arith.constant 0 : i32
        %dma_wait3A_204 = arith.constant 0 : i32
        %dma_wait3A_205 = tpu.memref_slice %arg8[%dma_wait3A_203, %dma_wait3A_204] : memref<100352x16xf32, #tpu.memory_space<vmem_shared>> -> memref<100352x16xf32, #tpu.memory_space<vmem_shared>>
        tpu.wait_indirect_dma semaphore(%arg16 : memref<!tpu.dma_semaphore, #tpu.memory_space<semaphore_mem>>) src(%arg12 : memref<640x16xf32, #tpu.memory_space<vmem>>) dst(%dma_wait3A_205 : memref<100352x16xf32, #tpu.memory_space<vmem_shared>>)
      } else {
      }
      %mul3A_34 = arith.constant 162 : i32
      %mul3A_35 = arith.muli %add3A, %mul3A_34 : i32
      %mul3A_36 = arith.constant 6 : i32
      %mul3A_37 = arith.muli %scan3A_29, %mul3A_36 : i32
      %add3A_38 = arith.addi %mul3A_35, %mul3A_37 : i32
      "tpu.region"() ({
        %run_scoped3A = tpu.sem_alloc : memref<!tpu.dma_semaphore, #tpu.memory_space<semaphore_mem>>
        %dma_start3A_192 = arith.constant 0 : i32
        %dma_start3A_193 = tpu.memref_slice %arg3[%add3A_38, %dma_start3A_192] : memref<5184x640xi32, #tpu.memory_space<hbm>> -> memref<6x640xi32, #tpu.memory_space<hbm>>
        %dma_start3A_194 = arith.constant 0 : i32
        %dma_start3A_195 = tpu.memref_slice %arg3[%add3A_38, %dma_start3A_194] : memref<5184x640xi32, #tpu.memory_space<hbm>> -> memref<6x640xi32, #tpu.memory_space<hbm>>
        tpu.enqueue_dma source(%dma_start3A_195 : memref<6x640xi32, #tpu.memory_space<hbm>>) target(%arg9 : memref<6x640xi32, #tpu.memory_space<vmem>>) target_semaphore(%run_scoped3A : memref<!tpu.dma_semaphore, #tpu.memory_space<semaphore_mem>>)
        %dma_wait3A_196 = arith.constant 0 : i32
        %dma_wait3A_197 = tpu.memref_slice %arg3[%add3A_38, %dma_wait3A_196] : memref<5184x640xi32, #tpu.memory_space<hbm>> -> memref<6x640xi32, #tpu.memory_space<hbm>>
        %dma_wait3A_198 = arith.constant 0 : i32
        %dma_wait3A_199 = tpu.memref_slice %arg3[%add3A_38, %dma_wait3A_198] : memref<5184x640xi32, #tpu.memory_space<hbm>> -> memref<6x640xi32, #tpu.memory_space<hbm>>
        tpu.wait_dma2 semaphore(%run_scoped3A : memref<!tpu.dma_semaphore, #tpu.memory_space<semaphore_mem>>) src(%dma_wait3A_199 : memref<6x640xi32, #tpu.memory_space<hbm>>) dst(%arg9 : memref<6x640xi32, #tpu.memory_space<vmem>>)
        tpu.yield
      }) : () -> ()
      "tpu.region"() ({
        %run_scoped3A = tpu.sem_alloc : memref<!tpu.dma_semaphore, #tpu.memory_space<semaphore_mem>>
        %dma_start3A_192 = arith.constant 0 : i32
        %dma_start3A_193 = tpu.memref_slice %arg4[%add3A_38, %dma_start3A_192] : memref<5184x640xi32, #tpu.memory_space<hbm>> -> memref<6x640xi32, #tpu.memory_space<hbm>>
        %dma_start3A_194 = arith.constant 0 : i32
        %dma_start3A_195 = tpu.memref_slice %arg4[%add3A_38, %dma_start3A_194] : memref<5184x640xi32, #tpu.memory_space<hbm>> -> memref<6x640xi32, #tpu.memory_space<hbm>>
        tpu.enqueue_dma source(%dma_start3A_195 : memref<6x640xi32, #tpu.memory_space<hbm>>) target(%arg10 : memref<6x640xi32, #tpu.memory_space<vmem>>) target_semaphore(%run_scoped3A : memref<!tpu.dma_semaphore, #tpu.memory_space<semaphore_mem>>)
        %dma_wait3A_196 = arith.constant 0 : i32
        %dma_wait3A_197 = tpu.memref_slice %arg4[%add3A_38, %dma_wait3A_196] : memref<5184x640xi32, #tpu.memory_space<hbm>> -> memref<6x640xi32, #tpu.memory_space<hbm>>
        %dma_wait3A_198 = arith.constant 0 : i32
        %dma_wait3A_199 = tpu.memref_slice %arg4[%add3A_38, %dma_wait3A_198] : memref<5184x640xi32, #tpu.memory_space<hbm>> -> memref<6x640xi32, #tpu.memory_space<hbm>>
        tpu.wait_dma2 semaphore(%run_scoped3A : memref<!tpu.dma_semaphore, #tpu.memory_space<semaphore_mem>>) src(%dma_wait3A_199 : memref<6x640xi32, #tpu.memory_space<hbm>>) dst(%arg10 : memref<6x640xi32, #tpu.memory_space<vmem>>)
        tpu.yield
      }) : () -> ()
      %dma_start3A = arith.constant 0 : i32
      %dma_start3A_39 = arith.constant 0 : i32
      %dma_start3A_40 = tpu.memref_slice %arg9[%dma_start3A, %dma_start3A_39] : memref<6x640xi32, #tpu.memory_space<vmem>> -> memref<1x640xi32, #tpu.memory_space<vmem>>
      %dma_start3A_41 = tpu.memref_squeeze %dma_start3A_40 : memref<1x640xi32, #tpu.memory_space<vmem>> -> memref<640xi32, #tpu.memory_space<vmem>>
      %dma_start3A_42 = arith.constant 0 : i32
      %dma_start3A_43 = arith.constant 0 : i32
      %dma_start3A_44 = tpu.memref_slice %arg2[%dma_start3A_42, %dma_start3A_43] : memref<100352x16xf32, #tpu.memory_space<hbm>> -> memref<100352x16xf32, #tpu.memory_space<hbm>>
      tpu.enqueue_indirect_dma source(%dma_start3A_44 : memref<100352x16xf32, #tpu.memory_space<hbm>>) target(%arg11 : memref<640x16xf32, #tpu.memory_space<vmem>>) offsets(%dma_start3A_41 : memref<640xi32, #tpu.memory_space<vmem>>) semaphore(%arg13 : memref<!tpu.dma_semaphore, #tpu.memory_space<semaphore_mem>>)
      %dma_start3A_45 = arith.constant 1 : i32
      %dma_start3A_46 = arith.constant 0 : i32
      %dma_start3A_47 = tpu.memref_slice %arg9[%dma_start3A_45, %dma_start3A_46] : memref<6x640xi32, #tpu.memory_space<vmem>> -> memref<1x640xi32, #tpu.memory_space<vmem>>
      %dma_start3A_48 = tpu.memref_squeeze %dma_start3A_47 : memref<1x640xi32, #tpu.memory_space<vmem>> -> memref<640xi32, #tpu.memory_space<vmem>>
      %dma_start3A_49 = arith.constant 0 : i32
      %dma_start3A_50 = arith.constant 0 : i32
      %dma_start3A_51 = tpu.memref_slice %arg2[%dma_start3A_49, %dma_start3A_50] : memref<100352x16xf32, #tpu.memory_space<hbm>> -> memref<100352x16xf32, #tpu.memory_space<hbm>>
      tpu.enqueue_indirect_dma source(%dma_start3A_51 : memref<100352x16xf32, #tpu.memory_space<hbm>>) target(%arg12 : memref<640x16xf32, #tpu.memory_space<vmem>>) offsets(%dma_start3A_48 : memref<640xi32, #tpu.memory_space<vmem>>) semaphore(%arg14 : memref<!tpu.dma_semaphore, #tpu.memory_space<semaphore_mem>>)
      %dma_wait3A_52 = arith.constant 0 : i32
      %dma_wait3A_53 = arith.constant 0 : i32
      %dma_wait3A_54 = tpu.memref_slice %arg9[%dma_wait3A_52, %dma_wait3A_53] : memref<6x640xi32, #tpu.memory_space<vmem>> -> memref<1x640xi32, #tpu.memory_space<vmem>>
      %dma_wait3A_55 = tpu.memref_squeeze %dma_wait3A_54 : memref<1x640xi32, #tpu.memory_space<vmem>> -> memref<640xi32, #tpu.memory_space<vmem>>
      %dma_wait3A_56 = arith.constant 0 : i32
      %dma_wait3A_57 = arith.constant 0 : i32
      %dma_wait3A_58 = tpu.memref_slice %arg2[%dma_wait3A_56, %dma_wait3A_57] : memref<100352x16xf32, #tpu.memory_space<hbm>> -> memref<100352x16xf32, #tpu.memory_space<hbm>>
      tpu.wait_indirect_dma semaphore(%arg13 : memref<!tpu.dma_semaphore, #tpu.memory_space<semaphore_mem>>) src(%dma_wait3A_58 : memref<100352x16xf32, #tpu.memory_space<hbm>>) dst(%arg11 : memref<640x16xf32, #tpu.memory_space<vmem>>)
      %dma_start3A_59 = arith.constant 0 : i32
      %dma_start3A_60 = arith.constant 0 : i32
      %dma_start3A_61 = tpu.memref_slice %arg10[%dma_start3A_59, %dma_start3A_60] : memref<6x640xi32, #tpu.memory_space<vmem>> -> memref<1x640xi32, #tpu.memory_space<vmem>>
      %dma_start3A_62 = tpu.memref_squeeze %dma_start3A_61 : memref<1x640xi32, #tpu.memory_space<vmem>> -> memref<640xi32, #tpu.memory_space<vmem>>
      %dma_start3A_63 = arith.constant 0 : i32
      %dma_start3A_64 = arith.constant 0 : i32
      %dma_start3A_65 = tpu.memref_slice %arg8[%dma_start3A_63, %dma_start3A_64] : memref<100352x16xf32, #tpu.memory_space<vmem_shared>> -> memref<100352x16xf32, #tpu.memory_space<vmem_shared>>
      tpu.enqueue_indirect_dma source(%arg11 : memref<640x16xf32, #tpu.memory_space<vmem>>) target(%dma_start3A_65 : memref<100352x16xf32, #tpu.memory_space<vmem_shared>>) offsets(%dma_start3A_62 : memref<640xi32, #tpu.memory_space<vmem>>) semaphore(%arg15 : memref<!tpu.dma_semaphore, #tpu.memory_space<semaphore_mem>>) {add = true}
      %dma_wait3A_66 = arith.constant 0 : i32
      %dma_wait3A_67 = arith.constant 0 : i32
      %dma_wait3A_68 = tpu.memref_slice %arg10[%dma_wait3A_66, %dma_wait3A_67] : memref<6x640xi32, #tpu.memory_space<vmem>> -> memref<1x640xi32, #tpu.memory_space<vmem>>
      %dma_wait3A_69 = tpu.memref_squeeze %dma_wait3A_68 : memref<1x640xi32, #tpu.memory_space<vmem>> -> memref<640xi32, #tpu.memory_space<vmem>>
      %dma_wait3A_70 = arith.constant 0 : i32
      %dma_wait3A_71 = arith.constant 0 : i32
      %dma_wait3A_72 = tpu.memref_slice %arg8[%dma_wait3A_70, %dma_wait3A_71] : memref<100352x16xf32, #tpu.memory_space<vmem_shared>> -> memref<100352x16xf32, #tpu.memory_space<vmem_shared>>
      tpu.wait_indirect_dma semaphore(%arg15 : memref<!tpu.dma_semaphore, #tpu.memory_space<semaphore_mem>>) src(%arg11 : memref<640x16xf32, #tpu.memory_space<vmem>>) dst(%dma_wait3A_72 : memref<100352x16xf32, #tpu.memory_space<vmem_shared>>)
      %dma_start3A_73 = arith.constant 2 : i32
      %dma_start3A_74 = arith.constant 0 : i32
      %dma_start3A_75 = tpu.memref_slice %arg9[%dma_start3A_73, %dma_start3A_74] : memref<6x640xi32, #tpu.memory_space<vmem>> -> memref<1x640xi32, #tpu.memory_space<vmem>>
      %dma_start3A_76 = tpu.memref_squeeze %dma_start3A_75 : memref<1x640xi32, #tpu.memory_space<vmem>> -> memref<640xi32, #tpu.memory_space<vmem>>
      %dma_start3A_77 = arith.constant 0 : i32
      %dma_start3A_78 = arith.constant 0 : i32
      %dma_start3A_79 = tpu.memref_slice %arg2[%dma_start3A_77, %dma_start3A_78] : memref<100352x16xf32, #tpu.memory_space<hbm>> -> memref<100352x16xf32, #tpu.memory_space<hbm>>
      tpu.enqueue_indirect_dma source(%dma_start3A_79 : memref<100352x16xf32, #tpu.memory_space<hbm>>) target(%arg11 : memref<640x16xf32, #tpu.memory_space<vmem>>) offsets(%dma_start3A_76 : memref<640xi32, #tpu.memory_space<vmem>>) semaphore(%arg13 : memref<!tpu.dma_semaphore, #tpu.memory_space<semaphore_mem>>)
      %dma_wait3A_80 = arith.constant 1 : i32
      %dma_wait3A_81 = arith.constant 0 : i32
      %dma_wait3A_82 = tpu.memref_slice %arg9[%dma_wait3A_80, %dma_wait3A_81] : memref<6x640xi32, #tpu.memory_space<vmem>> -> memref<1x640xi32, #tpu.memory_space<vmem>>
      %dma_wait3A_83 = tpu.memref_squeeze %dma_wait3A_82 : memref<1x640xi32, #tpu.memory_space<vmem>> -> memref<640xi32, #tpu.memory_space<vmem>>
      %dma_wait3A_84 = arith.constant 0 : i32
      %dma_wait3A_85 = arith.constant 0 : i32
      %dma_wait3A_86 = tpu.memref_slice %arg2[%dma_wait3A_84, %dma_wait3A_85] : memref<100352x16xf32, #tpu.memory_space<hbm>> -> memref<100352x16xf32, #tpu.memory_space<hbm>>
      tpu.wait_indirect_dma semaphore(%arg14 : memref<!tpu.dma_semaphore, #tpu.memory_space<semaphore_mem>>) src(%dma_wait3A_86 : memref<100352x16xf32, #tpu.memory_space<hbm>>) dst(%arg12 : memref<640x16xf32, #tpu.memory_space<vmem>>)
      %dma_start3A_87 = arith.constant 1 : i32
      %dma_start3A_88 = arith.constant 0 : i32
      %dma_start3A_89 = tpu.memref_slice %arg10[%dma_start3A_87, %dma_start3A_88] : memref<6x640xi32, #tpu.memory_space<vmem>> -> memref<1x640xi32, #tpu.memory_space<vmem>>
      %dma_start3A_90 = tpu.memref_squeeze %dma_start3A_89 : memref<1x640xi32, #tpu.memory_space<vmem>> -> memref<640xi32, #tpu.memory_space<vmem>>
      %dma_start3A_91 = arith.constant 0 : i32
      %dma_start3A_92 = arith.constant 0 : i32
      %dma_start3A_93 = tpu.memref_slice %arg8[%dma_start3A_91, %dma_start3A_92] : memref<100352x16xf32, #tpu.memory_space<vmem_shared>> -> memref<100352x16xf32, #tpu.memory_space<vmem_shared>>
      tpu.enqueue_indirect_dma source(%arg12 : memref<640x16xf32, #tpu.memory_space<vmem>>) target(%dma_start3A_93 : memref<100352x16xf32, #tpu.memory_space<vmem_shared>>) offsets(%dma_start3A_90 : memref<640xi32, #tpu.memory_space<vmem>>) semaphore(%arg16 : memref<!tpu.dma_semaphore, #tpu.memory_space<semaphore_mem>>) {add = true}
      %dma_wait3A_94 = arith.constant 1 : i32
      %dma_wait3A_95 = arith.constant 0 : i32
      %dma_wait3A_96 = tpu.memref_slice %arg10[%dma_wait3A_94, %dma_wait3A_95] : memref<6x640xi32, #tpu.memory_space<vmem>> -> memref<1x640xi32, #tpu.memory_space<vmem>>
      %dma_wait3A_97 = tpu.memref_squeeze %dma_wait3A_96 : memref<1x640xi32, #tpu.memory_space<vmem>> -> memref<640xi32, #tpu.memory_space<vmem>>
      %dma_wait3A_98 = arith.constant 0 : i32
      %dma_wait3A_99 = arith.constant 0 : i32
      %dma_wait3A_100 = tpu.memref_slice %arg8[%dma_wait3A_98, %dma_wait3A_99] : memref<100352x16xf32, #tpu.memory_space<vmem_shared>> -> memref<100352x16xf32, #tpu.memory_space<vmem_shared>>
      tpu.wait_indirect_dma semaphore(%arg16 : memref<!tpu.dma_semaphore, #tpu.memory_space<semaphore_mem>>) src(%arg12 : memref<640x16xf32, #tpu.memory_space<vmem>>) dst(%dma_wait3A_100 : memref<100352x16xf32, #tpu.memory_space<vmem_shared>>)
      %dma_start3A_101 = arith.constant 3 : i32
      %dma_start3A_102 = arith.constant 0 : i32
      %dma_start3A_103 = tpu.memref_slice %arg9[%dma_start3A_101, %dma_start3A_102] : memref<6x640xi32, #tpu.memory_space<vmem>> -> memref<1x640xi32, #tpu.memory_space<vmem>>
      %dma_start3A_104 = tpu.memref_squeeze %dma_start3A_103 : memref<1x640xi32, #tpu.memory_space<vmem>> -> memref<640xi32, #tpu.memory_space<vmem>>
      %dma_start3A_105 = arith.constant 0 : i32
      %dma_start3A_106 = arith.constant 0 : i32
      %dma_start3A_107 = tpu.memref_slice %arg2[%dma_start3A_105, %dma_start3A_106] : memref<100352x16xf32, #tpu.memory_space<hbm>> -> memref<100352x16xf32, #tpu.memory_space<hbm>>
      tpu.enqueue_indirect_dma source(%dma_start3A_107 : memref<100352x16xf32, #tpu.memory_space<hbm>>) target(%arg12 : memref<640x16xf32, #tpu.memory_space<vmem>>) offsets(%dma_start3A_104 : memref<640xi32, #tpu.memory_space<vmem>>) semaphore(%arg14 : memref<!tpu.dma_semaphore, #tpu.memory_space<semaphore_mem>>)
      %dma_wait3A_108 = arith.constant 2 : i32
      %dma_wait3A_109 = arith.constant 0 : i32
      %dma_wait3A_110 = tpu.memref_slice %arg9[%dma_wait3A_108, %dma_wait3A_109] : memref<6x640xi32, #tpu.memory_space<vmem>> -> memref<1x640xi32, #tpu.memory_space<vmem>>
      %dma_wait3A_111 = tpu.memref_squeeze %dma_wait3A_110 : memref<1x640xi32, #tpu.memory_space<vmem>> -> memref<640xi32, #tpu.memory_space<vmem>>
      %dma_wait3A_112 = arith.constant 0 : i32
      %dma_wait3A_113 = arith.constant 0 : i32
      %dma_wait3A_114 = tpu.memref_slice %arg2[%dma_wait3A_112, %dma_wait3A_113] : memref<100352x16xf32, #tpu.memory_space<hbm>> -> memref<100352x16xf32, #tpu.memory_space<hbm>>
      tpu.wait_indirect_dma semaphore(%arg13 : memref<!tpu.dma_semaphore, #tpu.memory_space<semaphore_mem>>) src(%dma_wait3A_114 : memref<100352x16xf32, #tpu.memory_space<hbm>>) dst(%arg11 : memref<640x16xf32, #tpu.memory_space<vmem>>)
      %dma_start3A_115 = arith.constant 2 : i32
      %dma_start3A_116 = arith.constant 0 : i32
      %dma_start3A_117 = tpu.memref_slice %arg10[%dma_start3A_115, %dma_start3A_116] : memref<6x640xi32, #tpu.memory_space<vmem>> -> memref<1x640xi32, #tpu.memory_space<vmem>>
      %dma_start3A_118 = tpu.memref_squeeze %dma_start3A_117 : memref<1x640xi32, #tpu.memory_space<vmem>> -> memref<640xi32, #tpu.memory_space<vmem>>
      %dma_start3A_119 = arith.constant 0 : i32
      %dma_start3A_120 = arith.constant 0 : i32
      %dma_start3A_121 = tpu.memref_slice %arg8[%dma_start3A_119, %dma_start3A_120] : memref<100352x16xf32, #tpu.memory_space<vmem_shared>> -> memref<100352x16xf32, #tpu.memory_space<vmem_shared>>
      tpu.enqueue_indirect_dma source(%arg11 : memref<640x16xf32, #tpu.memory_space<vmem>>) target(%dma_start3A_121 : memref<100352x16xf32, #tpu.memory_space<vmem_shared>>) offsets(%dma_start3A_118 : memref<640xi32, #tpu.memory_space<vmem>>) semaphore(%arg15 : memref<!tpu.dma_semaphore, #tpu.memory_space<semaphore_mem>>) {add = true}
      %dma_wait3A_122 = arith.constant 2 : i32
      %dma_wait3A_123 = arith.constant 0 : i32
      %dma_wait3A_124 = tpu.memref_slice %arg10[%dma_wait3A_122, %dma_wait3A_123] : memref<6x640xi32, #tpu.memory_space<vmem>> -> memref<1x640xi32, #tpu.memory_space<vmem>>
      %dma_wait3A_125 = tpu.memref_squeeze %dma_wait3A_124 : memref<1x640xi32, #tpu.memory_space<vmem>> -> memref<640xi32, #tpu.memory_space<vmem>>
      %dma_wait3A_126 = arith.constant 0 : i32
      %dma_wait3A_127 = arith.constant 0 : i32
      %dma_wait3A_128 = tpu.memref_slice %arg8[%dma_wait3A_126, %dma_wait3A_127] : memref<100352x16xf32, #tpu.memory_space<vmem_shared>> -> memref<100352x16xf32, #tpu.memory_space<vmem_shared>>
      tpu.wait_indirect_dma semaphore(%arg15 : memref<!tpu.dma_semaphore, #tpu.memory_space<semaphore_mem>>) src(%arg11 : memref<640x16xf32, #tpu.memory_space<vmem>>) dst(%dma_wait3A_128 : memref<100352x16xf32, #tpu.memory_space<vmem_shared>>)
      %dma_start3A_129 = arith.constant 4 : i32
      %dma_start3A_130 = arith.constant 0 : i32
      %dma_start3A_131 = tpu.memref_slice %arg9[%dma_start3A_129, %dma_start3A_130] : memref<6x640xi32, #tpu.memory_space<vmem>> -> memref<1x640xi32, #tpu.memory_space<vmem>>
      %dma_start3A_132 = tpu.memref_squeeze %dma_start3A_131 : memref<1x640xi32, #tpu.memory_space<vmem>> -> memref<640xi32, #tpu.memory_space<vmem>>
      %dma_start3A_133 = arith.constant 0 : i32
      %dma_start3A_134 = arith.constant 0 : i32
      %dma_start3A_135 = tpu.memref_slice %arg2[%dma_start3A_133, %dma_start3A_134] : memref<100352x16xf32, #tpu.memory_space<hbm>> -> memref<100352x16xf32, #tpu.memory_space<hbm>>
      tpu.enqueue_indirect_dma source(%dma_start3A_135 : memref<100352x16xf32, #tpu.memory_space<hbm>>) target(%arg11 : memref<640x16xf32, #tpu.memory_space<vmem>>) offsets(%dma_start3A_132 : memref<640xi32, #tpu.memory_space<vmem>>) semaphore(%arg13 : memref<!tpu.dma_semaphore, #tpu.memory_space<semaphore_mem>>)
      %dma_wait3A_136 = arith.constant 3 : i32
      %dma_wait3A_137 = arith.constant 0 : i32
      %dma_wait3A_138 = tpu.memref_slice %arg9[%dma_wait3A_136, %dma_wait3A_137] : memref<6x640xi32, #tpu.memory_space<vmem>> -> memref<1x640xi32, #tpu.memory_space<vmem>>
      %dma_wait3A_139 = tpu.memref_squeeze %dma_wait3A_138 : memref<1x640xi32, #tpu.memory_space<vmem>> -> memref<640xi32, #tpu.memory_space<vmem>>
      %dma_wait3A_140 = arith.constant 0 : i32
      %dma_wait3A_141 = arith.constant 0 : i32
      %dma_wait3A_142 = tpu.memref_slice %arg2[%dma_wait3A_140, %dma_wait3A_141] : memref<100352x16xf32, #tpu.memory_space<hbm>> -> memref<100352x16xf32, #tpu.memory_space<hbm>>
      tpu.wait_indirect_dma semaphore(%arg14 : memref<!tpu.dma_semaphore, #tpu.memory_space<semaphore_mem>>) src(%dma_wait3A_142 : memref<100352x16xf32, #tpu.memory_space<hbm>>) dst(%arg12 : memref<640x16xf32, #tpu.memory_space<vmem>>)
      %dma_start3A_143 = arith.constant 3 : i32
      %dma_start3A_144 = arith.constant 0 : i32
      %dma_start3A_145 = tpu.memref_slice %arg10[%dma_start3A_143, %dma_start3A_144] : memref<6x640xi32, #tpu.memory_space<vmem>> -> memref<1x640xi32, #tpu.memory_space<vmem>>
      %dma_start3A_146 = tpu.memref_squeeze %dma_start3A_145 : memref<1x640xi32, #tpu.memory_space<vmem>> -> memref<640xi32, #tpu.memory_space<vmem>>
      %dma_start3A_147 = arith.constant 0 : i32
      %dma_start3A_148 = arith.constant 0 : i32
      %dma_start3A_149 = tpu.memref_slice %arg8[%dma_start3A_147, %dma_start3A_148] : memref<100352x16xf32, #tpu.memory_space<vmem_shared>> -> memref<100352x16xf32, #tpu.memory_space<vmem_shared>>
      tpu.enqueue_indirect_dma source(%arg12 : memref<640x16xf32, #tpu.memory_space<vmem>>) target(%dma_start3A_149 : memref<100352x16xf32, #tpu.memory_space<vmem_shared>>) offsets(%dma_start3A_146 : memref<640xi32, #tpu.memory_space<vmem>>) semaphore(%arg16 : memref<!tpu.dma_semaphore, #tpu.memory_space<semaphore_mem>>) {add = true}
      %dma_wait3A_150 = arith.constant 3 : i32
      %dma_wait3A_151 = arith.constant 0 : i32
      %dma_wait3A_152 = tpu.memref_slice %arg10[%dma_wait3A_150, %dma_wait3A_151] : memref<6x640xi32, #tpu.memory_space<vmem>> -> memref<1x640xi32, #tpu.memory_space<vmem>>
      %dma_wait3A_153 = tpu.memref_squeeze %dma_wait3A_152 : memref<1x640xi32, #tpu.memory_space<vmem>> -> memref<640xi32, #tpu.memory_space<vmem>>
      %dma_wait3A_154 = arith.constant 0 : i32
      %dma_wait3A_155 = arith.constant 0 : i32
      %dma_wait3A_156 = tpu.memref_slice %arg8[%dma_wait3A_154, %dma_wait3A_155] : memref<100352x16xf32, #tpu.memory_space<vmem_shared>> -> memref<100352x16xf32, #tpu.memory_space<vmem_shared>>
      tpu.wait_indirect_dma semaphore(%arg16 : memref<!tpu.dma_semaphore, #tpu.memory_space<semaphore_mem>>) src(%arg12 : memref<640x16xf32, #tpu.memory_space<vmem>>) dst(%dma_wait3A_156 : memref<100352x16xf32, #tpu.memory_space<vmem_shared>>)
      %dma_start3A_157 = arith.constant 5 : i32
      %dma_start3A_158 = arith.constant 0 : i32
      %dma_start3A_159 = tpu.memref_slice %arg9[%dma_start3A_157, %dma_start3A_158] : memref<6x640xi32, #tpu.memory_space<vmem>> -> memref<1x640xi32, #tpu.memory_space<vmem>>
      %dma_start3A_160 = tpu.memref_squeeze %dma_start3A_159 : memref<1x640xi32, #tpu.memory_space<vmem>> -> memref<640xi32, #tpu.memory_space<vmem>>
      %dma_start3A_161 = arith.constant 0 : i32
      %dma_start3A_162 = arith.constant 0 : i32
      %dma_start3A_163 = tpu.memref_slice %arg2[%dma_start3A_161, %dma_start3A_162] : memref<100352x16xf32, #tpu.memory_space<hbm>> -> memref<100352x16xf32, #tpu.memory_space<hbm>>
      tpu.enqueue_indirect_dma source(%dma_start3A_163 : memref<100352x16xf32, #tpu.memory_space<hbm>>) target(%arg12 : memref<640x16xf32, #tpu.memory_space<vmem>>) offsets(%dma_start3A_160 : memref<640xi32, #tpu.memory_space<vmem>>) semaphore(%arg14 : memref<!tpu.dma_semaphore, #tpu.memory_space<semaphore_mem>>)
      %dma_wait3A_164 = arith.constant 4 : i32
      %dma_wait3A_165 = arith.constant 0 : i32
      %dma_wait3A_166 = tpu.memref_slice %arg9[%dma_wait3A_164, %dma_wait3A_165] : memref<6x640xi32, #tpu.memory_space<vmem>> -> memref<1x640xi32, #tpu.memory_space<vmem>>
      %dma_wait3A_167 = tpu.memref_squeeze %dma_wait3A_166 : memref<1x640xi32, #tpu.memory_space<vmem>> -> memref<640xi32, #tpu.memory_space<vmem>>
      %dma_wait3A_168 = arith.constant 0 : i32
      %dma_wait3A_169 = arith.constant 0 : i32
      %dma_wait3A_170 = tpu.memref_slice %arg2[%dma_wait3A_168, %dma_wait3A_169] : memref<100352x16xf32, #tpu.memory_space<hbm>> -> memref<100352x16xf32, #tpu.memory_space<hbm>>
      tpu.wait_indirect_dma semaphore(%arg13 : memref<!tpu.dma_semaphore, #tpu.memory_space<semaphore_mem>>) src(%dma_wait3A_170 : memref<100352x16xf32, #tpu.memory_space<hbm>>) dst(%arg11 : memref<640x16xf32, #tpu.memory_space<vmem>>)
      %dma_start3A_171 = arith.constant 4 : i32
      %dma_start3A_172 = arith.constant 0 : i32
      %dma_start3A_173 = tpu.memref_slice %arg10[%dma_start3A_171, %dma_start3A_172] : memref<6x640xi32, #tpu.memory_space<vmem>> -> memref<1x640xi32, #tpu.memory_space<vmem>>
      %dma_start3A_174 = tpu.memref_squeeze %dma_start3A_173 : memref<1x640xi32, #tpu.memory_space<vmem>> -> memref<640xi32, #tpu.memory_space<vmem>>
      %dma_start3A_175 = arith.constant 0 : i32
      %dma_start3A_176 = arith.constant 0 : i32
      %dma_start3A_177 = tpu.memref_slice %arg8[%dma_start3A_175, %dma_start3A_176] : memref<100352x16xf32, #tpu.memory_space<vmem_shared>> -> memref<100352x16xf32, #tpu.memory_space<vmem_shared>>
      tpu.enqueue_indirect_dma source(%arg11 : memref<640x16xf32, #tpu.memory_space<vmem>>) target(%dma_start3A_177 : memref<100352x16xf32, #tpu.memory_space<vmem_shared>>) offsets(%dma_start3A_174 : memref<640xi32, #tpu.memory_space<vmem>>) semaphore(%arg15 : memref<!tpu.dma_semaphore, #tpu.memory_space<semaphore_mem>>) {add = true}
      %dma_wait3A_178 = arith.constant 5 : i32
      %dma_wait3A_179 = arith.constant 0 : i32
      %dma_wait3A_180 = tpu.memref_slice %arg9[%dma_wait3A_178, %dma_wait3A_179] : memref<6x640xi32, #tpu.memory_space<vmem>> -> memref<1x640xi32, #tpu.memory_space<vmem>>
      %dma_wait3A_181 = tpu.memref_squeeze %dma_wait3A_180 : memref<1x640xi32, #tpu.memory_space<vmem>> -> memref<640xi32, #tpu.memory_space<vmem>>
      %dma_wait3A_182 = arith.constant 0 : i32
      %dma_wait3A_183 = arith.constant 0 : i32
      %dma_wait3A_184 = tpu.memref_slice %arg2[%dma_wait3A_182, %dma_wait3A_183] : memref<100352x16xf32, #tpu.memory_space<hbm>> -> memref<100352x16xf32, #tpu.memory_space<hbm>>
      tpu.wait_indirect_dma semaphore(%arg14 : memref<!tpu.dma_semaphore, #tpu.memory_space<semaphore_mem>>) src(%dma_wait3A_184 : memref<100352x16xf32, #tpu.memory_space<hbm>>) dst(%arg12 : memref<640x16xf32, #tpu.memory_space<vmem>>)
      %dma_start3A_185 = arith.constant 5 : i32
      %dma_start3A_186 = arith.constant 0 : i32
      %dma_start3A_187 = tpu.memref_slice %arg10[%dma_start3A_185, %dma_start3A_186] : memref<6x640xi32, #tpu.memory_space<vmem>> -> memref<1x640xi32, #tpu.memory_space<vmem>>
      %dma_start3A_188 = tpu.memref_squeeze %dma_start3A_187 : memref<1x640xi32, #tpu.memory_space<vmem>> -> memref<640xi32, #tpu.memory_space<vmem>>
      %dma_start3A_189 = arith.constant 0 : i32
      %dma_start3A_190 = arith.constant 0 : i32
      %dma_start3A_191 = tpu.memref_slice %arg8[%dma_start3A_189, %dma_start3A_190] : memref<100352x16xf32, #tpu.memory_space<vmem_shared>> -> memref<100352x16xf32, #tpu.memory_space<vmem_shared>>
      tpu.enqueue_indirect_dma source(%arg12 : memref<640x16xf32, #tpu.memory_space<vmem>>) target(%dma_start3A_191 : memref<100352x16xf32, #tpu.memory_space<vmem_shared>>) offsets(%dma_start3A_188 : memref<640xi32, #tpu.memory_space<vmem>>) semaphore(%arg16 : memref<!tpu.dma_semaphore, #tpu.memory_space<semaphore_mem>>) {add = true}
    }
    %scan3A_7 = arith.constant 27 : i32
    %dma_wait3A = arith.constant 4 : i32
    %dma_wait3A_8 = arith.constant 0 : i32
    %dma_wait3A_9 = tpu.memref_slice %arg10[%dma_wait3A, %dma_wait3A_8] : memref<6x640xi32, #tpu.memory_space<vmem>> -> memref<1x640xi32, #tpu.memory_space<vmem>>
    %dma_wait3A_10 = tpu.memref_squeeze %dma_wait3A_9 : memref<1x640xi32, #tpu.memory_space<vmem>> -> memref<640xi32, #tpu.memory_space<vmem>>
    %dma_wait3A_11 = arith.constant 0 : i32
    %dma_wait3A_12 = arith.constant 0 : i32
    %dma_wait3A_13 = tpu.memref_slice %arg8[%dma_wait3A_11, %dma_wait3A_12] : memref<100352x16xf32, #tpu.memory_space<vmem_shared>> -> memref<100352x16xf32, #tpu.memory_space<vmem_shared>>
    tpu.wait_indirect_dma semaphore(%arg15 : memref<!tpu.dma_semaphore, #tpu.memory_space<semaphore_mem>>) src(%arg11 : memref<640x16xf32, #tpu.memory_space<vmem>>) dst(%dma_wait3A_13 : memref<100352x16xf32, #tpu.memory_space<vmem_shared>>)
    %dma_wait3A_14 = arith.constant 5 : i32
    %dma_wait3A_15 = arith.constant 0 : i32
    %dma_wait3A_16 = tpu.memref_slice %arg10[%dma_wait3A_14, %dma_wait3A_15] : memref<6x640xi32, #tpu.memory_space<vmem>> -> memref<1x640xi32, #tpu.memory_space<vmem>>
    %dma_wait3A_17 = tpu.memref_squeeze %dma_wait3A_16 : memref<1x640xi32, #tpu.memory_space<vmem>> -> memref<640xi32, #tpu.memory_space<vmem>>
    %dma_wait3A_18 = arith.constant 0 : i32
    %dma_wait3A_19 = arith.constant 0 : i32
    %dma_wait3A_20 = tpu.memref_slice %arg8[%dma_wait3A_18, %dma_wait3A_19] : memref<100352x16xf32, #tpu.memory_space<vmem_shared>> -> memref<100352x16xf32, #tpu.memory_space<vmem_shared>>
    tpu.wait_indirect_dma semaphore(%arg16 : memref<!tpu.dma_semaphore, #tpu.memory_space<semaphore_mem>>) src(%arg12 : memref<640x16xf32, #tpu.memory_space<vmem>>) dst(%dma_wait3A_20 : memref<100352x16xf32, #tpu.memory_space<vmem_shared>>)
    %barrier3A_21 = arith.constant 0 : index
    tpu.barrier barrier_id(%barrier3A_21)
    %eq3A = arith.constant 0 : i32
    %eq3A_22 = arith.cmpi eq, %arg0, %eq3A : i32
    %convert_element_type3A = arith.extui %eq3A_22 : i1 to i32
    %cond3A = arith.constant 0 : i32
    %cond3A_23 = arith.cmpi ne, %convert_element_type3A, %cond3A : i32
    scf.if %cond3A_23 {
      "tpu.region"() ({
        %run_scoped3A = tpu.sem_alloc : memref<!tpu.dma_semaphore, #tpu.memory_space<semaphore_mem>>
        %dma_start3A = arith.constant 0 : i32
        %dma_start3A_29 = tpu.memref_slice %arg6[%mul3A_2, %dma_start3A] : memref<100352x16xf32, #tpu.memory_space<hbm>> -> memref<6272x16xf32, #tpu.memory_space<hbm>>
        %dma_start3A_30 = arith.constant 0 : i32
        %dma_start3A_31 = tpu.memref_slice %arg8[%mul3A_2, %dma_start3A_30] : memref<100352x16xf32, #tpu.memory_space<vmem_shared>> -> memref<6272x16xf32, #tpu.memory_space<vmem_shared>>
        tpu.enqueue_dma source(%dma_start3A_31 : memref<6272x16xf32, #tpu.memory_space<vmem_shared>>) target(%dma_start3A_29 : memref<6272x16xf32, #tpu.memory_space<hbm>>) target_semaphore(%run_scoped3A : memref<!tpu.dma_semaphore, #tpu.memory_space<semaphore_mem>>)
        %dma_wait3A_32 = arith.constant 0 : i32
        %dma_wait3A_33 = tpu.memref_slice %arg6[%mul3A_2, %dma_wait3A_32] : memref<100352x16xf32, #tpu.memory_space<hbm>> -> memref<6272x16xf32, #tpu.memory_space<hbm>>
        %dma_wait3A_34 = arith.constant 0 : i32
        %dma_wait3A_35 = tpu.memref_slice %arg8[%mul3A_2, %dma_wait3A_34] : memref<100352x16xf32, #tpu.memory_space<vmem_shared>> -> memref<6272x16xf32, #tpu.memory_space<vmem_shared>>
        tpu.wait_dma2 semaphore(%run_scoped3A : memref<!tpu.dma_semaphore, #tpu.memory_space<semaphore_mem>>) src(%dma_wait3A_35 : memref<6272x16xf32, #tpu.memory_space<vmem_shared>>) dst(%dma_wait3A_33 : memref<6272x16xf32, #tpu.memory_space<hbm>>)
        tpu.yield
      }) : () -> ()
    } else {
    }
    %eq3A_24 = arith.constant 1 : i32
    %eq3A_25 = arith.cmpi eq, %arg0, %eq3A_24 : i32
    %convert_element_type3A_26 = arith.extui %eq3A_25 : i1 to i32
    %cond3A_27 = arith.constant 0 : i32
    %cond3A_28 = arith.cmpi ne, %convert_element_type3A_26, %cond3A_27 : i32
    scf.if %cond3A_28 {
      "tpu.region"() ({
        %run_scoped3A = tpu.sem_alloc : memref<!tpu.dma_semaphore, #tpu.memory_space<semaphore_mem>>
        %dma_start3A = arith.constant 0 : i32
        %dma_start3A_29 = tpu.memref_slice %arg7[%mul3A_2, %dma_start3A] : memref<100352x16xf32, #tpu.memory_space<hbm>> -> memref<6272x16xf32, #tpu.memory_space<hbm>>
        %dma_start3A_30 = arith.constant 0 : i32
        %dma_start3A_31 = tpu.memref_slice %arg8[%mul3A_2, %dma_start3A_30] : memref<100352x16xf32, #tpu.memory_space<vmem_shared>> -> memref<6272x16xf32, #tpu.memory_space<vmem_shared>>
        tpu.enqueue_dma source(%dma_start3A_31 : memref<6272x16xf32, #tpu.memory_space<vmem_shared>>) target(%dma_start3A_29 : memref<6272x16xf32, #tpu.memory_space<hbm>>) target_semaphore(%run_scoped3A : memref<!tpu.dma_semaphore, #tpu.memory_space<semaphore_mem>>)
        %dma_wait3A_32 = arith.constant 0 : i32
        %dma_wait3A_33 = tpu.memref_slice %arg7[%mul3A_2, %dma_wait3A_32] : memref<100352x16xf32, #tpu.memory_space<hbm>> -> memref<6272x16xf32, #tpu.memory_space<hbm>>
        %dma_wait3A_34 = arith.constant 0 : i32
        %dma_wait3A_35 = tpu.memref_slice %arg8[%mul3A_2, %dma_wait3A_34] : memref<100352x16xf32, #tpu.memory_space<vmem_shared>> -> memref<6272x16xf32, #tpu.memory_space<vmem_shared>>
        tpu.wait_dma2 semaphore(%run_scoped3A : memref<!tpu.dma_semaphore, #tpu.memory_space<semaphore_mem>>) src(%dma_wait3A_35 : memref<6272x16xf32, #tpu.memory_space<vmem_shared>>) dst(%dma_wait3A_33 : memref<6272x16xf32, #tpu.memory_space<hbm>>)
        tpu.yield
      }) : () -> ()
    } else {
    }
    return
  }
}

#map = affine_map<(d0, d1) -> (0, 0)>
#map1 = affine_map<(d0, d1) -> (0)>
module attributes {stable_mosaic.version = 14 : i64} {
  func.func @_deg_kernel(%arg0: i32, %arg1: i32, %arg2: memref<5184x640xi32, #tpu.memory_space<hbm>>, %arg3: memref<6272xf32, #tpu.memory_space<hbm>>, %arg4: memref<640xf32, #tpu.memory_space<hbm>>, %arg5: memref<200704xf32, #tpu.memory_space<hbm>>, %arg6: memref<100352xf32, #tpu.memory_space<vmem_shared>>, %arg7: memref<18x640xi32, #tpu.memory_space<vmem>>, %arg8: memref<640xf32, #tpu.memory_space<vmem>>, %arg9: memref<!tpu.dma_semaphore, #tpu.memory_space<semaphore_mem>>, %arg10: memref<!tpu.dma_semaphore, #tpu.memory_space<semaphore_mem>>) attributes {dimension_semantics = [#tpu.dimension_semantics<core_parallel>, #tpu.dimension_semantics<subcore_parallel>], iteration_bounds = array<i64: 2, 16>, scalar_prefetch = 0 : i64, scratch_operands = 5 : i64, tpu.core_type = #tpu.core_type<sc_vector_subcore>, window_params = [{transform_indices = #map}, {transform_indices = #map1}, {transform_indices = #map1}, {transform_indices = #map1}]} {
    %mul3A = arith.constant 2 : i32
    %mul3A_0 = arith.muli %arg1, %mul3A : i32
    %add3A = arith.addi %mul3A_0, %arg0 : i32
    %mul3A_1 = arith.constant 6272 : i32
    %mul3A_2 = arith.muli %arg1, %mul3A_1 : i32
    "tpu.region"() ({
      %run_scoped3A = tpu.sem_alloc : memref<!tpu.dma_semaphore, #tpu.memory_space<semaphore_mem>>
      %dma_start3A = tpu.memref_slice %arg6[%mul3A_2] : memref<100352xf32, #tpu.memory_space<vmem_shared>> -> memref<6272xf32, #tpu.memory_space<vmem_shared>>
      tpu.enqueue_dma source(%arg3 : memref<6272xf32, #tpu.memory_space<hbm>>) target(%dma_start3A : memref<6272xf32, #tpu.memory_space<vmem_shared>>) target_semaphore(%run_scoped3A : memref<!tpu.dma_semaphore, #tpu.memory_space<semaphore_mem>>)
      %dma_wait3A_23 = tpu.memref_slice %arg6[%mul3A_2] : memref<100352xf32, #tpu.memory_space<vmem_shared>> -> memref<6272xf32, #tpu.memory_space<vmem_shared>>
      tpu.wait_dma2 semaphore(%run_scoped3A : memref<!tpu.dma_semaphore, #tpu.memory_space<semaphore_mem>>) src(%arg3 : memref<6272xf32, #tpu.memory_space<hbm>>) dst(%dma_wait3A_23 : memref<6272xf32, #tpu.memory_space<vmem_shared>>)
      tpu.yield
    }) : () -> ()
    "tpu.region"() ({
      %run_scoped3A = tpu.sem_alloc : memref<!tpu.dma_semaphore, #tpu.memory_space<semaphore_mem>>
      tpu.enqueue_dma source(%arg4 : memref<640xf32, #tpu.memory_space<hbm>>) target(%arg8 : memref<640xf32, #tpu.memory_space<vmem>>) target_semaphore(%run_scoped3A : memref<!tpu.dma_semaphore, #tpu.memory_space<semaphore_mem>>)
      tpu.wait_dma2 semaphore(%run_scoped3A : memref<!tpu.dma_semaphore, #tpu.memory_space<semaphore_mem>>) src(%arg4 : memref<640xf32, #tpu.memory_space<hbm>>) dst(%arg8 : memref<640xf32, #tpu.memory_space<vmem>>)
      tpu.yield
    }) : () -> ()
    %barrier3A = arith.constant 0 : index
    tpu.barrier barrier_id(%barrier3A)
    %scan3A = arith.constant 0 : i32
    %scan3A_3 = arith.constant 0 : i32
    %scan3A_4 = arith.constant 9 : i32
    %scan3A_5 = arith.addi %scan3A_3, %scan3A_4 : i32
    %scan3A_6 = arith.constant 1 : i32
    scf.for %scan3A_23 = %scan3A_3 to %scan3A_5 step %scan3A_6  : i32 {
      %gt3A = arith.constant 0 : i32
      %gt3A_24 = arith.cmpi sgt, %scan3A_23, %gt3A : i32
      %convert_element_type3A = arith.extui %gt3A_24 : i1 to i32
      %cond3A = arith.constant 0 : i32
      %cond3A_25 = arith.cmpi ne, %convert_element_type3A, %cond3A : i32
      scf.if %cond3A_25 {
        %dma_wait3A_234 = arith.constant 16 : i32
        %dma_wait3A_235 = arith.constant 0 : i32
        %dma_wait3A_236 = tpu.memref_slice %arg7[%dma_wait3A_234, %dma_wait3A_235] : memref<18x640xi32, #tpu.memory_space<vmem>> -> memref<1x640xi32, #tpu.memory_space<vmem>>
        %dma_wait3A_237 = tpu.memref_squeeze %dma_wait3A_236 : memref<1x640xi32, #tpu.memory_space<vmem>> -> memref<640xi32, #tpu.memory_space<vmem>>
        %dma_wait3A_238 = arith.constant 0 : i32
        %dma_wait3A_239 = tpu.memref_slice %arg6[%dma_wait3A_238] : memref<100352xf32, #tpu.memory_space<vmem_shared>> -> memref<100352xf32, #tpu.memory_space<vmem_shared>>
        tpu.wait_indirect_dma semaphore(%arg9 : memref<!tpu.dma_semaphore, #tpu.memory_space<semaphore_mem>>) src(%arg8 : memref<640xf32, #tpu.memory_space<vmem>>) dst(%dma_wait3A_239 : memref<100352xf32, #tpu.memory_space<vmem_shared>>)
        %dma_wait3A_240 = arith.constant 17 : i32
        %dma_wait3A_241 = arith.constant 0 : i32
        %dma_wait3A_242 = tpu.memref_slice %arg7[%dma_wait3A_240, %dma_wait3A_241] : memref<18x640xi32, #tpu.memory_space<vmem>> -> memref<1x640xi32, #tpu.memory_space<vmem>>
        %dma_wait3A_243 = tpu.memref_squeeze %dma_wait3A_242 : memref<1x640xi32, #tpu.memory_space<vmem>> -> memref<640xi32, #tpu.memory_space<vmem>>
        %dma_wait3A_244 = arith.constant 0 : i32
        %dma_wait3A_245 = tpu.memref_slice %arg6[%dma_wait3A_244] : memref<100352xf32, #tpu.memory_space<vmem_shared>> -> memref<100352xf32, #tpu.memory_space<vmem_shared>>
        tpu.wait_indirect_dma semaphore(%arg10 : memref<!tpu.dma_semaphore, #tpu.memory_space<semaphore_mem>>) src(%arg8 : memref<640xf32, #tpu.memory_space<vmem>>) dst(%dma_wait3A_245 : memref<100352xf32, #tpu.memory_space<vmem_shared>>)
      } else {
      }
      %mul3A_26 = arith.constant 162 : i32
      %mul3A_27 = arith.muli %add3A, %mul3A_26 : i32
      %mul3A_28 = arith.constant 18 : i32
      %mul3A_29 = arith.muli %scan3A_23, %mul3A_28 : i32
      %add3A_30 = arith.addi %mul3A_27, %mul3A_29 : i32
      "tpu.region"() ({
        %run_scoped3A = tpu.sem_alloc : memref<!tpu.dma_semaphore, #tpu.memory_space<semaphore_mem>>
        %dma_start3A_234 = arith.constant 0 : i32
        %dma_start3A_235 = tpu.memref_slice %arg2[%add3A_30, %dma_start3A_234] : memref<5184x640xi32, #tpu.memory_space<hbm>> -> memref<18x640xi32, #tpu.memory_space<hbm>>
        %dma_start3A_236 = arith.constant 0 : i32
        %dma_start3A_237 = tpu.memref_slice %arg2[%add3A_30, %dma_start3A_236] : memref<5184x640xi32, #tpu.memory_space<hbm>> -> memref<18x640xi32, #tpu.memory_space<hbm>>
        tpu.enqueue_dma source(%dma_start3A_237 : memref<18x640xi32, #tpu.memory_space<hbm>>) target(%arg7 : memref<18x640xi32, #tpu.memory_space<vmem>>) target_semaphore(%run_scoped3A : memref<!tpu.dma_semaphore, #tpu.memory_space<semaphore_mem>>)
        %dma_wait3A_238 = arith.constant 0 : i32
        %dma_wait3A_239 = tpu.memref_slice %arg2[%add3A_30, %dma_wait3A_238] : memref<5184x640xi32, #tpu.memory_space<hbm>> -> memref<18x640xi32, #tpu.memory_space<hbm>>
        %dma_wait3A_240 = arith.constant 0 : i32
        %dma_wait3A_241 = tpu.memref_slice %arg2[%add3A_30, %dma_wait3A_240] : memref<5184x640xi32, #tpu.memory_space<hbm>> -> memref<18x640xi32, #tpu.memory_space<hbm>>
        tpu.wait_dma2 semaphore(%run_scoped3A : memref<!tpu.dma_semaphore, #tpu.memory_space<semaphore_mem>>) src(%dma_wait3A_241 : memref<18x640xi32, #tpu.memory_space<hbm>>) dst(%arg7 : memref<18x640xi32, #tpu.memory_space<vmem>>)
        tpu.yield
      }) : () -> ()
      %dma_start3A = arith.constant 0 : i32
      %dma_start3A_31 = arith.constant 0 : i32
      %dma_start3A_32 = tpu.memref_slice %arg7[%dma_start3A, %dma_start3A_31] : memref<18x640xi32, #tpu.memory_space<vmem>> -> memref<1x640xi32, #tpu.memory_space<vmem>>
      %dma_start3A_33 = tpu.memref_squeeze %dma_start3A_32 : memref<1x640xi32, #tpu.memory_space<vmem>> -> memref<640xi32, #tpu.memory_space<vmem>>
      %dma_start3A_34 = arith.constant 0 : i32
      %dma_start3A_35 = tpu.memref_slice %arg6[%dma_start3A_34] : memref<100352xf32, #tpu.memory_space<vmem_shared>> -> memref<100352xf32, #tpu.memory_space<vmem_shared>>
      tpu.enqueue_indirect_dma source(%arg8 : memref<640xf32, #tpu.memory_space<vmem>>) target(%dma_start3A_35 : memref<100352xf32, #tpu.memory_space<vmem_shared>>) offsets(%dma_start3A_33 : memref<640xi32, #tpu.memory_space<vmem>>) semaphore(%arg9 : memref<!tpu.dma_semaphore, #tpu.memory_space<semaphore_mem>>) {add = true}
      %dma_start3A_36 = arith.constant 1 : i32
      %dma_start3A_37 = arith.constant 0 : i32
      %dma_start3A_38 = tpu.memref_slice %arg7[%dma_start3A_36, %dma_start3A_37] : memref<18x640xi32, #tpu.memory_space<vmem>> -> memref<1x640xi32, #tpu.memory_space<vmem>>
      %dma_start3A_39 = tpu.memref_squeeze %dma_start3A_38 : memref<1x640xi32, #tpu.memory_space<vmem>> -> memref<640xi32, #tpu.memory_space<vmem>>
      %dma_start3A_40 = arith.constant 0 : i32
      %dma_start3A_41 = tpu.memref_slice %arg6[%dma_start3A_40] : memref<100352xf32, #tpu.memory_space<vmem_shared>> -> memref<100352xf32, #tpu.memory_space<vmem_shared>>
      tpu.enqueue_indirect_dma source(%arg8 : memref<640xf32, #tpu.memory_space<vmem>>) target(%dma_start3A_41 : memref<100352xf32, #tpu.memory_space<vmem_shared>>) offsets(%dma_start3A_39 : memref<640xi32, #tpu.memory_space<vmem>>) semaphore(%arg10 : memref<!tpu.dma_semaphore, #tpu.memory_space<semaphore_mem>>) {add = true}
      %dma_wait3A_42 = arith.constant 0 : i32
      %dma_wait3A_43 = arith.constant 0 : i32
      %dma_wait3A_44 = tpu.memref_slice %arg7[%dma_wait3A_42, %dma_wait3A_43] : memref<18x640xi32, #tpu.memory_space<vmem>> -> memref<1x640xi32, #tpu.memory_space<vmem>>
      %dma_wait3A_45 = tpu.memref_squeeze %dma_wait3A_44 : memref<1x640xi32, #tpu.memory_space<vmem>> -> memref<640xi32, #tpu.memory_space<vmem>>
      %dma_wait3A_46 = arith.constant 0 : i32
      %dma_wait3A_47 = tpu.memref_slice %arg6[%dma_wait3A_46] : memref<100352xf32, #tpu.memory_space<vmem_shared>> -> memref<100352xf32, #tpu.memory_space<vmem_shared>>
      tpu.wait_indirect_dma semaphore(%arg9 : memref<!tpu.dma_semaphore, #tpu.memory_space<semaphore_mem>>) src(%arg8 : memref<640xf32, #tpu.memory_space<vmem>>) dst(%dma_wait3A_47 : memref<100352xf32, #tpu.memory_space<vmem_shared>>)
      %dma_start3A_48 = arith.constant 2 : i32
      %dma_start3A_49 = arith.constant 0 : i32
      %dma_start3A_50 = tpu.memref_slice %arg7[%dma_start3A_48, %dma_start3A_49] : memref<18x640xi32, #tpu.memory_space<vmem>> -> memref<1x640xi32, #tpu.memory_space<vmem>>
      %dma_start3A_51 = tpu.memref_squeeze %dma_start3A_50 : memref<1x640xi32, #tpu.memory_space<vmem>> -> memref<640xi32, #tpu.memory_space<vmem>>
      %dma_start3A_52 = arith.constant 0 : i32
      %dma_start3A_53 = tpu.memref_slice %arg6[%dma_start3A_52] : memref<100352xf32, #tpu.memory_space<vmem_shared>> -> memref<100352xf32, #tpu.memory_space<vmem_shared>>
      tpu.enqueue_indirect_dma source(%arg8 : memref<640xf32, #tpu.memory_space<vmem>>) target(%dma_start3A_53 : memref<100352xf32, #tpu.memory_space<vmem_shared>>) offsets(%dma_start3A_51 : memref<640xi32, #tpu.memory_space<vmem>>) semaphore(%arg9 : memref<!tpu.dma_semaphore, #tpu.memory_space<semaphore_mem>>) {add = true}
      %dma_wait3A_54 = arith.constant 1 : i32
      %dma_wait3A_55 = arith.constant 0 : i32
      %dma_wait3A_56 = tpu.memref_slice %arg7[%dma_wait3A_54, %dma_wait3A_55] : memref<18x640xi32, #tpu.memory_space<vmem>> -> memref<1x640xi32, #tpu.memory_space<vmem>>
      %dma_wait3A_57 = tpu.memref_squeeze %dma_wait3A_56 : memref<1x640xi32, #tpu.memory_space<vmem>> -> memref<640xi32, #tpu.memory_space<vmem>>
      %dma_wait3A_58 = arith.constant 0 : i32
      %dma_wait3A_59 = tpu.memref_slice %arg6[%dma_wait3A_58] : memref<100352xf32, #tpu.memory_space<vmem_shared>> -> memref<100352xf32, #tpu.memory_space<vmem_shared>>
      tpu.wait_indirect_dma semaphore(%arg10 : memref<!tpu.dma_semaphore, #tpu.memory_space<semaphore_mem>>) src(%arg8 : memref<640xf32, #tpu.memory_space<vmem>>) dst(%dma_wait3A_59 : memref<100352xf32, #tpu.memory_space<vmem_shared>>)
      %dma_start3A_60 = arith.constant 3 : i32
      %dma_start3A_61 = arith.constant 0 : i32
      %dma_start3A_62 = tpu.memref_slice %arg7[%dma_start3A_60, %dma_start3A_61] : memref<18x640xi32, #tpu.memory_space<vmem>> -> memref<1x640xi32, #tpu.memory_space<vmem>>
      %dma_start3A_63 = tpu.memref_squeeze %dma_start3A_62 : memref<1x640xi32, #tpu.memory_space<vmem>> -> memref<640xi32, #tpu.memory_space<vmem>>
      %dma_start3A_64 = arith.constant 0 : i32
      %dma_start3A_65 = tpu.memref_slice %arg6[%dma_start3A_64] : memref<100352xf32, #tpu.memory_space<vmem_shared>> -> memref<100352xf32, #tpu.memory_space<vmem_shared>>
      tpu.enqueue_indirect_dma source(%arg8 : memref<640xf32, #tpu.memory_space<vmem>>) target(%dma_start3A_65 : memref<100352xf32, #tpu.memory_space<vmem_shared>>) offsets(%dma_start3A_63 : memref<640xi32, #tpu.memory_space<vmem>>) semaphore(%arg10 : memref<!tpu.dma_semaphore, #tpu.memory_space<semaphore_mem>>) {add = true}
      %dma_wait3A_66 = arith.constant 2 : i32
      %dma_wait3A_67 = arith.constant 0 : i32
      %dma_wait3A_68 = tpu.memref_slice %arg7[%dma_wait3A_66, %dma_wait3A_67] : memref<18x640xi32, #tpu.memory_space<vmem>> -> memref<1x640xi32, #tpu.memory_space<vmem>>
      %dma_wait3A_69 = tpu.memref_squeeze %dma_wait3A_68 : memref<1x640xi32, #tpu.memory_space<vmem>> -> memref<640xi32, #tpu.memory_space<vmem>>
      %dma_wait3A_70 = arith.constant 0 : i32
      %dma_wait3A_71 = tpu.memref_slice %arg6[%dma_wait3A_70] : memref<100352xf32, #tpu.memory_space<vmem_shared>> -> memref<100352xf32, #tpu.memory_space<vmem_shared>>
      tpu.wait_indirect_dma semaphore(%arg9 : memref<!tpu.dma_semaphore, #tpu.memory_space<semaphore_mem>>) src(%arg8 : memref<640xf32, #tpu.memory_space<vmem>>) dst(%dma_wait3A_71 : memref<100352xf32, #tpu.memory_space<vmem_shared>>)
      %dma_start3A_72 = arith.constant 4 : i32
      %dma_start3A_73 = arith.constant 0 : i32
      %dma_start3A_74 = tpu.memref_slice %arg7[%dma_start3A_72, %dma_start3A_73] : memref<18x640xi32, #tpu.memory_space<vmem>> -> memref<1x640xi32, #tpu.memory_space<vmem>>
      %dma_start3A_75 = tpu.memref_squeeze %dma_start3A_74 : memref<1x640xi32, #tpu.memory_space<vmem>> -> memref<640xi32, #tpu.memory_space<vmem>>
      %dma_start3A_76 = arith.constant 0 : i32
      %dma_start3A_77 = tpu.memref_slice %arg6[%dma_start3A_76] : memref<100352xf32, #tpu.memory_space<vmem_shared>> -> memref<100352xf32, #tpu.memory_space<vmem_shared>>
      tpu.enqueue_indirect_dma source(%arg8 : memref<640xf32, #tpu.memory_space<vmem>>) target(%dma_start3A_77 : memref<100352xf32, #tpu.memory_space<vmem_shared>>) offsets(%dma_start3A_75 : memref<640xi32, #tpu.memory_space<vmem>>) semaphore(%arg9 : memref<!tpu.dma_semaphore, #tpu.memory_space<semaphore_mem>>) {add = true}
      %dma_wait3A_78 = arith.constant 3 : i32
      %dma_wait3A_79 = arith.constant 0 : i32
      %dma_wait3A_80 = tpu.memref_slice %arg7[%dma_wait3A_78, %dma_wait3A_79] : memref<18x640xi32, #tpu.memory_space<vmem>> -> memref<1x640xi32, #tpu.memory_space<vmem>>
      %dma_wait3A_81 = tpu.memref_squeeze %dma_wait3A_80 : memref<1x640xi32, #tpu.memory_space<vmem>> -> memref<640xi32, #tpu.memory_space<vmem>>
      %dma_wait3A_82 = arith.constant 0 : i32
      %dma_wait3A_83 = tpu.memref_slice %arg6[%dma_wait3A_82] : memref<100352xf32, #tpu.memory_space<vmem_shared>> -> memref<100352xf32, #tpu.memory_space<vmem_shared>>
      tpu.wait_indirect_dma semaphore(%arg10 : memref<!tpu.dma_semaphore, #tpu.memory_space<semaphore_mem>>) src(%arg8 : memref<640xf32, #tpu.memory_space<vmem>>) dst(%dma_wait3A_83 : memref<100352xf32, #tpu.memory_space<vmem_shared>>)
      %dma_start3A_84 = arith.constant 5 : i32
      %dma_start3A_85 = arith.constant 0 : i32
      %dma_start3A_86 = tpu.memref_slice %arg7[%dma_start3A_84, %dma_start3A_85] : memref<18x640xi32, #tpu.memory_space<vmem>> -> memref<1x640xi32, #tpu.memory_space<vmem>>
      %dma_start3A_87 = tpu.memref_squeeze %dma_start3A_86 : memref<1x640xi32, #tpu.memory_space<vmem>> -> memref<640xi32, #tpu.memory_space<vmem>>
      %dma_start3A_88 = arith.constant 0 : i32
      %dma_start3A_89 = tpu.memref_slice %arg6[%dma_start3A_88] : memref<100352xf32, #tpu.memory_space<vmem_shared>> -> memref<100352xf32, #tpu.memory_space<vmem_shared>>
      tpu.enqueue_indirect_dma source(%arg8 : memref<640xf32, #tpu.memory_space<vmem>>) target(%dma_start3A_89 : memref<100352xf32, #tpu.memory_space<vmem_shared>>) offsets(%dma_start3A_87 : memref<640xi32, #tpu.memory_space<vmem>>) semaphore(%arg10 : memref<!tpu.dma_semaphore, #tpu.memory_space<semaphore_mem>>) {add = true}
      %dma_wait3A_90 = arith.constant 4 : i32
      %dma_wait3A_91 = arith.constant 0 : i32
      %dma_wait3A_92 = tpu.memref_slice %arg7[%dma_wait3A_90, %dma_wait3A_91] : memref<18x640xi32, #tpu.memory_space<vmem>> -> memref<1x640xi32, #tpu.memory_space<vmem>>
      %dma_wait3A_93 = tpu.memref_squeeze %dma_wait3A_92 : memref<1x640xi32, #tpu.memory_space<vmem>> -> memref<640xi32, #tpu.memory_space<vmem>>
      %dma_wait3A_94 = arith.constant 0 : i32
      %dma_wait3A_95 = tpu.memref_slice %arg6[%dma_wait3A_94] : memref<100352xf32, #tpu.memory_space<vmem_shared>> -> memref<100352xf32, #tpu.memory_space<vmem_shared>>
      tpu.wait_indirect_dma semaphore(%arg9 : memref<!tpu.dma_semaphore, #tpu.memory_space<semaphore_mem>>) src(%arg8 : memref<640xf32, #tpu.memory_space<vmem>>) dst(%dma_wait3A_95 : memref<100352xf32, #tpu.memory_space<vmem_shared>>)
      %dma_start3A_96 = arith.constant 6 : i32
      %dma_start3A_97 = arith.constant 0 : i32
      %dma_start3A_98 = tpu.memref_slice %arg7[%dma_start3A_96, %dma_start3A_97] : memref<18x640xi32, #tpu.memory_space<vmem>> -> memref<1x640xi32, #tpu.memory_space<vmem>>
      %dma_start3A_99 = tpu.memref_squeeze %dma_start3A_98 : memref<1x640xi32, #tpu.memory_space<vmem>> -> memref<640xi32, #tpu.memory_space<vmem>>
      %dma_start3A_100 = arith.constant 0 : i32
      %dma_start3A_101 = tpu.memref_slice %arg6[%dma_start3A_100] : memref<100352xf32, #tpu.memory_space<vmem_shared>> -> memref<100352xf32, #tpu.memory_space<vmem_shared>>
      tpu.enqueue_indirect_dma source(%arg8 : memref<640xf32, #tpu.memory_space<vmem>>) target(%dma_start3A_101 : memref<100352xf32, #tpu.memory_space<vmem_shared>>) offsets(%dma_start3A_99 : memref<640xi32, #tpu.memory_space<vmem>>) semaphore(%arg9 : memref<!tpu.dma_semaphore, #tpu.memory_space<semaphore_mem>>) {add = true}
      %dma_wait3A_102 = arith.constant 5 : i32
      %dma_wait3A_103 = arith.constant 0 : i32
      %dma_wait3A_104 = tpu.memref_slice %arg7[%dma_wait3A_102, %dma_wait3A_103] : memref<18x640xi32, #tpu.memory_space<vmem>> -> memref<1x640xi32, #tpu.memory_space<vmem>>
      %dma_wait3A_105 = tpu.memref_squeeze %dma_wait3A_104 : memref<1x640xi32, #tpu.memory_space<vmem>> -> memref<640xi32, #tpu.memory_space<vmem>>
      %dma_wait3A_106 = arith.constant 0 : i32
      %dma_wait3A_107 = tpu.memref_slice %arg6[%dma_wait3A_106] : memref<100352xf32, #tpu.memory_space<vmem_shared>> -> memref<100352xf32, #tpu.memory_space<vmem_shared>>
      tpu.wait_indirect_dma semaphore(%arg10 : memref<!tpu.dma_semaphore, #tpu.memory_space<semaphore_mem>>) src(%arg8 : memref<640xf32, #tpu.memory_space<vmem>>) dst(%dma_wait3A_107 : memref<100352xf32, #tpu.memory_space<vmem_shared>>)
      %dma_start3A_108 = arith.constant 7 : i32
      %dma_start3A_109 = arith.constant 0 : i32
      %dma_start3A_110 = tpu.memref_slice %arg7[%dma_start3A_108, %dma_start3A_109] : memref<18x640xi32, #tpu.memory_space<vmem>> -> memref<1x640xi32, #tpu.memory_space<vmem>>
      %dma_start3A_111 = tpu.memref_squeeze %dma_start3A_110 : memref<1x640xi32, #tpu.memory_space<vmem>> -> memref<640xi32, #tpu.memory_space<vmem>>
      %dma_start3A_112 = arith.constant 0 : i32
      %dma_start3A_113 = tpu.memref_slice %arg6[%dma_start3A_112] : memref<100352xf32, #tpu.memory_space<vmem_shared>> -> memref<100352xf32, #tpu.memory_space<vmem_shared>>
      tpu.enqueue_indirect_dma source(%arg8 : memref<640xf32, #tpu.memory_space<vmem>>) target(%dma_start3A_113 : memref<100352xf32, #tpu.memory_space<vmem_shared>>) offsets(%dma_start3A_111 : memref<640xi32, #tpu.memory_space<vmem>>) semaphore(%arg10 : memref<!tpu.dma_semaphore, #tpu.memory_space<semaphore_mem>>) {add = true}
      %dma_wait3A_114 = arith.constant 6 : i32
      %dma_wait3A_115 = arith.constant 0 : i32
      %dma_wait3A_116 = tpu.memref_slice %arg7[%dma_wait3A_114, %dma_wait3A_115] : memref<18x640xi32, #tpu.memory_space<vmem>> -> memref<1x640xi32, #tpu.memory_space<vmem>>
      %dma_wait3A_117 = tpu.memref_squeeze %dma_wait3A_116 : memref<1x640xi32, #tpu.memory_space<vmem>> -> memref<640xi32, #tpu.memory_space<vmem>>
      %dma_wait3A_118 = arith.constant 0 : i32
      %dma_wait3A_119 = tpu.memref_slice %arg6[%dma_wait3A_118] : memref<100352xf32, #tpu.memory_space<vmem_shared>> -> memref<100352xf32, #tpu.memory_space<vmem_shared>>
      tpu.wait_indirect_dma semaphore(%arg9 : memref<!tpu.dma_semaphore, #tpu.memory_space<semaphore_mem>>) src(%arg8 : memref<640xf32, #tpu.memory_space<vmem>>) dst(%dma_wait3A_119 : memref<100352xf32, #tpu.memory_space<vmem_shared>>)
      %dma_start3A_120 = arith.constant 8 : i32
      %dma_start3A_121 = arith.constant 0 : i32
      %dma_start3A_122 = tpu.memref_slice %arg7[%dma_start3A_120, %dma_start3A_121] : memref<18x640xi32, #tpu.memory_space<vmem>> -> memref<1x640xi32, #tpu.memory_space<vmem>>
      %dma_start3A_123 = tpu.memref_squeeze %dma_start3A_122 : memref<1x640xi32, #tpu.memory_space<vmem>> -> memref<640xi32, #tpu.memory_space<vmem>>
      %dma_start3A_124 = arith.constant 0 : i32
      %dma_start3A_125 = tpu.memref_slice %arg6[%dma_start3A_124] : memref<100352xf32, #tpu.memory_space<vmem_shared>> -> memref<100352xf32, #tpu.memory_space<vmem_shared>>
      tpu.enqueue_indirect_dma source(%arg8 : memref<640xf32, #tpu.memory_space<vmem>>) target(%dma_start3A_125 : memref<100352xf32, #tpu.memory_space<vmem_shared>>) offsets(%dma_start3A_123 : memref<640xi32, #tpu.memory_space<vmem>>) semaphore(%arg9 : memref<!tpu.dma_semaphore, #tpu.memory_space<semaphore_mem>>) {add = true}
      %dma_wait3A_126 = arith.constant 7 : i32
      %dma_wait3A_127 = arith.constant 0 : i32
      %dma_wait3A_128 = tpu.memref_slice %arg7[%dma_wait3A_126, %dma_wait3A_127] : memref<18x640xi32, #tpu.memory_space<vmem>> -> memref<1x640xi32, #tpu.memory_space<vmem>>
      %dma_wait3A_129 = tpu.memref_squeeze %dma_wait3A_128 : memref<1x640xi32, #tpu.memory_space<vmem>> -> memref<640xi32, #tpu.memory_space<vmem>>
      %dma_wait3A_130 = arith.constant 0 : i32
      %dma_wait3A_131 = tpu.memref_slice %arg6[%dma_wait3A_130] : memref<100352xf32, #tpu.memory_space<vmem_shared>> -> memref<100352xf32, #tpu.memory_space<vmem_shared>>
      tpu.wait_indirect_dma semaphore(%arg10 : memref<!tpu.dma_semaphore, #tpu.memory_space<semaphore_mem>>) src(%arg8 : memref<640xf32, #tpu.memory_space<vmem>>) dst(%dma_wait3A_131 : memref<100352xf32, #tpu.memory_space<vmem_shared>>)
      %dma_start3A_132 = arith.constant 9 : i32
      %dma_start3A_133 = arith.constant 0 : i32
      %dma_start3A_134 = tpu.memref_slice %arg7[%dma_start3A_132, %dma_start3A_133] : memref<18x640xi32, #tpu.memory_space<vmem>> -> memref<1x640xi32, #tpu.memory_space<vmem>>
      %dma_start3A_135 = tpu.memref_squeeze %dma_start3A_134 : memref<1x640xi32, #tpu.memory_space<vmem>> -> memref<640xi32, #tpu.memory_space<vmem>>
      %dma_start3A_136 = arith.constant 0 : i32
      %dma_start3A_137 = tpu.memref_slice %arg6[%dma_start3A_136] : memref<100352xf32, #tpu.memory_space<vmem_shared>> -> memref<100352xf32, #tpu.memory_space<vmem_shared>>
      tpu.enqueue_indirect_dma source(%arg8 : memref<640xf32, #tpu.memory_space<vmem>>) target(%dma_start3A_137 : memref<100352xf32, #tpu.memory_space<vmem_shared>>) offsets(%dma_start3A_135 : memref<640xi32, #tpu.memory_space<vmem>>) semaphore(%arg10 : memref<!tpu.dma_semaphore, #tpu.memory_space<semaphore_mem>>) {add = true}
      %dma_wait3A_138 = arith.constant 8 : i32
      %dma_wait3A_139 = arith.constant 0 : i32
      %dma_wait3A_140 = tpu.memref_slice %arg7[%dma_wait3A_138, %dma_wait3A_139] : memref<18x640xi32, #tpu.memory_space<vmem>> -> memref<1x640xi32, #tpu.memory_space<vmem>>
      %dma_wait3A_141 = tpu.memref_squeeze %dma_wait3A_140 : memref<1x640xi32, #tpu.memory_space<vmem>> -> memref<640xi32, #tpu.memory_space<vmem>>
      %dma_wait3A_142 = arith.constant 0 : i32
      %dma_wait3A_143 = tpu.memref_slice %arg6[%dma_wait3A_142] : memref<100352xf32, #tpu.memory_space<vmem_shared>> -> memref<100352xf32, #tpu.memory_space<vmem_shared>>
      tpu.wait_indirect_dma semaphore(%arg9 : memref<!tpu.dma_semaphore, #tpu.memory_space<semaphore_mem>>) src(%arg8 : memref<640xf32, #tpu.memory_space<vmem>>) dst(%dma_wait3A_143 : memref<100352xf32, #tpu.memory_space<vmem_shared>>)
      %dma_start3A_144 = arith.constant 10 : i32
      %dma_start3A_145 = arith.constant 0 : i32
      %dma_start3A_146 = tpu.memref_slice %arg7[%dma_start3A_144, %dma_start3A_145] : memref<18x640xi32, #tpu.memory_space<vmem>> -> memref<1x640xi32, #tpu.memory_space<vmem>>
      %dma_start3A_147 = tpu.memref_squeeze %dma_start3A_146 : memref<1x640xi32, #tpu.memory_space<vmem>> -> memref<640xi32, #tpu.memory_space<vmem>>
      %dma_start3A_148 = arith.constant 0 : i32
      %dma_start3A_149 = tpu.memref_slice %arg6[%dma_start3A_148] : memref<100352xf32, #tpu.memory_space<vmem_shared>> -> memref<100352xf32, #tpu.memory_space<vmem_shared>>
      tpu.enqueue_indirect_dma source(%arg8 : memref<640xf32, #tpu.memory_space<vmem>>) target(%dma_start3A_149 : memref<100352xf32, #tpu.memory_space<vmem_shared>>) offsets(%dma_start3A_147 : memref<640xi32, #tpu.memory_space<vmem>>) semaphore(%arg9 : memref<!tpu.dma_semaphore, #tpu.memory_space<semaphore_mem>>) {add = true}
      %dma_wait3A_150 = arith.constant 9 : i32
      %dma_wait3A_151 = arith.constant 0 : i32
      %dma_wait3A_152 = tpu.memref_slice %arg7[%dma_wait3A_150, %dma_wait3A_151] : memref<18x640xi32, #tpu.memory_space<vmem>> -> memref<1x640xi32, #tpu.memory_space<vmem>>
      %dma_wait3A_153 = tpu.memref_squeeze %dma_wait3A_152 : memref<1x640xi32, #tpu.memory_space<vmem>> -> memref<640xi32, #tpu.memory_space<vmem>>
      %dma_wait3A_154 = arith.constant 0 : i32
      %dma_wait3A_155 = tpu.memref_slice %arg6[%dma_wait3A_154] : memref<100352xf32, #tpu.memory_space<vmem_shared>> -> memref<100352xf32, #tpu.memory_space<vmem_shared>>
      tpu.wait_indirect_dma semaphore(%arg10 : memref<!tpu.dma_semaphore, #tpu.memory_space<semaphore_mem>>) src(%arg8 : memref<640xf32, #tpu.memory_space<vmem>>) dst(%dma_wait3A_155 : memref<100352xf32, #tpu.memory_space<vmem_shared>>)
      %dma_start3A_156 = arith.constant 11 : i32
      %dma_start3A_157 = arith.constant 0 : i32
      %dma_start3A_158 = tpu.memref_slice %arg7[%dma_start3A_156, %dma_start3A_157] : memref<18x640xi32, #tpu.memory_space<vmem>> -> memref<1x640xi32, #tpu.memory_space<vmem>>
      %dma_start3A_159 = tpu.memref_squeeze %dma_start3A_158 : memref<1x640xi32, #tpu.memory_space<vmem>> -> memref<640xi32, #tpu.memory_space<vmem>>
      %dma_start3A_160 = arith.constant 0 : i32
      %dma_start3A_161 = tpu.memref_slice %arg6[%dma_start3A_160] : memref<100352xf32, #tpu.memory_space<vmem_shared>> -> memref<100352xf32, #tpu.memory_space<vmem_shared>>
      tpu.enqueue_indirect_dma source(%arg8 : memref<640xf32, #tpu.memory_space<vmem>>) target(%dma_start3A_161 : memref<100352xf32, #tpu.memory_space<vmem_shared>>) offsets(%dma_start3A_159 : memref<640xi32, #tpu.memory_space<vmem>>) semaphore(%arg10 : memref<!tpu.dma_semaphore, #tpu.memory_space<semaphore_mem>>) {add = true}
      %dma_wait3A_162 = arith.constant 10 : i32
      %dma_wait3A_163 = arith.constant 0 : i32
      %dma_wait3A_164 = tpu.memref_slice %arg7[%dma_wait3A_162, %dma_wait3A_163] : memref<18x640xi32, #tpu.memory_space<vmem>> -> memref<1x640xi32, #tpu.memory_space<vmem>>
      %dma_wait3A_165 = tpu.memref_squeeze %dma_wait3A_164 : memref<1x640xi32, #tpu.memory_space<vmem>> -> memref<640xi32, #tpu.memory_space<vmem>>
      %dma_wait3A_166 = arith.constant 0 : i32
      %dma_wait3A_167 = tpu.memref_slice %arg6[%dma_wait3A_166] : memref<100352xf32, #tpu.memory_space<vmem_shared>> -> memref<100352xf32, #tpu.memory_space<vmem_shared>>
      tpu.wait_indirect_dma semaphore(%arg9 : memref<!tpu.dma_semaphore, #tpu.memory_space<semaphore_mem>>) src(%arg8 : memref<640xf32, #tpu.memory_space<vmem>>) dst(%dma_wait3A_167 : memref<100352xf32, #tpu.memory_space<vmem_shared>>)
      %dma_start3A_168 = arith.constant 12 : i32
      %dma_start3A_169 = arith.constant 0 : i32
      %dma_start3A_170 = tpu.memref_slice %arg7[%dma_start3A_168, %dma_start3A_169] : memref<18x640xi32, #tpu.memory_space<vmem>> -> memref<1x640xi32, #tpu.memory_space<vmem>>
      %dma_start3A_171 = tpu.memref_squeeze %dma_start3A_170 : memref<1x640xi32, #tpu.memory_space<vmem>> -> memref<640xi32, #tpu.memory_space<vmem>>
      %dma_start3A_172 = arith.constant 0 : i32
      %dma_start3A_173 = tpu.memref_slice %arg6[%dma_start3A_172] : memref<100352xf32, #tpu.memory_space<vmem_shared>> -> memref<100352xf32, #tpu.memory_space<vmem_shared>>
      tpu.enqueue_indirect_dma source(%arg8 : memref<640xf32, #tpu.memory_space<vmem>>) target(%dma_start3A_173 : memref<100352xf32, #tpu.memory_space<vmem_shared>>) offsets(%dma_start3A_171 : memref<640xi32, #tpu.memory_space<vmem>>) semaphore(%arg9 : memref<!tpu.dma_semaphore, #tpu.memory_space<semaphore_mem>>) {add = true}
      %dma_wait3A_174 = arith.constant 11 : i32
      %dma_wait3A_175 = arith.constant 0 : i32
      %dma_wait3A_176 = tpu.memref_slice %arg7[%dma_wait3A_174, %dma_wait3A_175] : memref<18x640xi32, #tpu.memory_space<vmem>> -> memref<1x640xi32, #tpu.memory_space<vmem>>
      %dma_wait3A_177 = tpu.memref_squeeze %dma_wait3A_176 : memref<1x640xi32, #tpu.memory_space<vmem>> -> memref<640xi32, #tpu.memory_space<vmem>>
      %dma_wait3A_178 = arith.constant 0 : i32
      %dma_wait3A_179 = tpu.memref_slice %arg6[%dma_wait3A_178] : memref<100352xf32, #tpu.memory_space<vmem_shared>> -> memref<100352xf32, #tpu.memory_space<vmem_shared>>
      tpu.wait_indirect_dma semaphore(%arg10 : memref<!tpu.dma_semaphore, #tpu.memory_space<semaphore_mem>>) src(%arg8 : memref<640xf32, #tpu.memory_space<vmem>>) dst(%dma_wait3A_179 : memref<100352xf32, #tpu.memory_space<vmem_shared>>)
      %dma_start3A_180 = arith.constant 13 : i32
      %dma_start3A_181 = arith.constant 0 : i32
      %dma_start3A_182 = tpu.memref_slice %arg7[%dma_start3A_180, %dma_start3A_181] : memref<18x640xi32, #tpu.memory_space<vmem>> -> memref<1x640xi32, #tpu.memory_space<vmem>>
      %dma_start3A_183 = tpu.memref_squeeze %dma_start3A_182 : memref<1x640xi32, #tpu.memory_space<vmem>> -> memref<640xi32, #tpu.memory_space<vmem>>
      %dma_start3A_184 = arith.constant 0 : i32
      %dma_start3A_185 = tpu.memref_slice %arg6[%dma_start3A_184] : memref<100352xf32, #tpu.memory_space<vmem_shared>> -> memref<100352xf32, #tpu.memory_space<vmem_shared>>
      tpu.enqueue_indirect_dma source(%arg8 : memref<640xf32, #tpu.memory_space<vmem>>) target(%dma_start3A_185 : memref<100352xf32, #tpu.memory_space<vmem_shared>>) offsets(%dma_start3A_183 : memref<640xi32, #tpu.memory_space<vmem>>) semaphore(%arg10 : memref<!tpu.dma_semaphore, #tpu.memory_space<semaphore_mem>>) {add = true}
      %dma_wait3A_186 = arith.constant 12 : i32
      %dma_wait3A_187 = arith.constant 0 : i32
      %dma_wait3A_188 = tpu.memref_slice %arg7[%dma_wait3A_186, %dma_wait3A_187] : memref<18x640xi32, #tpu.memory_space<vmem>> -> memref<1x640xi32, #tpu.memory_space<vmem>>
      %dma_wait3A_189 = tpu.memref_squeeze %dma_wait3A_188 : memref<1x640xi32, #tpu.memory_space<vmem>> -> memref<640xi32, #tpu.memory_space<vmem>>
      %dma_wait3A_190 = arith.constant 0 : i32
      %dma_wait3A_191 = tpu.memref_slice %arg6[%dma_wait3A_190] : memref<100352xf32, #tpu.memory_space<vmem_shared>> -> memref<100352xf32, #tpu.memory_space<vmem_shared>>
      tpu.wait_indirect_dma semaphore(%arg9 : memref<!tpu.dma_semaphore, #tpu.memory_space<semaphore_mem>>) src(%arg8 : memref<640xf32, #tpu.memory_space<vmem>>) dst(%dma_wait3A_191 : memref<100352xf32, #tpu.memory_space<vmem_shared>>)
      %dma_start3A_192 = arith.constant 14 : i32
      %dma_start3A_193 = arith.constant 0 : i32
      %dma_start3A_194 = tpu.memref_slice %arg7[%dma_start3A_192, %dma_start3A_193] : memref<18x640xi32, #tpu.memory_space<vmem>> -> memref<1x640xi32, #tpu.memory_space<vmem>>
      %dma_start3A_195 = tpu.memref_squeeze %dma_start3A_194 : memref<1x640xi32, #tpu.memory_space<vmem>> -> memref<640xi32, #tpu.memory_space<vmem>>
      %dma_start3A_196 = arith.constant 0 : i32
      %dma_start3A_197 = tpu.memref_slice %arg6[%dma_start3A_196] : memref<100352xf32, #tpu.memory_space<vmem_shared>> -> memref<100352xf32, #tpu.memory_space<vmem_shared>>
      tpu.enqueue_indirect_dma source(%arg8 : memref<640xf32, #tpu.memory_space<vmem>>) target(%dma_start3A_197 : memref<100352xf32, #tpu.memory_space<vmem_shared>>) offsets(%dma_start3A_195 : memref<640xi32, #tpu.memory_space<vmem>>) semaphore(%arg9 : memref<!tpu.dma_semaphore, #tpu.memory_space<semaphore_mem>>) {add = true}
      %dma_wait3A_198 = arith.constant 13 : i32
      %dma_wait3A_199 = arith.constant 0 : i32
      %dma_wait3A_200 = tpu.memref_slice %arg7[%dma_wait3A_198, %dma_wait3A_199] : memref<18x640xi32, #tpu.memory_space<vmem>> -> memref<1x640xi32, #tpu.memory_space<vmem>>
      %dma_wait3A_201 = tpu.memref_squeeze %dma_wait3A_200 : memref<1x640xi32, #tpu.memory_space<vmem>> -> memref<640xi32, #tpu.memory_space<vmem>>
      %dma_wait3A_202 = arith.constant 0 : i32
      %dma_wait3A_203 = tpu.memref_slice %arg6[%dma_wait3A_202] : memref<100352xf32, #tpu.memory_space<vmem_shared>> -> memref<100352xf32, #tpu.memory_space<vmem_shared>>
      tpu.wait_indirect_dma semaphore(%arg10 : memref<!tpu.dma_semaphore, #tpu.memory_space<semaphore_mem>>) src(%arg8 : memref<640xf32, #tpu.memory_space<vmem>>) dst(%dma_wait3A_203 : memref<100352xf32, #tpu.memory_space<vmem_shared>>)
      %dma_start3A_204 = arith.constant 15 : i32
      %dma_start3A_205 = arith.constant 0 : i32
      %dma_start3A_206 = tpu.memref_slice %arg7[%dma_start3A_204, %dma_start3A_205] : memref<18x640xi32, #tpu.memory_space<vmem>> -> memref<1x640xi32, #tpu.memory_space<vmem>>
      %dma_start3A_207 = tpu.memref_squeeze %dma_start3A_206 : memref<1x640xi32, #tpu.memory_space<vmem>> -> memref<640xi32, #tpu.memory_space<vmem>>
      %dma_start3A_208 = arith.constant 0 : i32
      %dma_start3A_209 = tpu.memref_slice %arg6[%dma_start3A_208] : memref<100352xf32, #tpu.memory_space<vmem_shared>> -> memref<100352xf32, #tpu.memory_space<vmem_shared>>
      tpu.enqueue_indirect_dma source(%arg8 : memref<640xf32, #tpu.memory_space<vmem>>) target(%dma_start3A_209 : memref<100352xf32, #tpu.memory_space<vmem_shared>>) offsets(%dma_start3A_207 : memref<640xi32, #tpu.memory_space<vmem>>) semaphore(%arg10 : memref<!tpu.dma_semaphore, #tpu.memory_space<semaphore_mem>>) {add = true}
      %dma_wait3A_210 = arith.constant 14 : i32
      %dma_wait3A_211 = arith.constant 0 : i32
      %dma_wait3A_212 = tpu.memref_slice %arg7[%dma_wait3A_210, %dma_wait3A_211] : memref<18x640xi32, #tpu.memory_space<vmem>> -> memref<1x640xi32, #tpu.memory_space<vmem>>
      %dma_wait3A_213 = tpu.memref_squeeze %dma_wait3A_212 : memref<1x640xi32, #tpu.memory_space<vmem>> -> memref<640xi32, #tpu.memory_space<vmem>>
      %dma_wait3A_214 = arith.constant 0 : i32
      %dma_wait3A_215 = tpu.memref_slice %arg6[%dma_wait3A_214] : memref<100352xf32, #tpu.memory_space<vmem_shared>> -> memref<100352xf32, #tpu.memory_space<vmem_shared>>
      tpu.wait_indirect_dma semaphore(%arg9 : memref<!tpu.dma_semaphore, #tpu.memory_space<semaphore_mem>>) src(%arg8 : memref<640xf32, #tpu.memory_space<vmem>>) dst(%dma_wait3A_215 : memref<100352xf32, #tpu.memory_space<vmem_shared>>)
      %dma_start3A_216 = arith.constant 16 : i32
      %dma_start3A_217 = arith.constant 0 : i32
      %dma_start3A_218 = tpu.memref_slice %arg7[%dma_start3A_216, %dma_start3A_217] : memref<18x640xi32, #tpu.memory_space<vmem>> -> memref<1x640xi32, #tpu.memory_space<vmem>>
      %dma_start3A_219 = tpu.memref_squeeze %dma_start3A_218 : memref<1x640xi32, #tpu.memory_space<vmem>> -> memref<640xi32, #tpu.memory_space<vmem>>
      %dma_start3A_220 = arith.constant 0 : i32
      %dma_start3A_221 = tpu.memref_slice %arg6[%dma_start3A_220] : memref<100352xf32, #tpu.memory_space<vmem_shared>> -> memref<100352xf32, #tpu.memory_space<vmem_shared>>
      tpu.enqueue_indirect_dma source(%arg8 : memref<640xf32, #tpu.memory_space<vmem>>) target(%dma_start3A_221 : memref<100352xf32, #tpu.memory_space<vmem_shared>>) offsets(%dma_start3A_219 : memref<640xi32, #tpu.memory_space<vmem>>) semaphore(%arg9 : memref<!tpu.dma_semaphore, #tpu.memory_space<semaphore_mem>>) {add = true}
      %dma_wait3A_222 = arith.constant 15 : i32
      %dma_wait3A_223 = arith.constant 0 : i32
      %dma_wait3A_224 = tpu.memref_slice %arg7[%dma_wait3A_222, %dma_wait3A_223] : memref<18x640xi32, #tpu.memory_space<vmem>> -> memref<1x640xi32, #tpu.memory_space<vmem>>
      %dma_wait3A_225 = tpu.memref_squeeze %dma_wait3A_224 : memref<1x640xi32, #tpu.memory_space<vmem>> -> memref<640xi32, #tpu.memory_space<vmem>>
      %dma_wait3A_226 = arith.constant 0 : i32
      %dma_wait3A_227 = tpu.memref_slice %arg6[%dma_wait3A_226] : memref<100352xf32, #tpu.memory_space<vmem_shared>> -> memref<100352xf32, #tpu.memory_space<vmem_shared>>
      tpu.wait_indirect_dma semaphore(%arg10 : memref<!tpu.dma_semaphore, #tpu.memory_space<semaphore_mem>>) src(%arg8 : memref<640xf32, #tpu.memory_space<vmem>>) dst(%dma_wait3A_227 : memref<100352xf32, #tpu.memory_space<vmem_shared>>)
      %dma_start3A_228 = arith.constant 17 : i32
      %dma_start3A_229 = arith.constant 0 : i32
      %dma_start3A_230 = tpu.memref_slice %arg7[%dma_start3A_228, %dma_start3A_229] : memref<18x640xi32, #tpu.memory_space<vmem>> -> memref<1x640xi32, #tpu.memory_space<vmem>>
      %dma_start3A_231 = tpu.memref_squeeze %dma_start3A_230 : memref<1x640xi32, #tpu.memory_space<vmem>> -> memref<640xi32, #tpu.memory_space<vmem>>
      %dma_start3A_232 = arith.constant 0 : i32
      %dma_start3A_233 = tpu.memref_slice %arg6[%dma_start3A_232] : memref<100352xf32, #tpu.memory_space<vmem_shared>> -> memref<100352xf32, #tpu.memory_space<vmem_shared>>
      tpu.enqueue_indirect_dma source(%arg8 : memref<640xf32, #tpu.memory_space<vmem>>) target(%dma_start3A_233 : memref<100352xf32, #tpu.memory_space<vmem_shared>>) offsets(%dma_start3A_231 : memref<640xi32, #tpu.memory_space<vmem>>) semaphore(%arg10 : memref<!tpu.dma_semaphore, #tpu.memory_space<semaphore_mem>>) {add = true}
    }
    %scan3A_7 = arith.constant 9 : i32
    %dma_wait3A = arith.constant 16 : i32
    %dma_wait3A_8 = arith.constant 0 : i32
    %dma_wait3A_9 = tpu.memref_slice %arg7[%dma_wait3A, %dma_wait3A_8] : memref<18x640xi32, #tpu.memory_space<vmem>> -> memref<1x640xi32, #tpu.memory_space<vmem>>
    %dma_wait3A_10 = tpu.memref_squeeze %dma_wait3A_9 : memref<1x640xi32, #tpu.memory_space<vmem>> -> memref<640xi32, #tpu.memory_space<vmem>>
    %dma_wait3A_11 = arith.constant 0 : i32
    %dma_wait3A_12 = tpu.memref_slice %arg6[%dma_wait3A_11] : memref<100352xf32, #tpu.memory_space<vmem_shared>> -> memref<100352xf32, #tpu.memory_space<vmem_shared>>
    tpu.wait_indirect_dma semaphore(%arg9 : memref<!tpu.dma_semaphore, #tpu.memory_space<semaphore_mem>>) src(%arg8 : memref<640xf32, #tpu.memory_space<vmem>>) dst(%dma_wait3A_12 : memref<100352xf32, #tpu.memory_space<vmem_shared>>)
    %dma_wait3A_13 = arith.constant 17 : i32
    %dma_wait3A_14 = arith.constant 0 : i32
    %dma_wait3A_15 = tpu.memref_slice %arg7[%dma_wait3A_13, %dma_wait3A_14] : memref<18x640xi32, #tpu.memory_space<vmem>> -> memref<1x640xi32, #tpu.memory_space<vmem>>
    %dma_wait3A_16 = tpu.memref_squeeze %dma_wait3A_15 : memref<1x640xi32, #tpu.memory_space<vmem>> -> memref<640xi32, #tpu.memory_space<vmem>>
    %dma_wait3A_17 = arith.constant 0 : i32
    %dma_wait3A_18 = tpu.memref_slice %arg6[%dma_wait3A_17] : memref<100352xf32, #tpu.memory_space<vmem_shared>> -> memref<100352xf32, #tpu.memory_space<vmem_shared>>
    tpu.wait_indirect_dma semaphore(%arg10 : memref<!tpu.dma_semaphore, #tpu.memory_space<semaphore_mem>>) src(%arg8 : memref<640xf32, #tpu.memory_space<vmem>>) dst(%dma_wait3A_18 : memref<100352xf32, #tpu.memory_space<vmem_shared>>)
    %barrier3A_19 = arith.constant 0 : index
    tpu.barrier barrier_id(%barrier3A_19)
    %mul3A_20 = arith.constant 100352 : i32
    %mul3A_21 = arith.muli %arg0, %mul3A_20 : i32
    %add3A_22 = arith.addi %mul3A_21, %mul3A_2 : i32
    "tpu.region"() ({
      %run_scoped3A = tpu.sem_alloc : memref<!tpu.dma_semaphore, #tpu.memory_space<semaphore_mem>>
      %dma_start3A = tpu.memref_slice %arg5[%add3A_22] : memref<200704xf32, #tpu.memory_space<hbm>> -> memref<6272xf32, #tpu.memory_space<hbm>>
      %dma_start3A_23 = tpu.memref_slice %arg6[%mul3A_2] : memref<100352xf32, #tpu.memory_space<vmem_shared>> -> memref<6272xf32, #tpu.memory_space<vmem_shared>>
      tpu.enqueue_dma source(%dma_start3A_23 : memref<6272xf32, #tpu.memory_space<vmem_shared>>) target(%dma_start3A : memref<6272xf32, #tpu.memory_space<hbm>>) target_semaphore(%run_scoped3A : memref<!tpu.dma_semaphore, #tpu.memory_space<semaphore_mem>>)
      %dma_wait3A_24 = tpu.memref_slice %arg5[%add3A_22] : memref<200704xf32, #tpu.memory_space<hbm>> -> memref<6272xf32, #tpu.memory_space<hbm>>
      %dma_wait3A_25 = tpu.memref_slice %arg6[%mul3A_2] : memref<100352xf32, #tpu.memory_space<vmem_shared>> -> memref<6272xf32, #tpu.memory_space<vmem_shared>>
      tpu.wait_dma2 semaphore(%run_scoped3A : memref<!tpu.dma_semaphore, #tpu.memory_space<semaphore_mem>>) src(%dma_wait3A_25 : memref<6272xf32, #tpu.memory_space<vmem_shared>>) dst(%dma_wait3A_24 : memref<6272xf32, #tpu.memory_space<hbm>>)
      tpu.yield
    }) : () -> ()
    return
  }
}

module attributes {stable_mosaic.version = 14 : i64} {
  func.func @_dense1_body(%arg0: i32, %arg1: memref<6272x16xf32, #tpu.memory_space<vmem>>, %arg2: memref<6272x1xf32, #tpu.memory_space<vmem>>, %arg3: memref<6272x1xf32, #tpu.memory_space<vmem>>, %arg4: memref<16x16xf32, #tpu.memory_space<vmem>>, %arg5: memref<6272x16xf32, #tpu.memory_space<vmem>>, %arg6: memref<6272x16xf32, #tpu.memory_space<vmem>>) attributes {dimension_semantics = [#tpu.dimension_semantics<arbitrary>], iteration_bounds = array<i64: 16>, scalar_prefetch = 0 : i64, scratch_operands = 0 : i64, tpu.core_type = #tpu.core_type<tc>, window_params = [{transform_indices = @transform_0, window_bounds = array<i64: 6272, 16>}, {transform_indices = @transform_1, window_bounds = array<i64: 6272, 1>}, {transform_indices = @transform_2, window_bounds = array<i64: 6272, 1>}, {pipeline_mode = #tpu.pipeline_mode<synchronous>, transform_indices = @transform_3, window_bounds = array<i64: 16, 16>}, {transform_indices = @transform_4, window_bounds = array<i64: 6272, 16>}, {transform_indices = @transform_5, window_bounds = array<i64: 6272, 16>}]} {
    %get3A = arith.constant 0 : index
    %get3A_0 = arith.constant 0 : index
    %get3A_1 = vector.load %arg2[%get3A, %get3A_0] : memref<6272x1xf32, #tpu.memory_space<vmem>>, vector<6272x1xf32>
    %get3A_2 = arith.constant 0 : index
    %get3A_3 = arith.constant 0 : index
    %get3A_4 = vector.load %arg3[%get3A_2, %get3A_3] : memref<6272x1xf32, #tpu.memory_space<vmem>>, vector<6272x1xf32>
    %add3A = arith.addf %get3A_1, %get3A_4 : vector<6272x1xf32>
    %add3A_5 = arith.constant 1.000000e+00 : f32
    %add3A_6 = vector.broadcast %add3A_5 : f32 to vector<6272x1xf32>
    %add3A_7 = arith.addf %add3A, %add3A_6 : vector<6272x1xf32>
    %rsqrt3A = math.rsqrt %add3A_7 : vector<6272x1xf32>
    %mul3A = arith.constant 5.000000e-01 : f32
    %mul3A_8 = vector.broadcast %mul3A : f32 to vector<6272x1xf32>
    %mul3A_9 = arith.mulf %mul3A_8, %add3A_7 : vector<6272x1xf32>
    %mul3A_10 = arith.mulf %mul3A_9, %rsqrt3A : vector<6272x1xf32>
    %mul3A_11 = arith.mulf %mul3A_10, %rsqrt3A : vector<6272x1xf32>
    %sub3A = arith.constant 1.500000e+00 : f32
    %sub3A_12 = vector.broadcast %sub3A : f32 to vector<6272x1xf32>
    %sub3A_13 = arith.subf %sub3A_12, %mul3A_11 : vector<6272x1xf32>
    %mul3A_14 = arith.mulf %rsqrt3A, %sub3A_13 : vector<6272x1xf32>
    %get3A_15 = arith.constant 0 : index
    %get3A_16 = arith.constant 0 : index
    %get3A_17 = vector.load %arg1[%get3A_15, %get3A_16] : memref<6272x16xf32, #tpu.memory_space<vmem>>, vector<6272x16xf32>
    %get3A_18 = arith.constant 0 : index
    %get3A_19 = arith.constant 0 : index
    %get3A_20 = vector.load %arg4[%get3A_18, %get3A_19] : memref<16x16xf32, #tpu.memory_space<vmem>>, vector<16x16xf32>
    %dot_general3A = arith.constant dense<0.000000e+00> : vector<6272x16xf32>
    %dot_general3A_21 = tpu.matmul %get3A_17, %get3A_20, %dot_general3A {dimension_numbers = #tpu.dot_dimension_numbers<[1], [0], [0], [1], [0, 0, 1, 1], [], []>, transpose_lhs_hint = false} : vector<6272x16xf32>, vector<16x16xf32>, vector<6272x16xf32> -> vector<6272x16xf32>
    %mul3A_22 = vector.broadcast %mul3A_14 : vector<6272x1xf32> to vector<6272x16xf32>
    %mul3A_23 = arith.mulf %dot_general3A_21, %mul3A_22 : vector<6272x16xf32>
    %swap3A = arith.constant 0 : index
    %swap3A_24 = arith.constant 0 : index
    %swap3A_25 = vector.load %arg5[%swap3A, %swap3A_24] : memref<6272x16xf32, #tpu.memory_space<vmem>>, vector<6272x16xf32>
    tpu.vector_store %arg5[%swap3A, %swap3A_24], %mul3A_23 {strides = array<i32>} : memref<6272x16xf32, #tpu.memory_space<vmem>>, vector<6272x16xf32>,
    %broadcast_in_dim3A = vector.shape_cast %mul3A_14 : vector<6272x1xf32> to vector<6272x1xf32>
    %broadcast_in_dim3A_26 = vector.broadcast %broadcast_in_dim3A : vector<6272x1xf32> to vector<6272x16xf32>
    %swap3A_27 = arith.constant 0 : index
    %swap3A_28 = arith.constant 0 : index
    %swap3A_29 = vector.load %arg6[%swap3A_27, %swap3A_28] : memref<6272x16xf32, #tpu.memory_space<vmem>>, vector<6272x16xf32>
    tpu.vector_store %arg6[%swap3A_27, %swap3A_28], %broadcast_in_dim3A_26 {strides = array<i32>} : memref<6272x16xf32, #tpu.memory_space<vmem>>, vector<6272x16xf32>,
    return
  }
  func.func @transform_0(%arg0: i32) -> (i32, i32) {
    %c0_i32 = arith.constant 0 : i32
    %c0_i32_0 = arith.constant 0 : i32
    return %arg0, %c0_i32 : i32, i32
  }
  func.func @transform_1(%arg0: i32) -> (i32, i32) {
    %c0_i32 = arith.constant 0 : i32
    %c0_i32_0 = arith.constant 0 : i32
    return %arg0, %c0_i32 : i32, i32
  }
  func.func @transform_2(%arg0: i32) -> (i32, i32) {
    %c0_i32 = arith.constant 0 : i32
    %c0_i32_0 = arith.constant 0 : i32
    return %arg0, %c0_i32 : i32, i32
  }
  func.func @transform_3(%arg0: i32) -> (i32, i32) {
    %c0_i32 = arith.constant 0 : i32
    %c0_i32_0 = arith.constant 0 : i32
    %c0_i32_1 = arith.constant 0 : i32
    return %c0_i32, %c0_i32_0 : i32, i32
  }
  func.func @transform_4(%arg0: i32) -> (i32, i32) {
    %c0_i32 = arith.constant 0 : i32
    %c0_i32_0 = arith.constant 0 : i32
    return %arg0, %c0_i32 : i32, i32
  }
  func.func @transform_5(%arg0: i32) -> (i32, i32) {
    %c0_i32 = arith.constant 0 : i32
    %c0_i32_0 = arith.constant 0 : i32
    return %arg0, %c0_i32 : i32, i32
  }
}

module attributes {stable_mosaic.version = 14 : i64} {
  func.func @_dense2_body(%arg0: i32, %arg1: memref<6272x16xf32, #tpu.memory_space<vmem>>, %arg2: memref<6272x16xf32, #tpu.memory_space<vmem>>, %arg3: memref<6272x16xf32, #tpu.memory_space<vmem>>, %arg4: memref<6272x16xf32, #tpu.memory_space<vmem>>, %arg5: memref<16x16xf32, #tpu.memory_space<vmem>>, %arg6: memref<8x16xf32, #tpu.memory_space<vmem>>, %arg7: memref<6272x16xf32, #tpu.memory_space<vmem>>) attributes {dimension_semantics = [#tpu.dimension_semantics<arbitrary>], iteration_bounds = array<i64: 16>, scalar_prefetch = 0 : i64, scratch_operands = 0 : i64, tpu.core_type = #tpu.core_type<tc>, window_params = [{transform_indices = @transform_0, window_bounds = array<i64: 6272, 16>}, {transform_indices = @transform_1, window_bounds = array<i64: 6272, 16>}, {transform_indices = @transform_2, window_bounds = array<i64: 6272, 16>}, {transform_indices = @transform_3, window_bounds = array<i64: 6272, 16>}, {pipeline_mode = #tpu.pipeline_mode<synchronous>, transform_indices = @transform_4, window_bounds = array<i64: 16, 16>}, {pipeline_mode = #tpu.pipeline_mode<synchronous>, transform_indices = @transform_5, window_bounds = array<i64: 8, 16>}, {transform_indices = @transform_6, window_bounds = array<i64: 6272, 16>}]} {
    %get3A = arith.constant 0 : index
    %get3A_0 = arith.constant 0 : index
    %get3A_1 = vector.load %arg4[%get3A, %get3A_0] : memref<6272x16xf32, #tpu.memory_space<vmem>>, vector<6272x16xf32>
    %get3A_2 = arith.constant 0 : index
    %get3A_3 = arith.constant 0 : index
    %get3A_4 = vector.load %arg1[%get3A_2, %get3A_3] : memref<6272x16xf32, #tpu.memory_space<vmem>>, vector<6272x16xf32>
    %get3A_5 = arith.constant 0 : index
    %get3A_6 = arith.constant 0 : index
    %get3A_7 = vector.load %arg2[%get3A_5, %get3A_6] : memref<6272x16xf32, #tpu.memory_space<vmem>>, vector<6272x16xf32>
    %add3A = arith.addf %get3A_4, %get3A_7 : vector<6272x16xf32>
    %get3A_8 = arith.constant 0 : index
    %get3A_9 = arith.constant 0 : index
    %get3A_10 = vector.load %arg3[%get3A_8, %get3A_9] : memref<6272x16xf32, #tpu.memory_space<vmem>>, vector<6272x16xf32>
    %add3A_11 = arith.addf %add3A, %get3A_10 : vector<6272x16xf32>
    %mul3A = arith.mulf %add3A_11, %get3A_1 : vector<6272x16xf32>
    %get3A_12 = arith.constant 0 : index
    %get3A_13 = arith.constant 0 : index
    %get3A_14 = vector.load %arg6[%get3A_12, %get3A_13] : memref<8x16xf32, #tpu.memory_space<vmem>>, vector<1x16xf32>
    %add3A_15 = vector.broadcast %get3A_14 : vector<1x16xf32> to vector<6272x16xf32>
    %add3A_16 = arith.addf %mul3A, %add3A_15 : vector<6272x16xf32>
    %max3A = arith.constant 0.000000e+00 : f32
    %max3A_17 = vector.broadcast %max3A : f32 to vector<6272x16xf32>
    %max3A_18 = arith.maximumf %add3A_16, %max3A_17 : vector<6272x16xf32>
    %mul3A_19 = arith.mulf %max3A_18, %get3A_1 : vector<6272x16xf32>
    %get3A_20 = arith.constant 0 : index
    %get3A_21 = arith.constant 0 : index
    %get3A_22 = vector.load %arg5[%get3A_20, %get3A_21] : memref<16x16xf32, #tpu.memory_space<vmem>>, vector<16x16xf32>
    %dot_general3A = arith.constant dense<0.000000e+00> : vector<6272x16xf32>
    %dot_general3A_23 = tpu.matmul %mul3A_19, %get3A_22, %dot_general3A {dimension_numbers = #tpu.dot_dimension_numbers<[1], [0], [0], [1], [0, 0, 1, 1], [], []>, transpose_lhs_hint = false} : vector<6272x16xf32>, vector<16x16xf32>, vector<6272x16xf32> -> vector<6272x16xf32>
    %swap3A = arith.constant 0 : index
    %swap3A_24 = arith.constant 0 : index
    %swap3A_25 = vector.load %arg7[%swap3A, %swap3A_24] : memref<6272x16xf32, #tpu.memory_space<vmem>>, vector<6272x16xf32>
    tpu.vector_store %arg7[%swap3A, %swap3A_24], %dot_general3A_23 {strides = array<i32>} : memref<6272x16xf32, #tpu.memory_space<vmem>>, vector<6272x16xf32>,
    return
  }
  func.func @transform_0(%arg0: i32) -> (i32, i32) {
    %c0_i32 = arith.constant 0 : i32
    %c0_i32_0 = arith.constant 0 : i32
    return %arg0, %c0_i32 : i32, i32
  }
  func.func @transform_1(%arg0: i32) -> (i32, i32) {
    %c0_i32 = arith.constant 0 : i32
    %c0_i32_0 = arith.constant 0 : i32
    return %arg0, %c0_i32 : i32, i32
  }
  func.func @transform_2(%arg0: i32) -> (i32, i32) {
    %c0_i32 = arith.constant 0 : i32
    %c0_i32_0 = arith.constant 0 : i32
    return %arg0, %c0_i32 : i32, i32
  }
  func.func @transform_3(%arg0: i32) -> (i32, i32) {
    %c0_i32 = arith.constant 0 : i32
    %c0_i32_0 = arith.constant 0 : i32
    return %arg0, %c0_i32 : i32, i32
  }
  func.func @transform_4(%arg0: i32) -> (i32, i32) {
    %c0_i32 = arith.constant 0 : i32
    %c0_i32_0 = arith.constant 0 : i32
    %c0_i32_1 = arith.constant 0 : i32
    return %c0_i32, %c0_i32_0 : i32, i32
  }
  func.func @transform_5(%arg0: i32) -> (i32, i32) {
    %c0_i32 = arith.constant 0 : i32
    %c0_i32_0 = arith.constant 0 : i32
    %c0_i32_1 = arith.constant 0 : i32
    return %c0_i32, %c0_i32_0 : i32, i32
  }
  func.func @transform_6(%arg0: i32) -> (i32, i32) {
    %c0_i32 = arith.constant 0 : i32
    %c0_i32_0 = arith.constant 0 : i32
    return %arg0, %c0_i32 : i32, i32
  }
}

module attributes {stable_mosaic.version = 14 : i64} {
  func.func @_heads_body(%arg0: i32, %arg1: memref<1x128x16xf32, #tpu.memory_space<vmem>>, %arg2: memref<1x128x16xf32, #tpu.memory_space<vmem>>, %arg3: memref<1x128x16xf32, #tpu.memory_space<vmem>>, %arg4: memref<1x128x16xf32, #tpu.memory_space<vmem>>, %arg5: memref<8x16xf32, #tpu.memory_space<vmem>>, %arg6: memref<1x16x8xf32, #tpu.memory_space<vmem>>, %arg7: memref<1x8x8xf32, #tpu.memory_space<vmem>>, %arg8: memref<1x8x1xf32, #tpu.memory_space<vmem>>, %arg9: memref<1x8x8xf32, #tpu.memory_space<vmem>>, %arg10: memref<1x128x1xf32, #tpu.memory_space<vmem>>) attributes {dimension_semantics = [#tpu.dimension_semantics<arbitrary>], iteration_bounds = array<i64: 9>, scalar_prefetch = 0 : i64, scratch_operands = 0 : i64, tpu.core_type = #tpu.core_type<tc>, window_params = [{transform_indices = @transform_0, window_bounds = array<i64: 1, 128, 16>}, {transform_indices = @transform_1, window_bounds = array<i64: 1, 128, 16>}, {transform_indices = @transform_2, window_bounds = array<i64: 1, 128, 16>}, {transform_indices = @transform_3, window_bounds = array<i64: 1, 128, 16>}, {pipeline_mode = #tpu.pipeline_mode<synchronous>, transform_indices = @transform_4, window_bounds = array<i64: 8, 16>}, {transform_indices = @transform_5, window_bounds = array<i64: 1, 16, 8>}, {transform_indices = @transform_6, window_bounds = array<i64: 1, 8, 8>}, {transform_indices = @transform_7, window_bounds = array<i64: 1, 8, 1>}, {transform_indices = @transform_8, window_bounds = array<i64: 1, 8, 8>}, {transform_indices = @transform_9, window_bounds = array<i64: 1, 128, 1>}]} {
    %get3A = arith.constant 0 : index
    %get3A_0 = arith.constant 0 : index
    %get3A_1 = arith.constant 0 : index
    %get3A_2 = vector.load %arg1[%get3A, %get3A_0, %get3A_1] : memref<1x128x16xf32, #tpu.memory_space<vmem>>, vector<1x128x16xf32>
    %get3A_3 = vector.shape_cast %get3A_2 : vector<1x128x16xf32> to vector<128x16xf32>
    %get3A_4 = arith.constant 0 : index
    %get3A_5 = arith.constant 0 : index
    %get3A_6 = arith.constant 0 : index
    %get3A_7 = vector.load %arg2[%get3A_4, %get3A_5, %get3A_6] : memref<1x128x16xf32, #tpu.memory_space<vmem>>, vector<1x128x16xf32>
    %get3A_8 = vector.shape_cast %get3A_7 : vector<1x128x16xf32> to vector<128x16xf32>
    %add3A = arith.addf %get3A_3, %get3A_8 : vector<128x16xf32>
    %get3A_9 = arith.constant 0 : index
    %get3A_10 = arith.constant 0 : index
    %get3A_11 = arith.constant 0 : index
    %get3A_12 = vector.load %arg3[%get3A_9, %get3A_10, %get3A_11] : memref<1x128x16xf32, #tpu.memory_space<vmem>>, vector<1x128x16xf32>
    %get3A_13 = vector.shape_cast %get3A_12 : vector<1x128x16xf32> to vector<128x16xf32>
    %add3A_14 = arith.addf %add3A, %get3A_13 : vector<128x16xf32>
    %get3A_15 = arith.constant 0 : index
    %get3A_16 = arith.constant 0 : index
    %get3A_17 = arith.constant 0 : index
    %get3A_18 = vector.load %arg4[%get3A_15, %get3A_16, %get3A_17] : memref<1x128x16xf32, #tpu.memory_space<vmem>>, vector<1x128x16xf32>
    %get3A_19 = vector.shape_cast %get3A_18 : vector<1x128x16xf32> to vector<128x16xf32>
    %mul3A = arith.mulf %add3A_14, %get3A_19 : vector<128x16xf32>
    %get3A_20 = arith.constant 0 : index
    %get3A_21 = arith.constant 0 : index
    %get3A_22 = vector.load %arg5[%get3A_20, %get3A_21] : memref<8x16xf32, #tpu.memory_space<vmem>>, vector<1x16xf32>
    %add3A_23 = vector.broadcast %get3A_22 : vector<1x16xf32> to vector<128x16xf32>
    %add3A_24 = arith.addf %mul3A, %add3A_23 : vector<128x16xf32>
    %max3A = arith.constant 0.000000e+00 : f32
    %max3A_25 = vector.broadcast %max3A : f32 to vector<128x16xf32>
    %max3A_26 = arith.maximumf %add3A_24, %max3A_25 : vector<128x16xf32>
    %get3A_27 = arith.constant 0 : index
    %get3A_28 = arith.constant 0 : index
    %get3A_29 = arith.constant 0 : index
    %get3A_30 = vector.load %arg6[%get3A_27, %get3A_28, %get3A_29] : memref<1x16x8xf32, #tpu.memory_space<vmem>>, vector<1x16x8xf32>
    %get3A_31 = vector.shape_cast %get3A_30 : vector<1x16x8xf32> to vector<16x8xf32>
    %dot_general3A = arith.constant dense<0.000000e+00> : vector<128x8xf32>
    %dot_general3A_32 = tpu.matmul %max3A_26, %get3A_31, %dot_general3A {dimension_numbers = #tpu.dot_dimension_numbers<[1], [0], [0], [1], [0, 0, 1, 1], [], []>, transpose_lhs_hint = false} : vector<128x16xf32>, vector<16x8xf32>, vector<128x8xf32> -> vector<128x8xf32>
    %get3A_33 = arith.constant 0 : index
    %get3A_34 = arith.constant 0 : index
    %get3A_35 = arith.constant 0 : index
    %get3A_36 = vector.load %arg7[%get3A_33, %get3A_34, %get3A_35] : memref<1x8x8xf32, #tpu.memory_space<vmem>>, vector<1x1x8xf32>
    %get3A_37 = vector.shape_cast %get3A_36 : vector<1x1x8xf32> to vector<1x8xf32>
    %add3A_38 = vector.broadcast %get3A_37 : vector<1x8xf32> to vector<128x8xf32>
    %add3A_39 = arith.addf %dot_general3A_32, %add3A_38 : vector<128x8xf32>
    %max3A_40 = arith.constant 0.000000e+00 : f32
    %max3A_41 = vector.broadcast %max3A_40 : f32 to vector<128x8xf32>
    %max3A_42 = arith.maximumf %add3A_39, %max3A_41 : vector<128x8xf32>
    %get3A_43 = arith.constant 0 : index
    %get3A_44 = arith.constant 0 : index
    %get3A_45 = arith.constant 0 : index
    %get3A_46 = vector.load %arg8[%get3A_43, %get3A_44, %get3A_45] : memref<1x8x1xf32, #tpu.memory_space<vmem>>, vector<1x8x1xf32>
    %get3A_47 = vector.shape_cast %get3A_46 : vector<1x8x1xf32> to vector<8x1xf32>
    %dot_general3A_48 = arith.constant dense<0.000000e+00> : vector<128x1xf32>
    %dot_general3A_49 = tpu.matmul %max3A_42, %get3A_47, %dot_general3A_48 {dimension_numbers = #tpu.dot_dimension_numbers<[1], [0], [0], [1], [0, 0, 1, 1], [], []>, transpose_lhs_hint = false} : vector<128x8xf32>, vector<8x1xf32>, vector<128x1xf32> -> vector<128x1xf32>
    %get3A_50 = arith.constant 0 : index
    %get3A_51 = arith.constant 0 : index
    %get3A_52 = arith.constant 0 : index
    %get3A_53 = vector.load %arg9[%get3A_50, %get3A_51, %get3A_52] : memref<1x8x8xf32, #tpu.memory_space<vmem>>, vector<1x1x1xf32>
    %get3A_54 = vector.shape_cast %get3A_53 : vector<1x1x1xf32> to vector<1x1xf32>
    %add3A_55 = vector.broadcast %get3A_54 : vector<1x1xf32> to vector<128x1xf32>
    %add3A_56 = arith.addf %dot_general3A_49, %add3A_55 : vector<128x1xf32>
    %swap3A = arith.constant 0 : index
    %swap3A_57 = arith.constant 0 : index
    %swap3A_58 = arith.constant 0 : index
    %swap3A_59 = vector.load %arg10[%swap3A, %swap3A_57, %swap3A_58] : memref<1x128x1xf32, #tpu.memory_space<vmem>>, vector<1x128x1xf32>
    %swap3A_60 = vector.shape_cast %swap3A_59 : vector<1x128x1xf32> to vector<128x1xf32>
    %swap3A_61 = vector.shape_cast %add3A_56 : vector<128x1xf32> to vector<1x128x1xf32>
    tpu.vector_store %arg10[%swap3A, %swap3A_57, %swap3A_58], %swap3A_61 {strides = array<i32>} : memref<1x128x1xf32, #tpu.memory_space<vmem>>, vector<1x128x1xf32>,
    return
  }
  func.func @transform_0(%arg0: i32) -> (i32, i32, i32) {
    %c0_i32 = arith.constant 0 : i32
    %c0_i32_0 = arith.constant 0 : i32
    %c0_i32_1 = arith.constant 0 : i32
    return %arg0, %c0_i32, %c0_i32_0 : i32, i32, i32
  }
  func.func @transform_1(%arg0: i32) -> (i32, i32, i32) {
    %c0_i32 = arith.constant 0 : i32
    %c0_i32_0 = arith.constant 0 : i32
    %c0_i32_1 = arith.constant 0 : i32
    return %arg0, %c0_i32, %c0_i32_0 : i32, i32, i32
  }
  func.func @transform_2(%arg0: i32) -> (i32, i32, i32) {
    %c0_i32 = arith.constant 0 : i32
    %c0_i32_0 = arith.constant 0 : i32
    %c0_i32_1 = arith.constant 0 : i32
    return %arg0, %c0_i32, %c0_i32_0 : i32, i32, i32
  }
  func.func @transform_3(%arg0: i32) -> (i32, i32, i32) {
    %c0_i32 = arith.constant 0 : i32
    %c0_i32_0 = arith.constant 0 : i32
    %c0_i32_1 = arith.constant 0 : i32
    return %arg0, %c0_i32, %c0_i32_0 : i32, i32, i32
  }
  func.func @transform_4(%arg0: i32) -> (i32, i32) {
    %c0_i32 = arith.constant 0 : i32
    %c0_i32_0 = arith.constant 0 : i32
    %c0_i32_1 = arith.constant 0 : i32
    return %c0_i32, %c0_i32_0 : i32, i32
  }
  func.func @transform_5(%arg0: i32) -> (i32, i32, i32) {
    %c0_i32 = arith.constant 0 : i32
    %c0_i32_0 = arith.constant 0 : i32
    %c0_i32_1 = arith.constant 0 : i32
    return %arg0, %c0_i32, %c0_i32_0 : i32, i32, i32
  }
  func.func @transform_6(%arg0: i32) -> (i32, i32, i32) {
    %c0_i32 = arith.constant 0 : i32
    %c0_i32_0 = arith.constant 0 : i32
    %c0_i32_1 = arith.constant 0 : i32
    return %arg0, %c0_i32, %c0_i32_0 : i32, i32, i32
  }
  func.func @transform_7(%arg0: i32) -> (i32, i32, i32) {
    %c0_i32 = arith.constant 0 : i32
    %c0_i32_0 = arith.constant 0 : i32
    %c0_i32_1 = arith.constant 0 : i32
    return %arg0, %c0_i32, %c0_i32_0 : i32, i32, i32
  }
  func.func @transform_8(%arg0: i32) -> (i32, i32, i32) {
    %c0_i32 = arith.constant 0 : i32
    %c0_i32_0 = arith.constant 0 : i32
    %c0_i32_1 = arith.constant 0 : i32
    return %arg0, %c0_i32, %c0_i32_0 : i32, i32, i32
  }
  func.func @transform_9(%arg0: i32) -> (i32, i32, i32) {
    %c0_i32 = arith.constant 0 : i32
    %c0_i32_0 = arith.constant 0 : i32
    %c0_i32_1 = arith.constant 0 : i32
    return %arg0, %c0_i32, %c0_i32_0 : i32, i32, i32
  }
}

</mosaic_0001>

<sc_bundles>
// kernel: kernel.11.cloned.1.call-start
scs
__scs_entry_jumppad:
0x0: {  	(pc) =	sbr.rel $0x88, $3  }
0x1: {  	(tag) =	ssettag $0x0;
	lr =	simm.s32 $0x1  }
0x2: {  	[smem:$0x3F97] =	sst lr;
	_ =	strace $0xD0000000  }
0x3: {  	_ = 	snop  }
0x4: {  	_ = 	snop  }
0x5: {  	_ = 	snop  }
0x6: {  	_ = 	snop  }
0x7: {  	_ = 	snop  }
__scs_overlays_trampoline_lowered:
0x8: {  	[smem:$0x3FA6] =	sst s0  }
0x9: {  	[smem:$0x3FA7] =	sst s1  }
0xa: {  	[smem:$0x3FA8] =	sst s2  }
0xb: {  	[smem:$0x3FA9] =	sst s3  }
0xc: {  	[smem:$0x3FAA] =	sst s4  }
0xd: {  	[smem:$0x3FAB] =	sst s5  }
0xe: {  	[smem:$0x3FAC] =	sst s6  }
0xf: {  	[smem:$0x3FAD] =	sst s7  }
0x10: {  	[smem:$0x3FAE] =	sst s8  }
0x11: {  	[smem:$0x3FAF] =	sst s9;
	s0 =	simm.s32 @!p0 $0x0  }
0x12: {  	s1 =	sld [smem:$0x3F95];
	s0 =	simm.s32 @p0 $0x1  }
0x13: {  	[smem:$0x3FB0] =	sst s0;
	s0 =	simm.s32 @!p1 $0x0  }
0x14: {  	s2 =	sld [smem:$0x3F94];
	s0 =	simm.s32 @p1 $0x1  }
0x15: {  	[smem:$0x3FB1] =	sst s0;
	s0 =	simm.s32 @!p2 $0x0  }
0x16: {  	s3 =	sld [smem:$0x3FDB];
	s0 =	simm.s32 @p2 $0x1  }
0x17: {  	s4 =	simm.s32 $0x1BF5;
	[smem:$0x3FB3] =	sst s0  }
0x18: {  	s0 =	sld [smem:$0x3F96];
	_ =	swait.ge [sflag:s4], $0x0  }
0x19: {  	s7 =	sld [smem:$0x3F97]  }
0x1a: {  	s8 =	sadd.s32 $0xFFFFE003, lr  }
0x1b: {  	s9 =	sadd.s32 $0xFFFFFEF7, lr;
	s5 =	simm.s32 $0xFFFFFFFF;
	p2 =	slt.u32 s8, $0xFFFFF086  }
0x1c: {  	p1 =	slt.u32 s9, $0xF7A;
	s5 =	simm.s32 @!p2 $0x0  }
0x1d: {  	s5 =	simm.s32 @p1 $0x1;
	p0 =	seq.s32 s7, s2  }
0x1e: {  	s7 =	smul.u32 @!p0 $0xF7A, s2;
	p2 =	seq.s32 @!p0 s5, $0x0  }
0x1f: {  	s9 =	smul.u32 $0xF7A, s1;
	s8 =	simm.s32 @!p0 $0x1BF5;
	p2 =	por !p2, p0  }
0x20: {  	[sflag:s8] =	ssyncset.s32 @!p0 $0xFFFFF086;
	s6 =	sadd.s32 @!p0 s3, s7;
	s7 =	simm.s32 @!p0 $0x108  }
0x21: {  	s3 =	sadd.s32 s3, s9;
	s6 =	sadd.s32 @!p0 $0x88, s6;
	s7 =	simm.s32 @p2 $0x1082  }
0x22: {  	[simem:s7], [sflag:s8] =	dma.local @!p0 [hbm:s6], $0xF7A  }
0x23: {  	s9 =	sor.u32 $0xD0000000, s2;
	s6 =	simm.s32 $0x108;
	_ =	swait.ge @!p0 [sflag:s8], $0x0  }
0x24: {  	s3 =	sadd.s32 $0x88, s3;
	s6 =	simm.s32 @!p1 $0x1082;
	[sflag:s4] =	ssyncset.s32 $0xFFFFF086  }
0x25: {  	[simem:s6], [sflag:s4] =	dma.local [hbm:s3], $0xF7A  }
0x26: {  	[smem:$0x3F97] =	sst s1;
	(tag) =	ssettag s2;
	_ =	strace s9  }
0x27: {  	s1 =	sld [smem:$0x3FA7]  }
0x28: {  	s2 =	sld [smem:$0x3FA8]  }
0x29: {  	s4 =	sld [smem:$0x3FAA]  }
0x2a: {  	p0 =	seq.s32 s5, $0x0;
	s5 =	sld [smem:$0x3FAB]  }
0x2b: {  	s6 =	sld [smem:$0x3FAC]  }
0x2c: {  	s7 =	sld [smem:$0x3FAD]  }
0x2d: {  	s3 =	simm.s32 $0x108;
	s8 =	sld [smem:$0x3FAE]  }
0x2e: {  	s3 =	simm.s32 @!p0 $0x1082;
	s9 =	sld [smem:$0x3FAF]  }
0x2f: {  	lr =	sadd.s32 s0, s3;
	s0 =	sld [smem:$0x3FA6]  }
0x30: {  	s3 =	sld [smem:$0x3FA9]  }
0x31: {  	[smem:$0x3FB2] =	sst s10  }
0x32: {  	s10 =	sld [smem:$0x3FB0];
	_ =	sdelay $0x3  }
0x33: {  	p0 =	seq.s32 s10, $0x1;
	s10 =	sld [smem:$0x3FB2];
	_ =	sdelay $0x3  }
0x34: {  	[smem:$0x3FB2] =	sst s10  }
0x35: {  	s10 =	sld [smem:$0x3FB1];
	_ =	sdelay $0x3  }
0x36: {  	p1 =	seq.s32 s10, $0x1;
	s10 =	sld [smem:$0x3FB2];
	_ =	sdelay $0x3  }
0x37: {  	[smem:$0x3FB2] =	sst s10  }
0x38: {  	s10 =	sld [smem:$0x3FB3]  }
0x39: {  	_ = 	snop;
	(pc) =	sbr.ind lr, $3  }
0x3a: {  	_ = 	snop  }
0x3b: {  	_ = 	snop  }
0x3c: {  	p2 =	seq.s32 s10, $0x1;
	s10 =	sld [smem:$0x3FB2]  }
0x3d: {  	_ =	shalt  }
0x3e: {  	_ =	shalt  }
0x3f: {  	_ =	shalt  }
0x40: {  	_ =	shalt  }
0x41: {  	_ =	shalt  }
0x42: {  	_ =	shalt  }
0x43: {  	_ =	shalt  }
0x44: {  	_ =	shalt  }
0x45: {  	_ =	shalt  }
0x46: {  	_ =	shalt  }
0x47: {  	_ =	shalt  }
0x48: {  	_ =	shalt  }
0x49: {  	_ =	shalt  }
0x4a: {  	_ =	shalt  }
0x4b: {  	_ =	shalt  }
0x4c: {  	_ =	shalt  }
0x4d: {  	_ =	shalt  }
0x4e: {  	_ =	shalt  }
0x4f: {  	_ =	shalt  }
0x50: {  	_ =	shalt  }
0x51: {  	_ =	shalt  }
0x52: {  	_ =	shalt  }
0x53: {  	_ =	shalt  }
0x54: {  	_ =	shalt  }
0x55: {  	_ =	shalt  }
0x56: {  	_ =	shalt  }
0x57: {  	_ =	shalt  }
0x58: {  	_ =	shalt  }
0x59: {  	_ =	shalt  }
0x5a: {  	_ =	shalt  }
0x5b: {  	_ =	shalt  }
0x5c: {  	_ =	shalt  }
0x5d: {  	_ =	shalt  }
0x5e: {  	_ =	shalt  }
0x5f: {  	_ =	shalt  }
0x60: {  	_ =	shalt  }
0x61: {  	_ =	shalt  }
0x62: {  	_ =	shalt  }
0x63: {  	_ =	shalt  }
0x64: {  	_ =	shalt  }
0x65: {  	_ =	shalt  }
0x66: {  	_ =	shalt  }
0x67: {  	_ =	shalt  }
0x68: {  	_ =	shalt  }
0x69: {  	_ =	shalt  }
0x6a: {  	_ =	shalt  }
0x6b: {  	_ =	shalt  }
0x6c: {  	_ =	shalt  }
0x6d: {  	_ =	shalt  }
0x6e: {  	_ =	shalt  }
0x6f: {  	_ =	shalt  }
0x70: {  	_ =	shalt  }
0x71: {  	_ =	shalt  }
0x72: {  	_ =	shalt  }
0x73: {  	_ =	shalt  }
0x74: {  	_ =	shalt  }
0x75: {  	_ =	shalt  }
0x76: {  	_ =	shalt  }
0x77: {  	_ =	shalt  }
0x78: {  	_ =	shalt  }
0x79: {  	_ =	shalt  }
0x7a: {  	_ =	shalt  }
0x7b: {  	_ =	shalt  }
0x7c: {  	_ =	shalt  }
0x7d: {  	_ =	shalt  }
0x7e: {  	_ =	shalt  }
0x7f: {  	_ =	shalt  }
0x80: {  	_ =	shalt  }
0x81: {  	_ =	shalt  }
0x82: {  	_ =	shalt  }
0x83: {  	_ =	shalt  }
0x84: {  	_ =	shalt  }
0x85: {  	_ =	shalt  }
0x86: {  	_ =	shalt  }
0x87: {  	_ =	shalt  }
.Lfunc_end0:
.L_simem_size_0:
called_computation.1_lowered:
.L_overlay_start_0:
0x88: {  	s2 =	sld [smem:$0x3FD9]  }
0x89: {  	s3 =	sld [smem:$0x3FFE];
	_ =	sdelay $0x1  }
0x8a: {  	s1 =	srdreg.scid  }
0x8b: {  	s0 =	sand.u32 $0x1, s1  }
0x8c: {  	s16 =	sshll.u32 s0, $0xA;
	s2 =	sadd.s32 s3, s2  }
0x8d: {  	s2 =	sadd.s32 s2, s16  }
0x8e: {  	[smem:$0x3FBE] =	sst s2  }
0x8f: {  	_ = 	snop  }
0x90: {  	(tm) =	ssettm $0x1  }
0x91: {  	s17 =	sld [smem:$0x3FFB];
	_ =	sdelay $0x3  }
0x92: {  	_ =	strace s17  }
0x93: {  	s2 =	sld [smem:$0x3FFC];
	_ =	sdelay $0x3  }
0x94: {  	_ =	strace s2  }
0x95: {  	s2 =	sld [smem:$0x3FFD];
	_ =	sdelay $0x3  }
0x96: {  	_ =	strace s2  }
0x97: {  	_ =	strace $0x8FFFFFFF  }
0x98: {  	s18 =	sld [smem:$0x3FDB];
	_ =	sdelay $0x1  }
0x99: {  	s19 =	simm.s32 $_scs_section_size  }
0x9a: {  	s4 =	simm.s32 $_size__tile_overlayer_lowered;
	s5 =	simm.s32 $_tile_overlayer_lowered  }
0x9b: {  	s22 =	simm.s32 $0x1BFF;
	s21 =	sshll.u32 s5, $0x1;
	s2 =	sadd.s32 s19, s18  }
0x9c: {  	s6 =	simm.s32 $0x0;
	s20 =	sshll.u32 s4, $0x1;
	s4 =	sadd.s32 s21, s2  }
0x9d: {  	[timem:s6], [sflag:s22] =	dma.local [hbm:s4], s20  }
0x9e: {  	_ =	swait.ge [sflag:s22], s20  }
0x9f: {  	s3 =	ssub.s32 $0x0, s20;
	[sflag:s22] =	ssyncset.done $0x0  }
0xa0: {  	[sflag:s22] =	ssyncadd.s32 s3;
	_ =	sdelay $0x1  }
0xa1: {  	s23 =	simm.s32 $0x1B8B  }
0xa2: {  	_ =	swait.ge [sflag:s23], $0x1  }
0xa3: {  	[sflag:s23] =	ssyncset.done $0x0  }
0xa4: {  	s25 =	simm.s32 $0x1B8E;
	s24 =	sld [smem:$0x3FFE];
	[sflag:s23] =	ssyncadd.s32 $0xFFFFFFFF  }
0xa5: {  	s26 =	simm.s32 $execute0_lowered;
	[smem:$0x3FD2] =	sst s25  }
0xa6: {  	s4 =	sshll.u32 s26, $0x1;
	_ =	strace $0x80000049;
	[dreg:$0x1] =	wrdreg $0xFFFFFFFF  }
0xa7: {  	s28 =	simm.s32 $_size_execute0_lowered;
	s2 =	sadd.s32 s2, s4;
	[dreg:$0x0] =	wrdreg $0x0  }
0xa8: {  	s4 =	sshll.u32 s28, $0x1;
	[dreg:$0x2] =	wrdreg s2  }
0xa9: {  	[dreg:$0x3] =	wrdreg s4  }
0xaa: {  	[dreg:$0x4] =	wrdreg $0xC0  }
0xab: {  	_ =	task [dreg:s6], $0x5FFFF  }
0xac: {  	[dreg:$0x1] =	wrdreg $0xFFFFFFFF  }
0xad: {  	[dreg:$0x0] =	wrdreg $0x60  }
0xae: {  	[dreg:$0x2] =	wrdreg s24  }
0xaf: {  	[dreg:$0x3] =	wrdreg $0x0  }
0xb0: {  	[dreg:$0x4] =	wrdreg $0x9  }
0xb1: {  	_ =	task.clear_ibuf [dreg:s6], $0x5FFFF;
	_ =	strace $0x90000049  }
0xb2: {  	s29 =	simm.s32 $0x9;
	_ =	strace $0x8000004B  }
0xb3: {  	_ =	swait.ge [sflag:s29], $0x1  }
0xb4: {  	[sflag:s29] =	ssyncadd.s32 $0xFFFFFFFF  }
0xb5: {  	_ =	strace $0x9000004B  }
0xb6: {  	_ =	sfence  }
0xb7: {  	s30 =	sld [smem:$0x0];
	_ =	sdelay $0x2  }
0xb8: {  	s31 =	sshll.u32 s1, $0xD;
	s1 =	sshrl.u32 s1, $0x2  }
0xb9: {  	s3 =	sand.u32 $0x4000, s31;
	s1 =	sadd.s32 s1, s30  }
0xba: {  	s0 =	sor.u32 s3, s0;
	s1 =	sshll.u32 s1, $0x11  }
0xbb: {  	s0 =	sor.u32 s1, s0  }
0xbc: {  	s0 =	sadd.s32 $0x8F2B, s0  }
0xbd: {  	[sflag:s0] =	ssyncadd.remote.s32 $0x1  }
0xbe: {  	_ =	sfence.sel $0xFFFF  }
0xbf: {  	[dreg:$0x0] =	wrdreg $0xFFFFFFFF;
	(pc) =	sbr.abs _section_cstart, $3  }
0xc0: {  	[dreg:$0x1] =	wrdreg $0xFFFFFFFF  }
0xc1: {  	_ =	task.clear_ibuf [dreg:s6], $0x2FFFF;
	_ =	strace $0x9FFFFFFF  }
0xc2: {  	(tm) =	ssettm $0x7FFFFFFF  }
0xc3: {  	_ =	shalt  }
tec
execute0_lowered:
.L_overlay_start_1:
0x0: {  	(tag) =	ssettag $0x1  }
0x1: {  	s0 =	rddreg [dreg:$0x0]  }
0x2: {  	s1 =	rddreg [dreg:$0x1];
	s2 =	simm.s32 $0x0  }
0x3: {  	s3 =	srdreg.scid;
	s10 =	stileid.u32;
	s14 =	simm.s32 $0x5  }
0x4: {  	s15 =	simm.s32 $0x18800;
	s16 =	simm.s32 $0x19700;
	s17 =	simm.s32 $0x280  }
0x5: {  	s18 =	simm.s32 $0x1A600;
	s19 =	simm.s32 $0x18A80;
	s20 =	simm.s32 $0x1CE00  }
0x6: {  	s21 =	simm.s32 $0x1;
	s28 =	simm.s32 $0x18F80;
	s29 =	simm.s32 $0x19C00  }
0x7: {  	s30 =	simm.s32 $0x19200;
	s31 =	simm.s32 $0x19E80;
	[smem:$0x7FF] =	sst s2  }
0x8: {  	s3 =	sand.u32 $0x1, s3;
	s4 =	sadd.s32 $0xCA800, s0;
	s7 =	sadd.s32 $0x65400, s0  }
0x9: {  	s8 =	smul.u32 $0x18800, s10;
	s9 =	sadd.s32 $0xFB800, s0;
	s22 =	sshll.u32 s10, $0x1  }
0xa: {  	s24 =	sshll.u32 s10, $0x6;
	s25 =	smul.u32 $0x6540, s10;
	_ =	strace $0x8000004A  }
0xb: {  	s5 =	ssub.s32 $0x2, s3;
	[dreg:$0x3] =	wrdreg s9;
	s23 =	sor.u32 s3, s22  }
0xc: {  	p0 =	seq.s32 s3, $0x1;
	s3 =	smul.u32 $0x32A0, s3;
	s22 =	simm.s32 $0x3  }
0xd: {  	s6 =	sshrl.u32 s5, $0x1;
	s13 =	sadd.s32 s8, s1;
	s9 =	smul.u32 $0x32A0, s23  }
0xe: {  	s8 =	sshrl.u32 s8, $0x3;
	s26 =	sadd.s32 s25, s7;
	s5 =	ssub.s32 s5, s6  }
0xf: {  	s23 =	simm.s32 $0x18D00;
	s6 =	sor.u32 $0x1C05, s24;
	s5 =	smax.u32 s5, $0x1  }
0x10: {  	s13 =	sshrl.u32 s13, $0x3;
	s11 =	sadd.s32 s0, s9;
	[dreg:$0x4] =	wrdreg s5  }
0x11: {  	s24 =	simm.s32 $0x2;
	s9 =	sadd.s32 s7, s9;
	[dreg:$0x5] =	wrdreg s11  }
0x12: {  	s7 =	simm.s32 $0x0;
	s5 =	simm.s32 $0xFEA00;
	[dreg:$0x6] =	wrdreg s9  }
0x13: {  	s11 =	sadd.s32 s3, s26;
	s26 =	simm.s32 $0x4;
	s5 =	simm.s32 @!p0 $0x12FA00  }
0x14: {  	s5 =	sadd.s32 s5, s0;
	s0 =	sadd.s32 s25, s0;
	s25 =	simm.s32 $0x19980  }
0x15: {  	s5 =	sadd.s32 s5, s8;
	s12 =	sadd.s32 s3, s0;
	s0 =	simm.s32 $0x19480  }
0x16: {  	s3 =	simm.s32 $0x1A100;
	[dreg:$0x7] =	wrdreg s5;
	s5 =	simm.s32 $0x1A380  }
.LBB2_1:
0x17: {  	s8 =	rddreg [dreg:$0x3]  }
0x18: {  	[spmem:s13], [sflag:s6] =	dma.local [hbm:s8], $0x3100  }
0x19: {  	_ =	swait.ge [sflag:s14], $0x3100  }
0x1a: {  	[sflag:s14] =	ssyncset.done $0x0  }
0x1b: {  	[sflag:s14] =	ssyncadd.s32 $0xFFFFCF00  }
0x1c: {  	[bflag:$0x0] =	sbarrier.arrive $0xFFFF  }
0x1d: {  	s9 =	rddreg [dreg:$0x5]  }
0x1e: {  	[tilespmem:s15], [sflag:$0x5] =	stream.linear.gather [hbm4b:s9+s2], $0xF00, $0x38;
	[tilespmem:$0x1F600] =	vst v63  }
0x1f: {  	_ =	swait.ge [sflag:s14], $0xF00  }
0x20: {  	[sflag:s14] =	ssyncset.done $0x0  }
0x21: {  	s10 =	rddreg [dreg:$0x6];
	[sflag:s14] =	ssyncadd.s32 $0xFFFFF100  }
0x22: {  	[tilespmem:s16], [sflag:$0x5] =	stream.linear.gather [hbm4b:s10+s2], $0xF00, $0x38;
	[tilespmem:$0x1F600] =	vst v63  }
0x23: {  	_ =	swait.ge [sflag:s14], $0xF00  }
0x24: {  	[sflag:s14] =	ssyncset.done $0x0  }
0x25: {  	[sflag:s14] =	ssyncadd.s32 $0xFFFFF100  }
0x26: {  	[tilespmem:s18], [sflag:$0x1] =	stream.indirect.gather [hbm4b:s4+s17], $0x10, s15, s17, $0xb8;
	[tilespmem:$0x1F600] =	vst v63  }
0x27: {  	_ = 	snop  }
0x28: {  	[tilespmem:s20], [sflag:$0x2] =	stream.indirect.gather [hbm4b:s4+s17], $0x10, s19, s17, $0xb8;
	[tilespmem:$0x1F600] =	vst v63  }
0x29: {  	_ =	swait.ge [sflag:s21], $0x2800  }
0x2a: {  	[sflag:s21] =	ssyncset.done $0x0  }
0x2b: {  	[sflag:s21] =	ssyncadd.s32 $0xFFFFD800  }
0x2c: {  	[spmem:s1] =	stream.indirect.scatter.add.f32 [tilespmem:s18], [sflag:$0x3], $0x10, s16, s17, $0xb8;
	[tilespmem:$0x1F600] =	vst v63  }
0x2d: {  	_ =	swait.ge [sflag:s22], $0x2800  }
0x2e: {  	[sflag:s22] =	ssyncset.done $0x0  }
0x2f: {  	[sflag:s22] =	ssyncadd.s32 $0xFFFFD800  }
0x30: {  	[tilespmem:s18], [sflag:$0x1] =	stream.indirect.gather [hbm4b:s4+s17], $0x10, s23, s17, $0xb8;
	[tilespmem:$0x1F600] =	vst v63  }
0x31: {  	_ =	swait.ge [sflag:s24], $0x2800  }
0x32: {  	[sflag:s24] =	ssyncset.done $0x0  }
0x33: {  	[sflag:s24] =	ssyncadd.s32 $0xFFFFD800  }
0x34: {  	[spmem:s1] =	stream.indirect.scatter.add.f32 [tilespmem:s20], [sflag:$0x4], $0x10, s25, s17, $0xb8;
	[tilespmem:$0x1F600] =	vst v63  }
0x35: {  	_ =	swait.ge [sflag:s26], $0x2800  }
0x36: {  	[sflag:s26] =	ssyncset.done $0x0  }
0x37: {  	[sflag:s26] =	ssyncadd.s32 $0xFFFFD800  }
0x38: {  	[tilespmem:s20], [sflag:$0x2] =	stream.indirect.gather [hbm4b:s4+s17], $0x10, s28, s17, $0xb8;
	[tilespmem:$0x1F600] =	vst v63  }
0x39: {  	_ =	swait.ge [sflag:s21], $0x2800  }
0x3a: {  	[sflag:s21] =	ssyncset.done $0x0  }
0x3b: {  	[sflag:s21] =	ssyncadd.s32 $0xFFFFD800  }
0x3c: {  	[spmem:s1] =	stream.indirect.scatter.add.f32 [tilespmem:s18], [sflag:$0x3], $0x10, s29, s17, $0xb8;
	[tilespmem:$0x1F600] =	vst v63  }
0x3d: {  	_ =	swait.ge [sflag:s22], $0x2800  }
0x3e: {  	[sflag:s22] =	ssyncset.done $0x0  }
0x3f: {  	[sflag:s22] =	ssyncadd.s32 $0xFFFFD800  }
0x40: {  	[tilespmem:s18], [sflag:$0x1] =	stream.indirect.gather [hbm4b:s4+s17], $0x10, s30, s17, $0xb8;
	[tilespmem:$0x1F600] =	vst v63  }
0x41: {  	_ =	swait.ge [sflag:s24], $0x2800  }
0x42: {  	[sflag:s24] =	ssyncset.done $0x0  }
0x43: {  	[sflag:s24] =	ssyncadd.s32 $0xFFFFD800  }
0x44: {  	[spmem:s1] =	stream.indirect.scatter.add.f32 [tilespmem:s20], [sflag:$0x4], $0x10, s31, s17, $0xb8;
	[tilespmem:$0x1F600] =	vst v63  }
0x45: {  	_ =	swait.ge [sflag:s26], $0x2800  }
0x46: {  	[sflag:s26] =	ssyncset.done $0x0  }
0x47: {  	[sflag:s26] =	ssyncadd.s32 $0xFFFFD800  }
0x48: {  	[tilespmem:s20], [sflag:$0x2] =	stream.indirect.gather [hbm4b:s4+s17], $0x10, s0, s17, $0xb8;
	[tilespmem:$0x1F600] =	vst v63  }
0x49: {  	_ =	swait.ge [sflag:s21], $0x2800  }
0x4a: {  	[sflag:s21] =	ssyncset.done $0x0  }
0x4b: {  	[sflag:s21] =	ssyncadd.s32 $0xFFFFD800  }
0x4c: {  	[spmem:s1] =	stream.indirect.scatter.add.f32 [tilespmem:s18], [sflag:$0x3], $0x10, s3, s17, $0xb8;
	[tilespmem:$0x1F600] =	vst v63  }
0x4d: {  	_ =	swait.ge [sflag:s24], $0x2800  }
0x4e: {  	[sflag:s24] =	ssyncset.done $0x0  }
0x4f: {  	[sflag:s24] =	ssyncadd.s32 $0xFFFFD800  }
0x50: {  	[spmem:s1] =	stream.indirect.scatter.add.f32 [tilespmem:s20], [sflag:$0x4], $0x10, s5, s17, $0xb8;
	[tilespmem:$0x1F600] =	vst v63  }
0x51: {  	_ =	swait.ge [sflag:s22], $0x2800  }
0x52: {  	[sflag:s22] =	ssyncset.done $0x0  }
0x53: {  	[sflag:s22] =	ssyncadd.s32 $0xFFFFD800  }
0x54: {  	_ =	swait.ge [sflag:s26], $0x2800  }
0x55: {  	[sflag:s26] =	ssyncset.done $0x0  }
0x56: {  	s9 =	sadd.s32 $0x1E0, s12;
	[sflag:s26] =	ssyncadd.s32 $0xFFFFD800  }
0x57: {  	[tilespmem:s15], [sflag:$0x5] =	stream.linear.gather [hbm4b:s9+s2], $0xF00, $0x38;
	[tilespmem:$0x1F600] =	vst v63  }
0x58: {  	_ =	swait.ge [sflag:s14], $0xF00  }
0x59: {  	[sflag:s14] =	ssyncset.done $0x0  }
0x5a: {  	s10 =	sadd.s32 $0x1E0, s11;
	[sflag:s14] =	ssyncadd.s32 $0xFFFFF100  }
0x5b: {  	[tilespmem:s16], [sflag:$0x5] =	stream.linear.gather [hbm4b:s10+s2], $0xF00, $0x38;
	[tilespmem:$0x1F600] =	vst v63  }
0x5c: {  	_ =	swait.ge [sflag:s14], $0xF00  }
0x5d: {  	[sflag:s14] =	ssyncset.done $0x0  }
0x5e: {  	[sflag:s14] =	ssyncadd.s32 $0xFFFFF100  }
0x5f: {  	[tilespmem:s18], [sflag:$0x1] =	stream.indirect.gather [hbm4b:s4+s17], $0x10, s15, s17, $0xb8;
	[tilespmem:$0x1F600] =	vst v63  }
0x60: {  	_ = 	snop  }
0x61: {  	[tilespmem:s20], [sflag:$0x2] =	stream.indirect.gather [hbm4b:s4+s17], $0x10, s19, s17, $0xb8;
	[tilespmem:$0x1F600] =	vst v63  }
0x62: {  	_ =	swait.ge [sflag:s21], $0x2800  }
0x63: {  	[sflag:s21] =	ssyncset.done $0x0  }
0x64: {  	[sflag:s21] =	ssyncadd.s32 $0xFFFFD800  }
0x65: {  	[spmem:s1] =	stream.indirect.scatter.add.f32 [tilespmem:s18], [sflag:$0x3], $0x10, s16, s17, $0xb8;
	[tilespmem:$0x1F600] =	vst v63  }
0x66: {  	_ =	swait.ge [sflag:s22], $0x2800  }
0x67: {  	[sflag:s22] =	ssyncset.done $0x0  }
0x68: {  	[sflag:s22] =	ssyncadd.s32 $0xFFFFD800  }
0x69: {  	[tilespmem:s18], [sflag:$0x1] =	stream.indirect.gather [hbm4b:s4+s17], $0x10, s23, s17, $0xb8;
	[tilespmem:$0x1F600] =	vst v63  }
0x6a: {  	_ =	swait.ge [sflag:s24], $0x2800  }
0x6b: {  	[sflag:s24] =	ssyncset.done $0x0  }
0x6c: {  	[sflag:s24] =	ssyncadd.s32 $0xFFFFD800  }
0x6d: {  	[spmem:s1] =	stream.indirect.scatter.add.f32 [tilespmem:s20], [sflag:$0x4], $0x10, s25, s17, $0xb8;
	[tilespmem:$0x1F600] =	vst v63  }
0x6e: {  	_ =	swait.ge [sflag:s26], $0x2800  }
0x6f: {  	[sflag:s26] =	ssyncset.done $0x0  }
0x70: {  	[sflag:s26] =	ssyncadd.s32 $0xFFFFD800  }
0x71: {  	[tilespmem:s20], [sflag:$0x2] =	stream.indirect.gather [hbm4b:s4+s17], $0x10, s28, s17, $0xb8;
	[tilespmem:$0x1F600] =	vst v63  }
0x72: {  	_ =	swait.ge [sflag:s21], $0x2800  }
0x73: {  	[sflag:s21] =	ssyncset.done $0x0  }
0x74: {  	[sflag:s21] =	ssyncadd.s32 $0xFFFFD800  }
0x75: {  	[spmem:s1] =	stream.indirect.scatter.add.f32 [tilespmem:s18], [sflag:$0x3], $0x10, s29, s17, $0xb8;
	[tilespmem:$0x1F600] =	vst v63  }
0x76: {  	_ =	swait.ge [sflag:s22], $0x2800  }
0x77: {  	[sflag:s22] =	ssyncset.done $0x0  }
0x78: {  	[sflag:s22] =	ssyncadd.s32 $0xFFFFD800  }
0x79: {  	[tilespmem:s18], [sflag:$0x1] =	stream.indirect.gather [hbm4b:s4+s17], $0x10, s30, s17, $0xb8;
	[tilespmem:$0x1F600] =	vst v63  }
0x7a: {  	_ =	swait.ge [sflag:s24], $0x2800  }
0x7b: {  	[sflag:s24] =	ssyncset.done $0x0  }
0x7c: {  	[sflag:s24] =	ssyncadd.s32 $0xFFFFD800  }
0x7d: {  	[spmem:s1] =	stream.indirect.scatter.add.f32 [tilespmem:s20], [sflag:$0x4], $0x10, s31, s17, $0xb8;
	[tilespmem:$0x1F600] =	vst v63  }
0x7e: {  	_ =	swait.ge [sflag:s26], $0x2800  }
0x7f: {  	[sflag:s26] =	ssyncset.done $0x0  }
0x80: {  	[sflag:s26] =	ssyncadd.s32 $0xFFFFD800  }
0x81: {  	[tilespmem:s20], [sflag:$0x2] =	stream.indirect.gather [hbm4b:s4+s17], $0x10, s0, s17, $0xb8;
	[tilespmem:$0x1F600] =	vst v63  }
0x82: {  	_ =	swait.ge [sflag:s21], $0x2800  }
0x83: {  	[sflag:s21] =	ssyncset.done $0x0  }
0x84: {  	[sflag:s21] =	ssyncadd.s32 $0xFFFFD800  }
0x85: {  	[spmem:s1] =	stream.indirect.scatter.add.f32 [tilespmem:s18], [sflag:$0x3], $0x10, s3, s17, $0xb8;
	[tilespmem:$0x1F600] =	vst v63  }
0x86: {  	_ =	swait.ge [sflag:s24], $0x2800  }
0x87: {  	[sflag:s24] =	ssyncset.done $0x0  }
0x88: {  	s8 =	simm.s32 $0x3C0;
	[sflag:s24] =	ssyncadd.s32 $0xFFFFD800  }
.LBB2_2:
0x89: {  	[spmem:s1] =	stream.indirect.scatter.add.f32 [tilespmem:s20], [sflag:$0x4], $0x10, s5, s17, $0xb8;
	[tilespmem:$0x1F600] =	vst v63  }
0x8a: {  	s9 =	smov.u32 s8  }
0x8b: {  	p0 =	sne.s32 s8, $0x30C0;
	s8 =	sadd.s32 $0x1E0, s8;
	_ =	swait.ge [sflag:s22], $0x2800  }
0x8c: {  	[sflag:s22] =	ssyncset.done $0x0  }
0x8d: {  	[sflag:s22] =	ssyncadd.s32 $0xFFFFD800  }
0x8e: {  	_ =	swait.ge [sflag:s26], $0x2800  }
0x8f: {  	[sflag:s26] =	ssyncset.done $0x0  }
0x90: {  	s10 =	sadd.s32 s9, s12;
	[sflag:s26] =	ssyncadd.s32 $0xFFFFD800  }
0x91: {  	[tilespmem:s15], [sflag:$0x5] =	stream.linear.gather [hbm4b:s10+s2], $0xF00, $0x38;
	[tilespmem:$0x1F600] =	vst v63  }
0x92: {  	_ =	swait.ge [sflag:s14], $0xF00  }
0x93: {  	[sflag:s14] =	ssyncset.done $0x0  }
0x94: {  	s9 =	sadd.s32 s9, s11;
	[sflag:s14] =	ssyncadd.s32 $0xFFFFF100  }
0x95: {  	[tilespmem:s16], [sflag:$0x5] =	stream.linear.gather [hbm4b:s9+s2], $0xF00, $0x38;
	[tilespmem:$0x1F600] =	vst v63  }
0x96: {  	_ =	swait.ge [sflag:s14], $0xF00  }
0x97: {  	[sflag:s14] =	ssyncset.done $0x0  }
0x98: {  	[sflag:s14] =	ssyncadd.s32 $0xFFFFF100  }
0x99: {  	[tilespmem:s18], [sflag:$0x1] =	stream.indirect.gather [hbm4b:s4+s17], $0x10, s15, s17, $0xb8;
	[tilespmem:$0x1F600] =	vst v63  }
0x9a: {  	_ = 	snop  }
0x9b: {  	[tilespmem:s20], [sflag:$0x2] =	stream.indirect.gather [hbm4b:s4+s17], $0x10, s19, s17, $0xb8;
	[tilespmem:$0x1F600] =	vst v63  }
0x9c: {  	_ =	swait.ge [sflag:s21], $0x2800  }
0x9d: {  	[sflag:s21] =	ssyncset.done $0x0  }
0x9e: {  	[sflag:s21] =	ssyncadd.s32 $0xFFFFD800  }
0x9f: {  	[spmem:s1] =	stream.indirect.scatter.add.f32 [tilespmem:s18], [sflag:$0x3], $0x10, s16, s17, $0xb8;
	[tilespmem:$0x1F600] =	vst v63  }
0xa0: {  	_ =	swait.ge [sflag:s22], $0x2800  }
0xa1: {  	[sflag:s22] =	ssyncset.done $0x0  }
0xa2: {  	[sflag:s22] =	ssyncadd.s32 $0xFFFFD800  }
0xa3: {  	[tilespmem:s18], [sflag:$0x1] =	stream.indirect.gather [hbm4b:s4+s17], $0x10, s23, s17, $0xb8;
	[tilespmem:$0x1F600] =	vst v63  }
0xa4: {  	_ =	swait.ge [sflag:s24], $0x2800  }
0xa5: {  	[sflag:s24] =	ssyncset.done $0x0  }
0xa6: {  	[sflag:s24] =	ssyncadd.s32 $0xFFFFD800  }
0xa7: {  	[spmem:s1] =	stream.indirect.scatter.add.f32 [tilespmem:s20], [sflag:$0x4], $0x10, s25, s17, $0xb8;
	[tilespmem:$0x1F600] =	vst v63  }
0xa8: {  	_ =	swait.ge [sflag:s26], $0x2800  }
0xa9: {  	[sflag:s26] =	ssyncset.done $0x0  }
0xaa: {  	[sflag:s26] =	ssyncadd.s32 $0xFFFFD800  }
0xab: {  	[tilespmem:s20], [sflag:$0x2] =	stream.indirect.gather [hbm4b:s4+s17], $0x10, s28, s17, $0xb8;
	[tilespmem:$0x1F600] =	vst v63  }
0xac: {  	_ =	swait.ge [sflag:s21], $0x2800  }
0xad: {  	[sflag:s21] =	ssyncset.done $0x0  }
0xae: {  	[sflag:s21] =	ssyncadd.s32 $0xFFFFD800  }
0xaf: {  	[spmem:s1] =	stream.indirect.scatter.add.f32 [tilespmem:s18], [sflag:$0x3], $0x10, s29, s17, $0xb8;
	[tilespmem:$0x1F600] =	vst v63  }
0xb0: {  	_ =	swait.ge [sflag:s22], $0x2800  }
0xb1: {  	[sflag:s22] =	ssyncset.done $0x0  }
0xb2: {  	[sflag:s22] =	ssyncadd.s32 $0xFFFFD800  }
0xb3: {  	[tilespmem:s18], [sflag:$0x1] =	stream.indirect.gather [hbm4b:s4+s17], $0x10, s30, s17, $0xb8;
	[tilespmem:$0x1F600] =	vst v63  }
0xb4: {  	_ =	swait.ge [sflag:s24], $0x2800  }
0xb5: {  	[sflag:s24] =	ssyncset.done $0x0  }
0xb6: {  	[sflag:s24] =	ssyncadd.s32 $0xFFFFD800  }
0xb7: {  	[spmem:s1] =	stream.indirect.scatter.add.f32 [tilespmem:s20], [sflag:$0x4], $0x10, s31, s17, $0xb8;
	[tilespmem:$0x1F600] =	vst v63  }
0xb8: {  	_ =	swait.ge [sflag:s26], $0x2800  }
0xb9: {  	[sflag:s26] =	ssyncset.done $0x0  }
0xba: {  	[sflag:s26] =	ssyncadd.s32 $0xFFFFD800  }
0xbb: {  	[tilespmem:s20], [sflag:$0x2] =	stream.indirect.gather [hbm4b:s4+s17], $0x10, s0, s17, $0xb8;
	[tilespmem:$0x1F600] =	vst v63  }
0xbc: {  	_ =	swait.ge [sflag:s21], $0x2800  }
0xbd: {  	[sflag:s21] =	ssyncset.done $0x0  }
.Ltmp0:
0xbe: {  	[sflag:s21] =	ssyncadd.s32 $0xFFFFD800;
	(pc) =	sbr.rel @p0 .LBB2_2-.Ltmp0, $4  }
0xbf: {  	[spmem:s1] =	stream.indirect.scatter.add.f32 [tilespmem:s18], [sflag:$0x3], $0x10, s3, s17, $0xb8;
	[tilespmem:$0x1F600] =	vst v63  }
0xc0: {  	_ =	swait.ge [sflag:s24], $0x2800  }
0xc1: {  	[sflag:s24] =	ssyncset.done $0x0  }
0xc2: {  	[sflag:s24] =	ssyncadd.s32 $0xFFFFD800  }
0xc3: {  	[spmem:s1] =	stream.indirect.scatter.add.f32 [tilespmem:s20], [sflag:$0x4], $0x10, s5, s17, $0xb8;
	[tilespmem:$0x1F600] =	vst v63  }
0xc4: {  	_ =	swait.ge [sflag:s22], $0x2800  }
0xc5: {  	[sflag:s22] =	ssyncset.done $0x0  }
0xc6: {  	[sflag:s22] =	ssyncadd.s32 $0xFFFFD800  }
0xc7: {  	_ =	swait.ge [sflag:s26], $0x2800  }
0xc8: {  	[sflag:s26] =	ssyncset.done $0x0  }
0xc9: {  	[sflag:s26] =	ssyncadd.s32 $0xFFFFD800  }
0xca: {  	[bflag:$0x0] =	sbarrier.arrive $0xFFFF  }
0xcb: {  	s8 =	rddreg [dreg:$0x7]  }
0xcc: {  	[hbm:s8], [sflag:s6] =	dma.local [spmem:s13], $0x3100  }
0xcd: {  	_ =	swait.ge [sflag:s14], $0x3100  }
0xce: {  	s7 =	sadd.s32 $0x1, s7;
	s10 =	rddreg [dreg:$0x4]  }
0xcf: {  	p0 =	sne.s32 s7, s10  }
.Ltmp1:
0xd0: {  	_ = 	snop;
	(pc) =	sbr.rel @p0 .LBB2_1-.Ltmp1, $3  }
0xd1: {  	_ =	sdelay $0x1  }
0xd2: {  	[sflag:s14] =	ssyncset.done $0x0  }
0xd3: {  	[sflag:s14] =	ssyncadd.s32 $0xFFFFCF00  }
0xd4: {  	_ =	sfence.sel $0x180000  }
0xd5: {  	[bflag:$0x0] =	sbarrier.arrive $0xFFFF  }
0xd6: {  	_ =	strace $0x9000004A  }
0xd7: {  	s0 =	stileid.u32;
	[bflag:$0x2] =	sbarrier.arrive $0xFFFF  }
0xd8: {  	p0 =	sne.s32 s0, $0x0;
	s0 =	rddreg [dreg:$0x2]  }
0xd9: {  	s0 =	sadd.s32 @!p0 $0x100000, s0  }
0xda: {  	[sflag:s0] =	ssyncadd.tile.s32 @!p0 $0x1;
	_ =	shalt  }
.Lfunc_end2:
_tile_overlayer_lowered:
.L_overlay_start_2:
0xdb: {  	(tag) =	ssettag $0x2  }
0xdc: {  	s0 =	rddreg [dreg:$0x0];
	s2 =	stileid.u32  }
0xdd: {  	s1 =	rddreg [dreg:$0x1];
	p0 =	sne.s32 s2, $0x0  }
0xde: {  	s3 =	rddreg [dreg:$0x2];
	[bflag:$0x3] =	sbarrier.arrive $0xFFFF;
	s2 =	simm.s32 @!p0 $0x1C05  }
0xdf: {  	[timem:s3], [sflag:s2] =	dma.local @!p0 [hbm:s0], s1  }
0xe0: {  	s0 =	simm.s32 @!p0 $0x5  }
0xe1: {  	_ =	swait.ge @!p0 [sflag:s0], s1  }
0xe2: {  	s1 =	ssub.s32 @!p0 $0x0, s1;
	[sflag:s0] =	ssyncset.done @!p0 $0x0  }
0xe3: {  	[sflag:s0] =	ssyncadd.s32 @!p0 s1  }
0xe4: {  	[bflag:$0x3] =	sbarrier.arrive $0xFFFF  }
0xe5: {  	_ =	shalt  }

// kernel: kernel.14.cloned.1.call-start
scs
__scs_entry_jumppad:
0x0: {  	(pc) =	sbr.rel $0x88, $3  }
0x1: {  	(tag) =	ssettag $0x0;
	lr =	simm.s32 $0x1  }
0x2: {  	[smem:$0x3F97] =	sst lr;
	_ =	strace $0xD0000000  }
0x3: {  	_ = 	snop  }
0x4: {  	_ = 	snop  }
0x5: {  	_ = 	snop  }
0x6: {  	_ = 	snop  }
0x7: {  	_ = 	snop  }
__scs_overlays_trampoline_lowered:
0x8: {  	[smem:$0x3FA6] =	sst s0  }
0x9: {  	[smem:$0x3FA7] =	sst s1  }
0xa: {  	[smem:$0x3FA8] =	sst s2  }
0xb: {  	[smem:$0x3FA9] =	sst s3  }
0xc: {  	[smem:$0x3FAA] =	sst s4  }
0xd: {  	[smem:$0x3FAB] =	sst s5  }
0xe: {  	[smem:$0x3FAC] =	sst s6  }
0xf: {  	[smem:$0x3FAD] =	sst s7  }
0x10: {  	[smem:$0x3FAE] =	sst s8  }
0x11: {  	[smem:$0x3FAF] =	sst s9;
	s0 =	simm.s32 @!p0 $0x0  }
0x12: {  	s1 =	sld [smem:$0x3F95];
	s0 =	simm.s32 @p0 $0x1  }
0x13: {  	[smem:$0x3FB0] =	sst s0;
	s0 =	simm.s32 @!p1 $0x0  }
0x14: {  	s2 =	sld [smem:$0x3F94];
	s0 =	simm.s32 @p1 $0x1  }
0x15: {  	[smem:$0x3FB1] =	sst s0;
	s0 =	simm.s32 @!p2 $0x0  }
0x16: {  	s3 =	sld [smem:$0x3FDB];
	s0 =	simm.s32 @p2 $0x1  }
0x17: {  	s4 =	simm.s32 $0x1BF5;
	[smem:$0x3FB3] =	sst s0  }
0x18: {  	s0 =	sld [smem:$0x3F96];
	_ =	swait.ge [sflag:s4], $0x0  }
0x19: {  	s7 =	sld [smem:$0x3F97]  }
0x1a: {  	s8 =	sadd.s32 $0xFFFFE003, lr  }
0x1b: {  	s9 =	sadd.s32 $0xFFFFFEF7, lr;
	s5 =	simm.s32 $0xFFFFFFFF;
	p2 =	slt.u32 s8, $0xFFFFF086  }
0x1c: {  	p1 =	slt.u32 s9, $0xF7A;
	s5 =	simm.s32 @!p2 $0x0  }
0x1d: {  	s5 =	simm.s32 @p1 $0x1;
	p0 =	seq.s32 s7, s2  }
0x1e: {  	s7 =	smul.u32 @!p0 $0xF7A, s2;
	p2 =	seq.s32 @!p0 s5, $0x0  }
0x1f: {  	s9 =	smul.u32 $0xF7A, s1;
	s8 =	simm.s32 @!p0 $0x1BF5;
	p2 =	por !p2, p0  }
0x20: {  	[sflag:s8] =	ssyncset.s32 @!p0 $0xFFFFF086;
	s6 =	sadd.s32 @!p0 s3, s7;
	s7 =	simm.s32 @!p0 $0x108  }
0x21: {  	s3 =	sadd.s32 s3, s9;
	s6 =	sadd.s32 @!p0 $0x88, s6;
	s7 =	simm.s32 @p2 $0x1082  }
0x22: {  	[simem:s7], [sflag:s8] =	dma.local @!p0 [hbm:s6], $0xF7A  }
0x23: {  	s9 =	sor.u32 $0xD0000000, s2;
	s6 =	simm.s32 $0x108;
	_ =	swait.ge @!p0 [sflag:s8], $0x0  }
0x24: {  	s3 =	sadd.s32 $0x88, s3;
	s6 =	simm.s32 @!p1 $0x1082;
	[sflag:s4] =	ssyncset.s32 $0xFFFFF086  }
0x25: {  	[simem:s6], [sflag:s4] =	dma.local [hbm:s3], $0xF7A  }
0x26: {  	[smem:$0x3F97] =	sst s1;
	(tag) =	ssettag s2;
	_ =	strace s9  }
0x27: {  	s1 =	sld [smem:$0x3FA7]  }
0x28: {  	s2 =	sld [smem:$0x3FA8]  }
0x29: {  	s4 =	sld [smem:$0x3FAA]  }
0x2a: {  	p0 =	seq.s32 s5, $0x0;
	s5 =	sld [smem:$0x3FAB]  }
0x2b: {  	s6 =	sld [smem:$0x3FAC]  }
0x2c: {  	s7 =	sld [smem:$0x3FAD]  }
0x2d: {  	s3 =	simm.s32 $0x108;
	s8 =	sld [smem:$0x3FAE]  }
0x2e: {  	s3 =	simm.s32 @!p0 $0x1082;
	s9 =	sld [smem:$0x3FAF]  }
0x2f: {  	lr =	sadd.s32 s0, s3;
	s0 =	sld [smem:$0x3FA6]  }
0x30: {  	s3 =	sld [smem:$0x3FA9]  }
0x31: {  	[smem:$0x3FB2] =	sst s10  }
0x32: {  	s10 =	sld [smem:$0x3FB0];
	_ =	sdelay $0x3  }
0x33: {  	p0 =	seq.s32 s10, $0x1;
	s10 =	sld [smem:$0x3FB2];
	_ =	sdelay $0x3  }
0x34: {  	[smem:$0x3FB2] =	sst s10  }
0x35: {  	s10 =	sld [smem:$0x3FB1];
	_ =	sdelay $0x3  }
0x36: {  	p1 =	seq.s32 s10, $0x1;
	s10 =	sld [smem:$0x3FB2];
	_ =	sdelay $0x3  }
0x37: {  	[smem:$0x3FB2] =	sst s10  }
0x38: {  	s10 =	sld [smem:$0x3FB3]  }
0x39: {  	_ = 	snop;
	(pc) =	sbr.ind lr, $3  }
0x3a: {  	_ = 	snop  }
0x3b: {  	_ = 	snop  }
0x3c: {  	p2 =	seq.s32 s10, $0x1;
	s10 =	sld [smem:$0x3FB2]  }
0x3d: {  	_ =	shalt  }
0x3e: {  	_ =	shalt  }
0x3f: {  	_ =	shalt  }
0x40: {  	_ =	shalt  }
0x41: {  	_ =	shalt  }
0x42: {  	_ =	shalt  }
0x43: {  	_ =	shalt  }
0x44: {  	_ =	shalt  }
0x45: {  	_ =	shalt  }
0x46: {  	_ =	shalt  }
0x47: {  	_ =	shalt  }
0x48: {  	_ =	shalt  }
0x49: {  	_ =	shalt  }
0x4a: {  	_ =	shalt  }
0x4b: {  	_ =	shalt  }
0x4c: {  	_ =	shalt  }
0x4d: {  	_ =	shalt  }
0x4e: {  	_ =	shalt  }
0x4f: {  	_ =	shalt  }
0x50: {  	_ =	shalt  }
0x51: {  	_ =	shalt  }
0x52: {  	_ =	shalt  }
0x53: {  	_ =	shalt  }
0x54: {  	_ =	shalt  }
0x55: {  	_ =	shalt  }
0x56: {  	_ =	shalt  }
0x57: {  	_ =	shalt  }
0x58: {  	_ =	shalt  }
0x59: {  	_ =	shalt  }
0x5a: {  	_ =	shalt  }
0x5b: {  	_ =	shalt  }
0x5c: {  	_ =	shalt  }
0x5d: {  	_ =	shalt  }
0x5e: {  	_ =	shalt  }
0x5f: {  	_ =	shalt  }
0x60: {  	_ =	shalt  }
0x61: {  	_ =	shalt  }
0x62: {  	_ =	shalt  }
0x63: {  	_ =	shalt  }
0x64: {  	_ =	shalt  }
0x65: {  	_ =	shalt  }
0x66: {  	_ =	shalt  }
0x67: {  	_ =	shalt  }
0x68: {  	_ =	shalt  }
0x69: {  	_ =	shalt  }
0x6a: {  	_ =	shalt  }
0x6b: {  	_ =	shalt  }
0x6c: {  	_ =	shalt  }
0x6d: {  	_ =	shalt  }
0x6e: {  	_ =	shalt  }
0x6f: {  	_ =	shalt  }
0x70: {  	_ =	shalt  }
0x71: {  	_ =	shalt  }
0x72: {  	_ =	shalt  }
0x73: {  	_ =	shalt  }
0x74: {  	_ =	shalt  }
0x75: {  	_ =	shalt  }
0x76: {  	_ =	shalt  }
0x77: {  	_ =	shalt  }
0x78: {  	_ =	shalt  }
0x79: {  	_ =	shalt  }
0x7a: {  	_ =	shalt  }
0x7b: {  	_ =	shalt  }
0x7c: {  	_ =	shalt  }
0x7d: {  	_ =	shalt  }
0x7e: {  	_ =	shalt  }
0x7f: {  	_ =	shalt  }
0x80: {  	_ =	shalt  }
0x81: {  	_ =	shalt  }
0x82: {  	_ =	shalt  }
0x83: {  	_ =	shalt  }
0x84: {  	_ =	shalt  }
0x85: {  	_ =	shalt  }
0x86: {  	_ =	shalt  }
0x87: {  	_ =	shalt  }
.Lfunc_end0:
.L_simem_size_0:
called_computation.2_lowered:
.L_overlay_start_0:
0x88: {  	s2 =	sld [smem:$0x3FD9]  }
0x89: {  	s3 =	sld [smem:$0x3FFE];
	_ =	sdelay $0x1  }
0x8a: {  	s1 =	srdreg.scid  }
0x8b: {  	s0 =	sand.u32 $0x1, s1  }
0x8c: {  	s16 =	sshll.u32 s0, $0xA;
	s2 =	sadd.s32 s3, s2  }
0x8d: {  	s2 =	sadd.s32 s2, s16  }
0x8e: {  	[smem:$0x3FBE] =	sst s2  }
0x8f: {  	_ = 	snop  }
0x90: {  	(tm) =	ssettm $0x1  }
0x91: {  	s17 =	sld [smem:$0x3FFB];
	_ =	sdelay $0x3  }
0x92: {  	_ =	strace s17  }
0x93: {  	s2 =	sld [smem:$0x3FFC];
	_ =	sdelay $0x3  }
0x94: {  	_ =	strace s2  }
0x95: {  	s2 =	sld [smem:$0x3FFD];
	_ =	sdelay $0x3  }
0x96: {  	_ =	strace s2  }
0x97: {  	_ =	strace $0x8FFFFFFF  }
0x98: {  	s18 =	sld [smem:$0x3FDB];
	_ =	sdelay $0x1  }
0x99: {  	s19 =	simm.s32 $_scs_section_size  }
0x9a: {  	s4 =	simm.s32 $_size__tile_overlayer_lowered;
	s5 =	simm.s32 $_tile_overlayer_lowered  }
0x9b: {  	s22 =	simm.s32 $0x1BFF;
	s21 =	sshll.u32 s5, $0x1;
	s2 =	sadd.s32 s19, s18  }
0x9c: {  	s6 =	simm.s32 $0x0;
	s20 =	sshll.u32 s4, $0x1;
	s4 =	sadd.s32 s21, s2  }
0x9d: {  	[timem:s6], [sflag:s22] =	dma.local [hbm:s4], s20  }
0x9e: {  	_ =	swait.ge [sflag:s22], s20  }
0x9f: {  	s3 =	ssub.s32 $0x0, s20;
	[sflag:s22] =	ssyncset.done $0x0  }
0xa0: {  	[sflag:s22] =	ssyncadd.s32 s3;
	_ =	sdelay $0x1  }
0xa1: {  	s23 =	simm.s32 $0x1B8B  }
0xa2: {  	_ =	swait.ge [sflag:s23], $0x1  }
0xa3: {  	[sflag:s23] =	ssyncset.done $0x0  }
0xa4: {  	s25 =	simm.s32 $0x1B8E;
	s24 =	sld [smem:$0x3FFE];
	[sflag:s23] =	ssyncadd.s32 $0xFFFFFFFF  }
0xa5: {  	s26 =	simm.s32 $execute0_lowered;
	[smem:$0x3FD2] =	sst s25  }
0xa6: {  	s4 =	sshll.u32 s26, $0x1;
	_ =	strace $0x8000004C;
	[dreg:$0x1] =	wrdreg $0xFFFFFFFF  }
0xa7: {  	s28 =	simm.s32 $_size_execute0_lowered;
	s2 =	sadd.s32 s2, s4;
	[dreg:$0x0] =	wrdreg $0x0  }
0xa8: {  	s4 =	sshll.u32 s28, $0x1;
	[dreg:$0x2] =	wrdreg s2  }
0xa9: {  	[dreg:$0x3] =	wrdreg s4  }
0xaa: {  	[dreg:$0x4] =	wrdreg $0xC0  }
0xab: {  	_ =	task [dreg:s6], $0x5FFFF  }
0xac: {  	[dreg:$0x1] =	wrdreg $0xFFFFFFFF  }
0xad: {  	[dreg:$0x0] =	wrdreg $0x60  }
0xae: {  	[dreg:$0x2] =	wrdreg s24  }
0xaf: {  	[dreg:$0x3] =	wrdreg $0x0  }
0xb0: {  	[dreg:$0x4] =	wrdreg $0x9  }
0xb1: {  	_ =	task.clear_ibuf [dreg:s6], $0x5FFFF;
	_ =	strace $0x9000004C  }
0xb2: {  	s29 =	simm.s32 $0x9;
	_ =	strace $0x8000004E  }
0xb3: {  	_ =	swait.ge [sflag:s29], $0x1  }
0xb4: {  	[sflag:s29] =	ssyncadd.s32 $0xFFFFFFFF  }
0xb5: {  	_ =	strace $0x9000004E  }
0xb6: {  	_ =	sfence  }
0xb7: {  	s30 =	sld [smem:$0x0];
	_ =	sdelay $0x2  }
0xb8: {  	s31 =	sshll.u32 s1, $0xD;
	s1 =	sshrl.u32 s1, $0x2  }
0xb9: {  	s3 =	sand.u32 $0x4000, s31;
	s1 =	sadd.s32 s1, s30  }
0xba: {  	s0 =	sor.u32 s3, s0;
	s1 =	sshll.u32 s1, $0x11  }
0xbb: {  	s0 =	sor.u32 s1, s0  }
0xbc: {  	s0 =	sadd.s32 $0x8F2B, s0  }
0xbd: {  	[sflag:s0] =	ssyncadd.remote.s32 $0x1  }
0xbe: {  	_ =	sfence.sel $0xFFFF  }
0xbf: {  	[dreg:$0x0] =	wrdreg $0xFFFFFFFF;
	(pc) =	sbr.abs _section_cstart, $3  }
0xc0: {  	[dreg:$0x1] =	wrdreg $0xFFFFFFFF  }
0xc1: {  	_ =	task.clear_ibuf [dreg:s6], $0x2FFFF;
	_ =	strace $0x9FFFFFFF  }
0xc2: {  	(tm) =	ssettm $0x7FFFFFFF  }
0xc3: {  	_ =	shalt  }
tec
execute0_lowered:
.L_overlay_start_1:
0x0: {  	(tag) =	ssettag $0x1  }
0x1: {  	s0 =	rddreg [dreg:$0x0]  }
0x2: {  	s1 =	rddreg [dreg:$0x1];
	s2 =	simm.s32 $0x0  }
0x3: {  	s6 =	srdreg.scid;
	s28 =	simm.s32 $0x1A600;
	s29 =	simm.s32 $0x18A80  }
0x4: {  	s30 =	simm.s32 $0x1CE00;
	s31 =	simm.s32 $0x1;
	[smem:$0x7FF] =	sst s2  }
0x5: {  	s3 =	sadd.s32 $0xCA800, s0;
	s4 =	sadd.s32 $0x65400, s0;
	s5 =	sadd.s32 $0xFB800, s0  }
0x6: {  	s23 =	sadd.s32 $0x160A00, s0;
	s14 =	sadd.s32 $0xFEA00, s0;
	s24 =	sadd.s32 $0xFEC00, s0  }
0x7: {  	s7 =	sadd.s32 $0xFFE00, s0;
	_ =	strace $0x8000004D;
	[dreg:$0x3] =	wrdreg s5  }
0x8: {  	s6 =	sand.u32 $0x1, s6;
	s8 =	sadd.s32 $0x100800, s0;
	[dreg:$0x4] =	wrdreg s23  }
0x9: {  	s15 =	sadd.s32 $0x191A00, s0;
	[dreg:$0x6] =	wrdreg s7;
	s7 =	stileid.u32  }
0xa: {  	s20 =	sadd.s32 $0x100300, s0;
	[dreg:$0x7] =	wrdreg s8;
	s13 =	smul.u32 $0x31000, s6  }
0xb: {  	s25 =	ssub.s32 $0x2, s6;
	[dreg:$0x8] =	wrdreg s15;
	s17 =	smul.u32 $0x4800, s6  }
0xc: {  	p1 =	seq.s32 s6, $0x0;
	s18 =	smul.u32 $0x90, s6;
	[dreg:$0xc] =	wrdreg s20  }
0xd: {  	s19 =	smul.u32 $0x900, s6;
	[dreg:$0x5] =	wrdreg s14;
	p2 =	seq.s32 s6, $0x1  }
0xe: {  	s23 =	sadd.s32 $0x100D00, s0;
	s9 =	smul.u32 $0x62000, s7;
	s10 =	sshrl.u32 s25, $0x1  }
0xf: {  	s11 =	smul.u32 $0x3100, s7;
	s12 =	sshll.u32 s7, $0x1;
	p0 =	seq.s32 s7, $0x1  }
0x10: {  	[dreg:$0x10] =	wrdreg s23;
	s23 =	simm.s32 $0x5;
	p3 =	sne.s32 s7, $0x0  }
0x11: {  	s8 =	ssub.s32 s25, s10;
	s26 =	sor.u32 s6, s12;
	s12 =	sshll.u32 s7, $0x6  }
0x12: {  	p1 =	por !p0, !p1;
	s21 =	sadd.s32 s14, s18;
	s5 =	sadd.s32 s24, s19  }
0x13: {  	s6 =	smul.u32 $0x32A0, s6;
	s14 =	simm.s32 $0x19980;
	s9 =	sshrl.u32 s9, $0x2  }
0x14: {  	s10 =	smul.u32 $0x32A0, s26;
	s13 =	sadd.s32 s11, s13;
	[dreg:$0xd] =	wrdreg s21  }
0x15: {  	p1 =	por !p1, !p1;
	[dreg:$0xe] =	wrdreg s5;
	s8 =	smax.u32 s8, $0x1  }
0x16: {  	s5 =	simm.s32 $0x19200;
	s9 =	sadd.s32 s9, s1;
	[dreg:$0x11] =	wrdreg s8  }
0x17: {  	s16 =	sadd.s32 s15, s13;
	s8 =	simm.s32 $0x18D00;
	[dreg:$0x9] =	wrdreg s9  }
0x18: {  	s15 =	simm.s32 $0x4;
	s9 =	sor.u32 $0x1C05, s12;
	[dreg:$0xb] =	wrdreg s16  }
0x19: {  	s13 =	simm.s32 $0x19E80;
	s25 =	sadd.s32 s0, s10;
	[dreg:$0xa] =	wrdreg s9  }
0x1a: {  	s26 =	sadd.s32 s4, s10;
	s16 =	simm.s32 $0x18F80;
	[dreg:$0x12] =	wrdreg s25  }
0x1b: {  	s10 =	simm.s32 $0x0;
	s9 =	sshrl.u32 s17, $0x3;
	[dreg:$0x13] =	wrdreg s26  }
0x1c: {  	s25 =	simm.s32 $0x19700;
	s9 =	sadd.s32 s24, s9;
	s24 =	smul.u32 $0x6540, s7  }
.Ltmp0:
0x1d: {  	s26 =	simm.s32 $0x280;
	s17 =	simm.s32 $0x2;
	(pc) =	sbr.rel .LBB2_1-.Ltmp0, $4  }
0x1e: {  	s7 =	simm.s32 $0x19C00;
	s22 =	sadd.s32 $0x500, s9;
	s9 =	simm.s32 $0x19480  }
0x1f: {  	[dreg:$0xf] =	wrdreg s22;
	s4 =	sadd.s32 s24, s4;
	s0 =	sadd.s32 s24, s0  }
0x20: {  	s24 =	simm.s32 $0x18800;
	s21 =	sadd.s32 s6, s4;
	s22 =	sadd.s32 s6, s0  }
0x21: {  	s0 =	simm.s32 $0x3;
	s6 =	simm.s32 $0x1A100;
	s4 =	simm.s32 $0x1A380  }
.LBB2_4:
0x22: {  	s11 =	rddreg [dreg:$0xd];
	s12 =	simm.s32 $0x1F600  }
0x23: {  	[tilespmem:s12], [sflag:$0x5] =	stream.linear.gather [hbm4b:s11+s2], $0x480, $0x38;
	[tilespmem:$0x1FA80] =	vst v63  }
0x24: {  	_ =	swait.ge [sflag:s23], $0x480  }
0x25: {  	[sflag:s23] =	ssyncset.done $0x0  }
0x26: {  	s18 =	rddreg [dreg:$0x8];
	[sflag:s23] =	ssyncadd.s32 $0xFFFFFB80  }
0x27: {  	[tilespmem:s28], [sflag:$0x5] =	stream.indirect.gather [hbm4b:s18+s26], $0x10, s12, s26, $0xb8;
	[tilespmem:$0x1FA80] =	vst v63  }
0x28: {  	_ =	swait.ge [sflag:s23], $0x2800  }
0x29: {  	[sflag:s23] =	ssyncset.done $0x0;
	s19 =	rddreg [dreg:$0xe]  }
0x2a: {  	s12 =	rddreg [dreg:$0xf];
	[sflag:s23] =	ssyncadd.s32 $0xFFFFD800  }
.LBB2_7:
0x2b: {  	[hbm4b:s19+s2] =	stream.linear.scatter [tilespmem:s28], [sflag:$0x5], $0x2800, $0x38;
	[tilespmem:$0x1FA80] =	vst v63  }
0x2c: {  	_ =	swait.ge [sflag:s23], $0x2800  }
0x2d: {  	[sflag:s23] =	ssyncset.done $0x0  }
0x2e: {  	s11 =	simm.s32 $0x200;
	s20 =	simm.s32 $0x1F880;
	[sflag:s23] =	ssyncadd.s32 $0xFFFFD800  }
0x2f: {  	[tilespmem:s30], [sflag:$0x5] =	stream.indirect.gather [hbm4b:s18+s11], $0x10, s20, s11, $0xb8;
	[tilespmem:$0x1FA80] =	vst v63  }
0x30: {  	_ =	swait.ge [sflag:s23], $0x2000  }
0x31: {  	[sflag:s23] =	ssyncset.done $0x0  }
0x32: {  	[sflag:s23] =	ssyncadd.s32 $0xFFFFE000  }
0x33: {  	[hbm4b:s12+s2] =	stream.linear.scatter [tilespmem:s30], [sflag:$0x5], $0x2000, $0x38;
	[tilespmem:$0x1FA80] =	vst v63  }
0x34: {  	_ =	swait.ge [sflag:s23], $0x2000  }
0x35: {  	[sflag:s23] =	ssyncset.done $0x0  }
0x36: {  	[sflag:s23] =	ssyncadd.s32 $0xFFFFE000  }
.LBB2_8:
0x37: {  	s10 =	sadd.s32 $0x1, s10;
	s11 =	rddreg [dreg:$0x11]  }
0x38: {  	p4 =	sne.s32 s10, s11  }
.Ltmp1:
0x39: {  	_ = 	snop;
	(pc) =	sbr.rel @!p4 .LBB2_9-.Ltmp1, $1  }
0x3a: {  	_ =	sdelay $0x3  }
.LBB2_1:
0x3b: {  	s11 =	rddreg [dreg:$0x9]  }
0x3c: {  	s19 =	rddreg [dreg:$0x3]  }
0x3d: {  	s18 =	rddreg [dreg:$0xa];
	s12 =	sshrl.u32 s11, $0x3  }
0x3e: {  	[spmem:s12], [sflag:s18] =	dma.local [hbm:s19], $0x3100  }
0x3f: {  	_ =	swait.ge [sflag:s23], $0x3100  }
0x40: {  	[sflag:s23] =	ssyncset.done $0x0  }
0x41: {  	[sflag:s23] =	ssyncadd.s32 $0xFFFFCF00  }
0x42: {  	[bflag:$0x0] =	sbarrier.arrive $0xFFFF  }
0x43: {  	s20 =	rddreg [dreg:$0x12]  }
0x44: {  	[tilespmem:s24], [sflag:$0x5] =	stream.linear.gather [hbm4b:s20+s2], $0xF00, $0x38;
	[tilespmem:$0x1FA80] =	vst v63  }
0x45: {  	_ =	swait.ge [sflag:s23], $0xF00  }
0x46: {  	[sflag:s23] =	ssyncset.done $0x0  }
0x47: {  	s18 =	rddreg [dreg:$0x13];
	[sflag:s23] =	ssyncadd.s32 $0xFFFFF100  }
0x48: {  	[tilespmem:s25], [sflag:$0x5] =	stream.linear.gather [hbm4b:s18+s2], $0xF00, $0x38;
	[tilespmem:$0x1FA80] =	vst v63  }
0x49: {  	_ =	swait.ge [sflag:s23], $0xF00  }
0x4a: {  	[sflag:s23] =	ssyncset.done $0x0  }
0x4b: {  	[sflag:s23] =	ssyncadd.s32 $0xFFFFF100  }
0x4c: {  	[tilespmem:s28], [sflag:$0x1] =	stream.indirect.gather [hbm4b:s3+s26], $0x10, s24, s26, $0xb8;
	[tilespmem:$0x1FA80] =	vst v63  }
0x4d: {  	_ = 	snop  }
0x4e: {  	[tilespmem:s30], [sflag:$0x2] =	stream.indirect.gather [hbm4b:s3+s26], $0x10, s29, s26, $0xb8;
	[tilespmem:$0x1FA80] =	vst v63  }
0x4f: {  	_ =	swait.ge [sflag:s31], $0x2800  }
0x50: {  	[sflag:s31] =	ssyncset.done $0x0  }
0x51: {  	[sflag:s31] =	ssyncadd.s32 $0xFFFFD800  }
0x52: {  	[spmem:s1] =	stream.indirect.scatter.add.f32 [tilespmem:s28], [sflag:$0x3], $0x10, s25, s26, $0xb8;
	[tilespmem:$0x1FA80] =	vst v63  }
0x53: {  	_ =	swait.ge [sflag:s0], $0x2800  }
0x54: {  	[sflag:s0] =	ssyncset.done $0x0  }
0x55: {  	[sflag:s0] =	ssyncadd.s32 $0xFFFFD800  }
0x56: {  	[tilespmem:s28], [sflag:$0x1] =	stream.indirect.gather [hbm4b:s3+s26], $0x10, s8, s26, $0xb8;
	[tilespmem:$0x1FA80] =	vst v63  }
0x57: {  	_ =	swait.ge [sflag:s17], $0x2800  }
0x58: {  	[sflag:s17] =	ssyncset.done $0x0  }
0x59: {  	[sflag:s17] =	ssyncadd.s32 $0xFFFFD800  }
0x5a: {  	[spmem:s1] =	stream.indirect.scatter.add.f32 [tilespmem:s30], [sflag:$0x4], $0x10, s14, s26, $0xb8;
	[tilespmem:$0x1FA80] =	vst v63  }
0x5b: {  	_ =	swait.ge [sflag:s15], $0x2800  }
0x5c: {  	[sflag:s15] =	ssyncset.done $0x0  }
0x5d: {  	[sflag:s15] =	ssyncadd.s32 $0xFFFFD800  }
0x5e: {  	[tilespmem:s30], [sflag:$0x2] =	stream.indirect.gather [hbm4b:s3+s26], $0x10, s16, s26, $0xb8;
	[tilespmem:$0x1FA80] =	vst v63  }
0x5f: {  	_ =	swait.ge [sflag:s31], $0x2800  }
0x60: {  	[sflag:s31] =	ssyncset.done $0x0  }
0x61: {  	[sflag:s31] =	ssyncadd.s32 $0xFFFFD800  }
0x62: {  	[spmem:s1] =	stream.indirect.scatter.add.f32 [tilespmem:s28], [sflag:$0x3], $0x10, s7, s26, $0xb8;
	[tilespmem:$0x1FA80] =	vst v63  }
0x63: {  	_ =	swait.ge [sflag:s0], $0x2800  }
0x64: {  	[sflag:s0] =	ssyncset.done $0x0  }
0x65: {  	[sflag:s0] =	ssyncadd.s32 $0xFFFFD800  }
0x66: {  	[tilespmem:s28], [sflag:$0x1] =	stream.indirect.gather [hbm4b:s3+s26], $0x10, s5, s26, $0xb8;
	[tilespmem:$0x1FA80] =	vst v63  }
0x67: {  	_ =	swait.ge [sflag:s17], $0x2800  }
0x68: {  	[sflag:s17] =	ssyncset.done $0x0  }
0x69: {  	[sflag:s17] =	ssyncadd.s32 $0xFFFFD800  }
0x6a: {  	[spmem:s1] =	stream.indirect.scatter.add.f32 [tilespmem:s30], [sflag:$0x4], $0x10, s13, s26, $0xb8;
	[tilespmem:$0x1FA80] =	vst v63  }
0x6b: {  	_ =	swait.ge [sflag:s15], $0x2800  }
0x6c: {  	[sflag:s15] =	ssyncset.done $0x0  }
0x6d: {  	[sflag:s15] =	ssyncadd.s32 $0xFFFFD800  }
0x6e: {  	[tilespmem:s30], [sflag:$0x2] =	stream.indirect.gather [hbm4b:s3+s26], $0x10, s9, s26, $0xb8;
	[tilespmem:$0x1FA80] =	vst v63  }
0x6f: {  	_ =	swait.ge [sflag:s31], $0x2800  }
0x70: {  	[sflag:s31] =	ssyncset.done $0x0  }
0x71: {  	[sflag:s31] =	ssyncadd.s32 $0xFFFFD800  }
0x72: {  	[spmem:s1] =	stream.indirect.scatter.add.f32 [tilespmem:s28], [sflag:$0x3], $0x10, s6, s26, $0xb8;
	[tilespmem:$0x1FA80] =	vst v63  }
0x73: {  	_ =	swait.ge [sflag:s17], $0x2800  }
0x74: {  	[sflag:s17] =	ssyncset.done $0x0  }
0x75: {  	[sflag:s17] =	ssyncadd.s32 $0xFFFFD800  }
0x76: {  	[spmem:s1] =	stream.indirect.scatter.add.f32 [tilespmem:s30], [sflag:$0x4], $0x10, s4, s26, $0xb8;
	[tilespmem:$0x1FA80] =	vst v63  }
0x77: {  	_ =	swait.ge [sflag:s0], $0x2800  }
0x78: {  	[sflag:s0] =	ssyncset.done $0x0  }
0x79: {  	[sflag:s0] =	ssyncadd.s32 $0xFFFFD800  }
0x7a: {  	_ =	swait.ge [sflag:s15], $0x2800  }
0x7b: {  	[sflag:s15] =	ssyncset.done $0x0  }
0x7c: {  	s19 =	sadd.s32 $0x1E0, s22;
	[sflag:s15] =	ssyncadd.s32 $0xFFFFD800  }
0x7d: {  	[tilespmem:s24], [sflag:$0x5] =	stream.linear.gather [hbm4b:s19+s2], $0xF00, $0x38;
	[tilespmem:$0x1FA80] =	vst v63  }
0x7e: {  	_ =	swait.ge [sflag:s23], $0xF00  }
0x7f: {  	[sflag:s23] =	ssyncset.done $0x0  }
0x80: {  	s20 =	sadd.s32 $0x1E0, s21;
	[sflag:s23] =	ssyncadd.s32 $0xFFFFF100  }
0x81: {  	[tilespmem:s25], [sflag:$0x5] =	stream.linear.gather [hbm4b:s20+s2], $0xF00, $0x38;
	[tilespmem:$0x1FA80] =	vst v63  }
0x82: {  	_ =	swait.ge [sflag:s23], $0xF00  }
0x83: {  	[sflag:s23] =	ssyncset.done $0x0  }
0x84: {  	[sflag:s23] =	ssyncadd.s32 $0xFFFFF100  }
0x85: {  	[tilespmem:s28], [sflag:$0x1] =	stream.indirect.gather [hbm4b:s3+s26], $0x10, s24, s26, $0xb8;
	[tilespmem:$0x1FA80] =	vst v63  }
0x86: {  	_ = 	snop  }
0x87: {  	[tilespmem:s30], [sflag:$0x2] =	stream.indirect.gather [hbm4b:s3+s26], $0x10, s29, s26, $0xb8;
	[tilespmem:$0x1FA80] =	vst v63  }
0x88: {  	_ =	swait.ge [sflag:s31], $0x2800  }
0x89: {  	[sflag:s31] =	ssyncset.done $0x0  }
0x8a: {  	[sflag:s31] =	ssyncadd.s32 $0xFFFFD800  }
0x8b: {  	[spmem:s1] =	stream.indirect.scatter.add.f32 [tilespmem:s28], [sflag:$0x3], $0x10, s25, s26, $0xb8;
	[tilespmem:$0x1FA80] =	vst v63  }
0x8c: {  	_ =	swait.ge [sflag:s0], $0x2800  }
0x8d: {  	[sflag:s0] =	ssyncset.done $0x0  }
0x8e: {  	[sflag:s0] =	ssyncadd.s32 $0xFFFFD800  }
0x8f: {  	[tilespmem:s28], [sflag:$0x1] =	stream.indirect.gather [hbm4b:s3+s26], $0x10, s8, s26, $0xb8;
	[tilespmem:$0x1FA80] =	vst v63  }
0x90: {  	_ =	swait.ge [sflag:s17], $0x2800  }
0x91: {  	[sflag:s17] =	ssyncset.done $0x0  }
0x92: {  	[sflag:s17] =	ssyncadd.s32 $0xFFFFD800  }
0x93: {  	[spmem:s1] =	stream.indirect.scatter.add.f32 [tilespmem:s30], [sflag:$0x4], $0x10, s14, s26, $0xb8;
	[tilespmem:$0x1FA80] =	vst v63  }
0x94: {  	_ =	swait.ge [sflag:s15], $0x2800  }
0x95: {  	[sflag:s15] =	ssyncset.done $0x0  }
0x96: {  	[sflag:s15] =	ssyncadd.s32 $0xFFFFD800  }
0x97: {  	[tilespmem:s30], [sflag:$0x2] =	stream.indirect.gather [hbm4b:s3+s26], $0x10, s16, s26, $0xb8;
	[tilespmem:$0x1FA80] =	vst v63  }
0x98: {  	_ =	swait.ge [sflag:s31], $0x2800  }
0x99: {  	[sflag:s31] =	ssyncset.done $0x0  }
0x9a: {  	[sflag:s31] =	ssyncadd.s32 $0xFFFFD800  }
0x9b: {  	[spmem:s1] =	stream.indirect.scatter.add.f32 [tilespmem:s28], [sflag:$0x3], $0x10, s7, s26, $0xb8;
	[tilespmem:$0x1FA80] =	vst v63  }
0x9c: {  	_ =	swait.ge [sflag:s0], $0x2800  }
0x9d: {  	[sflag:s0] =	ssyncset.done $0x0  }
0x9e: {  	[sflag:s0] =	ssyncadd.s32 $0xFFFFD800  }
0x9f: {  	[tilespmem:s28], [sflag:$0x1] =	stream.indirect.gather [hbm4b:s3+s26], $0x10, s5, s26, $0xb8;
	[tilespmem:$0x1FA80] =	vst v63  }
0xa0: {  	_ =	swait.ge [sflag:s17], $0x2800  }
0xa1: {  	[sflag:s17] =	ssyncset.done $0x0  }
0xa2: {  	[sflag:s17] =	ssyncadd.s32 $0xFFFFD800  }
0xa3: {  	[spmem:s1] =	stream.indirect.scatter.add.f32 [tilespmem:s30], [sflag:$0x4], $0x10, s13, s26, $0xb8;
	[tilespmem:$0x1FA80] =	vst v63  }
0xa4: {  	_ =	swait.ge [sflag:s15], $0x2800  }
0xa5: {  	[sflag:s15] =	ssyncset.done $0x0  }
0xa6: {  	[sflag:s15] =	ssyncadd.s32 $0xFFFFD800  }
0xa7: {  	[tilespmem:s30], [sflag:$0x2] =	stream.indirect.gather [hbm4b:s3+s26], $0x10, s9, s26, $0xb8;
	[tilespmem:$0x1FA80] =	vst v63  }
0xa8: {  	_ =	swait.ge [sflag:s31], $0x2800  }
0xa9: {  	[sflag:s31] =	ssyncset.done $0x0  }
0xaa: {  	[sflag:s31] =	ssyncadd.s32 $0xFFFFD800  }
0xab: {  	[spmem:s1] =	stream.indirect.scatter.add.f32 [tilespmem:s28], [sflag:$0x3], $0x10, s6, s26, $0xb8;
	[tilespmem:$0x1FA80] =	vst v63  }
0xac: {  	_ =	swait.ge [sflag:s17], $0x2800  }
0xad: {  	[sflag:s17] =	ssyncset.done $0x0  }
0xae: {  	s18 =	simm.s32 $0x3C0;
	[sflag:s17] =	ssyncadd.s32 $0xFFFFD800  }
.LBB2_2:
0xaf: {  	[spmem:s1] =	stream.indirect.scatter.add.f32 [tilespmem:s30], [sflag:$0x4], $0x10, s4, s26, $0xb8;
	[tilespmem:$0x1FA80] =	vst v63  }
0xb0: {  	s19 =	smov.u32 s18  }
0xb1: {  	p4 =	sne.s32 s18, $0x30C0;
	s18 =	sadd.s32 $0x1E0, s18;
	_ =	swait.ge [sflag:s0], $0x2800  }
0xb2: {  	[sflag:s0] =	ssyncset.done $0x0  }
0xb3: {  	[sflag:s0] =	ssyncadd.s32 $0xFFFFD800  }
0xb4: {  	_ =	swait.ge [sflag:s15], $0x2800  }
0xb5: {  	[sflag:s15] =	ssyncset.done $0x0  }
0xb6: {  	s20 =	sadd.s32 s19, s22;
	[sflag:s15] =	ssyncadd.s32 $0xFFFFD800  }
0xb7: {  	[tilespmem:s24], [sflag:$0x5] =	stream.linear.gather [hbm4b:s20+s2], $0xF00, $0x38;
	[tilespmem:$0x1FA80] =	vst v63  }
0xb8: {  	_ =	swait.ge [sflag:s23], $0xF00  }
0xb9: {  	[sflag:s23] =	ssyncset.done $0x0  }
0xba: {  	s19 =	sadd.s32 s19, s21;
	[sflag:s23] =	ssyncadd.s32 $0xFFFFF100  }
0xbb: {  	[tilespmem:s25], [sflag:$0x5] =	stream.linear.gather [hbm4b:s19+s2], $0xF00, $0x38;
	[tilespmem:$0x1FA80] =	vst v63  }
0xbc: {  	_ =	swait.ge [sflag:s23], $0xF00  }
0xbd: {  	[sflag:s23] =	ssyncset.done $0x0  }
0xbe: {  	[sflag:s23] =	ssyncadd.s32 $0xFFFFF100  }
0xbf: {  	[tilespmem:s28], [sflag:$0x1] =	stream.indirect.gather [hbm4b:s3+s26], $0x10, s24, s26, $0xb8;
	[tilespmem:$0x1FA80] =	vst v63  }
0xc0: {  	_ = 	snop  }
0xc1: {  	[tilespmem:s30], [sflag:$0x2] =	stream.indirect.gather [hbm4b:s3+s26], $0x10, s29, s26, $0xb8;
	[tilespmem:$0x1FA80] =	vst v63  }
0xc2: {  	_ =	swait.ge [sflag:s31], $0x2800  }
0xc3: {  	[sflag:s31] =	ssyncset.done $0x0  }
0xc4: {  	[sflag:s31] =	ssyncadd.s32 $0xFFFFD800  }
0xc5: {  	[spmem:s1] =	stream.indirect.scatter.add.f32 [tilespmem:s28], [sflag:$0x3], $0x10, s25, s26, $0xb8;
	[tilespmem:$0x1FA80] =	vst v63  }
0xc6: {  	_ =	swait.ge [sflag:s0], $0x2800  }
0xc7: {  	[sflag:s0] =	ssyncset.done $0x0  }
0xc8: {  	[sflag:s0] =	ssyncadd.s32 $0xFFFFD800  }
0xc9: {  	[tilespmem:s28], [sflag:$0x1] =	stream.indirect.gather [hbm4b:s3+s26], $0x10, s8, s26, $0xb8;
	[tilespmem:$0x1FA80] =	vst v63  }
0xca: {  	_ =	swait.ge [sflag:s17], $0x2800  }
0xcb: {  	[sflag:s17] =	ssyncset.done $0x0  }
0xcc: {  	[sflag:s17] =	ssyncadd.s32 $0xFFFFD800  }
0xcd: {  	[spmem:s1] =	stream.indirect.scatter.add.f32 [tilespmem:s30], [sflag:$0x4], $0x10, s14, s26, $0xb8;
	[tilespmem:$0x1FA80] =	vst v63  }
0xce: {  	_ =	swait.ge [sflag:s15], $0x2800  }
0xcf: {  	[sflag:s15] =	ssyncset.done $0x0  }
0xd0: {  	[sflag:s15] =	ssyncadd.s32 $0xFFFFD800  }
0xd1: {  	[tilespmem:s30], [sflag:$0x2] =	stream.indirect.gather [hbm4b:s3+s26], $0x10, s16, s26, $0xb8;
	[tilespmem:$0x1FA80] =	vst v63  }
0xd2: {  	_ =	swait.ge [sflag:s31], $0x2800  }
0xd3: {  	[sflag:s31] =	ssyncset.done $0x0  }
0xd4: {  	[sflag:s31] =	ssyncadd.s32 $0xFFFFD800  }
0xd5: {  	[spmem:s1] =	stream.indirect.scatter.add.f32 [tilespmem:s28], [sflag:$0x3], $0x10, s7, s26, $0xb8;
	[tilespmem:$0x1FA80] =	vst v63  }
0xd6: {  	_ =	swait.ge [sflag:s0], $0x2800  }
0xd7: {  	[sflag:s0] =	ssyncset.done $0x0  }
0xd8: {  	[sflag:s0] =	ssyncadd.s32 $0xFFFFD800  }
0xd9: {  	[tilespmem:s28], [sflag:$0x1] =	stream.indirect.gather [hbm4b:s3+s26], $0x10, s5, s26, $0xb8;
	[tilespmem:$0x1FA80] =	vst v63  }
0xda: {  	_ =	swait.ge [sflag:s17], $0x2800  }
0xdb: {  	[sflag:s17] =	ssyncset.done $0x0  }
0xdc: {  	[sflag:s17] =	ssyncadd.s32 $0xFFFFD800  }
0xdd: {  	[spmem:s1] =	stream.indirect.scatter.add.f32 [tilespmem:s30], [sflag:$0x4], $0x10, s13, s26, $0xb8;
	[tilespmem:$0x1FA80] =	vst v63  }
0xde: {  	_ =	swait.ge [sflag:s15], $0x2800  }
0xdf: {  	[sflag:s15] =	ssyncset.done $0x0  }
0xe0: {  	[sflag:s15] =	ssyncadd.s32 $0xFFFFD800  }
0xe1: {  	[tilespmem:s30], [sflag:$0x2] =	stream.indirect.gather [hbm4b:s3+s26], $0x10, s9, s26, $0xb8;
	[tilespmem:$0x1FA80] =	vst v63  }
0xe2: {  	_ =	swait.ge [sflag:s31], $0x2800  }
0xe3: {  	[sflag:s31] =	ssyncset.done $0x0  }
.Ltmp2:
0xe4: {  	[sflag:s31] =	ssyncadd.s32 $0xFFFFD800;
	(pc) =	sbr.rel @p4 .LBB2_2-.Ltmp2, $4  }
0xe5: {  	[spmem:s1] =	stream.indirect.scatter.add.f32 [tilespmem:s28], [sflag:$0x3], $0x10, s6, s26, $0xb8;
	[tilespmem:$0x1FA80] =	vst v63  }
0xe6: {  	_ =	swait.ge [sflag:s17], $0x2800  }
0xe7: {  	[sflag:s17] =	ssyncset.done $0x0  }
0xe8: {  	[sflag:s17] =	ssyncadd.s32 $0xFFFFD800  }
0xe9: {  	[spmem:s1] =	stream.indirect.scatter.add.f32 [tilespmem:s30], [sflag:$0x4], $0x10, s4, s26, $0xb8;
	[tilespmem:$0x1FA80] =	vst v63  }
0xea: {  	_ =	swait.ge [sflag:s0], $0x2800  }
0xeb: {  	[sflag:s0] =	ssyncset.done $0x0  }
0xec: {  	[sflag:s0] =	ssyncadd.s32 $0xFFFFD800  }
0xed: {  	_ =	swait.ge [sflag:s15], $0x2800  }
0xee: {  	[sflag:s15] =	ssyncset.done $0x0  }
0xef: {  	[sflag:s15] =	ssyncadd.s32 $0xFFFFD800  }
0xf0: {  	[bflag:$0x0] =	sbarrier.arrive $0xFFFF  }
0xf1: {  	s11 =	rddreg [dreg:$0xa]  }
0xf2: {  	s18 =	rddreg [dreg:$0xb]  }
0xf3: {  	[hbm:s18], [sflag:s11] =	dma.local [spmem:s12], $0x3100  }
.Ltmp3:
0xf4: {  	_ =	swait.ge [sflag:s23], $0x3100;
	(pc) =	sbr.rel @!p3 .LBB2_4-.Ltmp3, $3  }
0xf5: {  	[sflag:s23] =	ssyncset.done $0x0  }
0xf6: {  	[sflag:s23] =	ssyncadd.s32 $0xFFFFCF00  }
0xf7: {  	[bflag:$0x0] =	sbarrier.arrive $0xFFFF;
	_ =	sdelay $0x1  }
0xf8: {  	s12 =	simm.s32 @p1 $0x0  }
0xf9: {  	s18 =	simm.s32 @p1 $0x1F600;
	s11 =	rddreg [dreg:$0x5];
	s19 =	simm.s32 @p1 $0x5  }
0xfa: {  	[tilespmem:s18], [sflag:$0x5] =	stream.linear.gather @p1 [hbm4b:s11+s12], $0x480, $0x38;
	[tilespmem:$0x1FA80] =	vst v63  }
0xfb: {  	_ =	swait.ge @p1 [sflag:s19], $0x480  }
0xfc: {  	[sflag:s19] =	ssyncset.done @p1 $0x0  }
0xfd: {  	s20 =	simm.s32 @p1 $0x280;
	s11 =	simm.s32 @p1 $0x1A600;
	[sflag:s19] =	ssyncadd.s32 @p1 $0xFFFFFB80  }
0xfe: {  	[tilespmem:s11], [sflag:$0x5] =	stream.indirect.gather @p1 [hbm4b:s3+s20], $0x10, s18, s20, $0xb8;
	[tilespmem:$0x1FA80] =	vst v63  }
0xff: {  	_ =	swait.ge @p1 [sflag:s19], $0x2800  }
0x100: {  	[sflag:s19] =	ssyncset.done @p1 $0x0  }
0x101: {  	s18 =	rddreg [dreg:$0x6];
	[sflag:s19] =	ssyncadd.s32 @p1 $0xFFFFD800  }
0x102: {  	[hbm4b:s18+s12] =	stream.linear.scatter @p1 [tilespmem:s11], [sflag:$0x5], $0x2800, $0x38;
	[tilespmem:$0x1FA80] =	vst v63  }
0x103: {  	p4 =	por @p1 $0x1, $0x1;
	_ =	swait.ge @p1 [sflag:s19], $0x2800  }
0x104: {  	p4 =	por @!p1 p0, p0;
	s20 =	simm.s32 @p1 $0x1CE00;
	[sflag:s19] =	ssyncset.done @p1 $0x0  }
0x105: {  	s11 =	simm.s32 @p1 $0x200;
	s18 =	simm.s32 @p1 $0x1F880;
	[sflag:s19] =	ssyncadd.s32 @p1 $0xFFFFD800  }
0x106: {  	[tilespmem:s20], [sflag:$0x5] =	stream.indirect.gather @p1 [hbm4b:s3+s11], $0x10, s18, s11, $0xb8;
	[tilespmem:$0x1FA80] =	vst v63  }
0x107: {  	p4 =	por !p4, !p2;
	_ =	swait.ge @p1 [sflag:s19], $0x2000  }
0x108: {  	p4 =	por !p4, !p4;
	[sflag:s19] =	ssyncset.done @p1 $0x0  }
.Ltmp4:
0x109: {  	s11 =	rddreg [dreg:$0xc];
	[sflag:s19] =	ssyncadd.s32 @p1 $0xFFFFE000;
	(pc) =	sbr.rel @!p4 .LBB2_8-.Ltmp4, $4  }
0x10a: {  	[hbm4b:s11+s12] =	stream.linear.scatter @p1 [tilespmem:s20], [sflag:$0x5], $0x2000, $0x38;
	[tilespmem:$0x1FA80] =	vst v63  }
0x10b: {  	_ =	swait.ge @p1 [sflag:s19], $0x2000  }
0x10c: {  	[sflag:s19] =	ssyncset.done @p1 $0x0  }
0x10d: {  	[sflag:s19] =	ssyncadd.s32 @p1 $0xFFFFE000  }
0x10e: {  	s11 =	rddreg [dreg:$0x5];
	s12 =	simm.s32 $0x1F600  }
0x10f: {  	[tilespmem:s12], [sflag:$0x5] =	stream.linear.gather [hbm4b:s11+s2], $0x480, $0x38;
	[tilespmem:$0x1FA80] =	vst v63  }
0x110: {  	_ =	swait.ge [sflag:s23], $0x480  }
0x111: {  	[sflag:s23] =	ssyncset.done $0x0  }
.Ltmp5:
0x112: {  	s18 =	rddreg [dreg:$0x4];
	[sflag:s23] =	ssyncadd.s32 $0xFFFFFB80;
	(pc) =	sbr.rel .LBB2_7-.Ltmp5, $4  }
0x113: {  	[tilespmem:s28], [sflag:$0x5] =	stream.indirect.gather [hbm4b:s18+s26], $0x10, s12, s26, $0xb8;
	[tilespmem:$0x1FA80] =	vst v63  }
0x114: {  	_ =	swait.ge [sflag:s23], $0x2800  }
0x115: {  	[sflag:s23] =	ssyncset.done $0x0;
	s19 =	rddreg [dreg:$0x7]  }
0x116: {  	s12 =	rddreg [dreg:$0x10];
	[sflag:s23] =	ssyncadd.s32 $0xFFFFD800  }
.LBB2_9:
0x117: {  	_ =	sfence.sel $0x180000  }
0x118: {  	[bflag:$0x0] =	sbarrier.arrive $0xFFFF  }
0x119: {  	_ =	strace $0x9000004D  }
0x11a: {  	[bflag:$0x2] =	sbarrier.arrive $0xFFFF  }
0x11b: {  	s0 =	rddreg [dreg:$0x2]  }
0x11c: {  	s0 =	sadd.s32 @!p3 $0x100000, s0  }
0x11d: {  	[sflag:s0] =	ssyncadd.tile.s32 @!p3 $0x1;
	_ =	shalt  }
.Lfunc_end2:
_tile_overlayer_lowered:
.L_overlay_start_2:
0x11e: {  	(tag) =	ssettag $0x2  }
0x11f: {  	s0 =	rddreg [dreg:$0x0];
	s2 =	stileid.u32  }
0x120: {  	s1 =	rddreg [dreg:$0x1];
	p0 =	sne.s32 s2, $0x0  }
0x121: {  	s3 =	rddreg [dreg:$0x2];
	[bflag:$0x3] =	sbarrier.arrive $0xFFFF;
	s2 =	simm.s32 @!p0 $0x1C05  }
0x122: {  	[timem:s3], [sflag:s2] =	dma.local @!p0 [hbm:s0], s1  }
0x123: {  	s0 =	simm.s32 @!p0 $0x5  }
0x124: {  	_ =	swait.ge @!p0 [sflag:s0], s1  }
0x125: {  	s1 =	ssub.s32 @!p0 $0x0, s1;
	[sflag:s0] =	ssyncset.done @!p0 $0x0  }
0x126: {  	[sflag:s0] =	ssyncadd.s32 @!p0 s1  }
0x127: {  	[bflag:$0x3] =	sbarrier.arrive $0xFFFF  }
0x128: {  	_ =	shalt  }

// kernel: kernel.8.cloned.1.call-start
scs
__scs_entry_jumppad:
0x0: {  	(pc) =	sbr.rel $0x88, $3  }
0x1: {  	(tag) =	ssettag $0x0;
	lr =	simm.s32 $0x1  }
0x2: {  	[smem:$0x3F97] =	sst lr;
	_ =	strace $0xD0000000  }
0x3: {  	_ = 	snop  }
0x4: {  	_ = 	snop  }
0x5: {  	_ = 	snop  }
0x6: {  	_ = 	snop  }
0x7: {  	_ = 	snop  }
__scs_overlays_trampoline_lowered:
0x8: {  	[smem:$0x3FA6] =	sst s0  }
0x9: {  	[smem:$0x3FA7] =	sst s1  }
0xa: {  	[smem:$0x3FA8] =	sst s2  }
0xb: {  	[smem:$0x3FA9] =	sst s3  }
0xc: {  	[smem:$0x3FAA] =	sst s4  }
0xd: {  	[smem:$0x3FAB] =	sst s5  }
0xe: {  	[smem:$0x3FAC] =	sst s6  }
0xf: {  	[smem:$0x3FAD] =	sst s7  }
0x10: {  	[smem:$0x3FAE] =	sst s8  }
0x11: {  	[smem:$0x3FAF] =	sst s9;
	s0 =	simm.s32 @!p0 $0x0  }
0x12: {  	s1 =	sld [smem:$0x3F95];
	s0 =	simm.s32 @p0 $0x1  }
0x13: {  	[smem:$0x3FB0] =	sst s0;
	s0 =	simm.s32 @!p1 $0x0  }
0x14: {  	s2 =	sld [smem:$0x3F94];
	s0 =	simm.s32 @p1 $0x1  }
0x15: {  	[smem:$0x3FB1] =	sst s0;
	s0 =	simm.s32 @!p2 $0x0  }
0x16: {  	s3 =	sld [smem:$0x3FDB];
	s0 =	simm.s32 @p2 $0x1  }
0x17: {  	s4 =	simm.s32 $0x1BF5;
	[smem:$0x3FB3] =	sst s0  }
0x18: {  	s0 =	sld [smem:$0x3F96];
	_ =	swait.ge [sflag:s4], $0x0  }
0x19: {  	s7 =	sld [smem:$0x3F97]  }
0x1a: {  	s8 =	sadd.s32 $0xFFFFE003, lr  }
0x1b: {  	s9 =	sadd.s32 $0xFFFFFEF7, lr;
	s5 =	simm.s32 $0xFFFFFFFF;
	p2 =	slt.u32 s8, $0xFFFFF086  }
0x1c: {  	p1 =	slt.u32 s9, $0xF7A;
	s5 =	simm.s32 @!p2 $0x0  }
0x1d: {  	s5 =	simm.s32 @p1 $0x1;
	p0 =	seq.s32 s7, s2  }
0x1e: {  	s7 =	smul.u32 @!p0 $0xF7A, s2;
	p2 =	seq.s32 @!p0 s5, $0x0  }
0x1f: {  	s9 =	smul.u32 $0xF7A, s1;
	s8 =	simm.s32 @!p0 $0x1BF5;
	p2 =	por !p2, p0  }
0x20: {  	[sflag:s8] =	ssyncset.s32 @!p0 $0xFFFFF086;
	s6 =	sadd.s32 @!p0 s3, s7;
	s7 =	simm.s32 @!p0 $0x108  }
0x21: {  	s3 =	sadd.s32 s3, s9;
	s6 =	sadd.s32 @!p0 $0x88, s6;
	s7 =	simm.s32 @p2 $0x1082  }
0x22: {  	[simem:s7], [sflag:s8] =	dma.local @!p0 [hbm:s6], $0xF7A  }
0x23: {  	s9 =	sor.u32 $0xD0000000, s2;
	s6 =	simm.s32 $0x108;
	_ =	swait.ge @!p0 [sflag:s8], $0x0  }
0x24: {  	s3 =	sadd.s32 $0x88, s3;
	s6 =	simm.s32 @!p1 $0x1082;
	[sflag:s4] =	ssyncset.s32 $0xFFFFF086  }
0x25: {  	[simem:s6], [sflag:s4] =	dma.local [hbm:s3], $0xF7A  }
0x26: {  	[smem:$0x3F97] =	sst s1;
	(tag) =	ssettag s2;
	_ =	strace s9  }
0x27: {  	s1 =	sld [smem:$0x3FA7]  }
0x28: {  	s2 =	sld [smem:$0x3FA8]  }
0x29: {  	s4 =	sld [smem:$0x3FAA]  }
0x2a: {  	p0 =	seq.s32 s5, $0x0;
	s5 =	sld [smem:$0x3FAB]  }
0x2b: {  	s6 =	sld [smem:$0x3FAC]  }
0x2c: {  	s7 =	sld [smem:$0x3FAD]  }
0x2d: {  	s3 =	simm.s32 $0x108;
	s8 =	sld [smem:$0x3FAE]  }
0x2e: {  	s3 =	simm.s32 @!p0 $0x1082;
	s9 =	sld [smem:$0x3FAF]  }
0x2f: {  	lr =	sadd.s32 s0, s3;
	s0 =	sld [smem:$0x3FA6]  }
0x30: {  	s3 =	sld [smem:$0x3FA9]  }
0x31: {  	[smem:$0x3FB2] =	sst s10  }
0x32: {  	s10 =	sld [smem:$0x3FB0];
	_ =	sdelay $0x3  }
0x33: {  	p0 =	seq.s32 s10, $0x1;
	s10 =	sld [smem:$0x3FB2];
	_ =	sdelay $0x3  }
0x34: {  	[smem:$0x3FB2] =	sst s10  }
0x35: {  	s10 =	sld [smem:$0x3FB1];
	_ =	sdelay $0x3  }
0x36: {  	p1 =	seq.s32 s10, $0x1;
	s10 =	sld [smem:$0x3FB2];
	_ =	sdelay $0x3  }
0x37: {  	[smem:$0x3FB2] =	sst s10  }
0x38: {  	s10 =	sld [smem:$0x3FB3]  }
0x39: {  	_ = 	snop;
	(pc) =	sbr.ind lr, $3  }
0x3a: {  	_ = 	snop  }
0x3b: {  	_ = 	snop  }
0x3c: {  	p2 =	seq.s32 s10, $0x1;
	s10 =	sld [smem:$0x3FB2]  }
0x3d: {  	_ =	shalt  }
0x3e: {  	_ =	shalt  }
0x3f: {  	_ =	shalt  }
0x40: {  	_ =	shalt  }
0x41: {  	_ =	shalt  }
0x42: {  	_ =	shalt  }
0x43: {  	_ =	shalt  }
0x44: {  	_ =	shalt  }
0x45: {  	_ =	shalt  }
0x46: {  	_ =	shalt  }
0x47: {  	_ =	shalt  }
0x48: {  	_ =	shalt  }
0x49: {  	_ =	shalt  }
0x4a: {  	_ =	shalt  }
0x4b: {  	_ =	shalt  }
0x4c: {  	_ =	shalt  }
0x4d: {  	_ =	shalt  }
0x4e: {  	_ =	shalt  }
0x4f: {  	_ =	shalt  }
0x50: {  	_ =	shalt  }
0x51: {  	_ =	shalt  }
0x52: {  	_ =	shalt  }
0x53: {  	_ =	shalt  }
0x54: {  	_ =	shalt  }
0x55: {  	_ =	shalt  }
0x56: {  	_ =	shalt  }
0x57: {  	_ =	shalt  }
0x58: {  	_ =	shalt  }
0x59: {  	_ =	shalt  }
0x5a: {  	_ =	shalt  }
0x5b: {  	_ =	shalt  }
0x5c: {  	_ =	shalt  }
0x5d: {  	_ =	shalt  }
0x5e: {  	_ =	shalt  }
0x5f: {  	_ =	shalt  }
0x60: {  	_ =	shalt  }
0x61: {  	_ =	shalt  }
0x62: {  	_ =	shalt  }
0x63: {  	_ =	shalt  }
0x64: {  	_ =	shalt  }
0x65: {  	_ =	shalt  }
0x66: {  	_ =	shalt  }
0x67: {  	_ =	shalt  }
0x68: {  	_ =	shalt  }
0x69: {  	_ =	shalt  }
0x6a: {  	_ =	shalt  }
0x6b: {  	_ =	shalt  }
0x6c: {  	_ =	shalt  }
0x6d: {  	_ =	shalt  }
0x6e: {  	_ =	shalt  }
0x6f: {  	_ =	shalt  }
0x70: {  	_ =	shalt  }
0x71: {  	_ =	shalt  }
0x72: {  	_ =	shalt  }
0x73: {  	_ =	shalt  }
0x74: {  	_ =	shalt  }
0x75: {  	_ =	shalt  }
0x76: {  	_ =	shalt  }
0x77: {  	_ =	shalt  }
0x78: {  	_ =	shalt  }
0x79: {  	_ =	shalt  }
0x7a: {  	_ =	shalt  }
0x7b: {  	_ =	shalt  }
0x7c: {  	_ =	shalt  }
0x7d: {  	_ =	shalt  }
0x7e: {  	_ =	shalt  }
0x7f: {  	_ =	shalt  }
0x80: {  	_ =	shalt  }
0x81: {  	_ =	shalt  }
0x82: {  	_ =	shalt  }
0x83: {  	_ =	shalt  }
0x84: {  	_ =	shalt  }
0x85: {  	_ =	shalt  }
0x86: {  	_ =	shalt  }
0x87: {  	_ =	shalt  }
.Lfunc_end0:
.L_simem_size_0:
called_computation_lowered:
.L_overlay_start_0:
0x88: {  	s2 =	sld [smem:$0x3FD9]  }
0x89: {  	s3 =	sld [smem:$0x3FFE];
	_ =	sdelay $0x1  }
0x8a: {  	s1 =	srdreg.scid  }
0x8b: {  	s0 =	sand.u32 $0x1, s1  }
0x8c: {  	s16 =	sshll.u32 s0, $0xA;
	s2 =	sadd.s32 s3, s2  }
0x8d: {  	s2 =	sadd.s32 s2, s16  }
0x8e: {  	[smem:$0x3FBE] =	sst s2  }
0x8f: {  	_ = 	snop  }
0x90: {  	(tm) =	ssettm $0x1  }
0x91: {  	s17 =	sld [smem:$0x3FFB];
	_ =	sdelay $0x3  }
0x92: {  	_ =	strace s17  }
0x93: {  	s2 =	sld [smem:$0x3FFC];
	_ =	sdelay $0x3  }
0x94: {  	_ =	strace s2  }
0x95: {  	s2 =	sld [smem:$0x3FFD];
	_ =	sdelay $0x3  }
0x96: {  	_ =	strace s2  }
0x97: {  	_ =	strace $0x8FFFFFFF  }
0x98: {  	s18 =	sld [smem:$0x3FDB];
	_ =	sdelay $0x1  }
0x99: {  	s19 =	simm.s32 $_scs_section_size  }
0x9a: {  	s4 =	simm.s32 $_size__tile_overlayer_lowered;
	s5 =	simm.s32 $_tile_overlayer_lowered  }
0x9b: {  	s22 =	simm.s32 $0x1BFF;
	s21 =	sshll.u32 s5, $0x1;
	s2 =	sadd.s32 s19, s18  }
0x9c: {  	s6 =	simm.s32 $0x0;
	s20 =	sshll.u32 s4, $0x1;
	s4 =	sadd.s32 s21, s2  }
0x9d: {  	[timem:s6], [sflag:s22] =	dma.local [hbm:s4], s20  }
0x9e: {  	_ =	swait.ge [sflag:s22], s20  }
0x9f: {  	s3 =	ssub.s32 $0x0, s20;
	[sflag:s22] =	ssyncset.done $0x0  }
0xa0: {  	[sflag:s22] =	ssyncadd.s32 s3;
	_ =	sdelay $0x1  }
0xa1: {  	s23 =	simm.s32 $0x1B8B  }
0xa2: {  	_ =	swait.ge [sflag:s23], $0x1  }
0xa3: {  	[sflag:s23] =	ssyncset.done $0x0  }
0xa4: {  	s25 =	simm.s32 $0x1B8E;
	s24 =	sld [smem:$0x3FFE];
	[sflag:s23] =	ssyncadd.s32 $0xFFFFFFFF  }
0xa5: {  	s26 =	simm.s32 $execute0_lowered;
	[smem:$0x3FD2] =	sst s25  }
0xa6: {  	s4 =	sshll.u32 s26, $0x1;
	_ =	strace $0x80000046;
	[dreg:$0x1] =	wrdreg $0xFFFFFFFF  }
0xa7: {  	s28 =	simm.s32 $_size_execute0_lowered;
	s2 =	sadd.s32 s2, s4;
	[dreg:$0x0] =	wrdreg $0x0  }
0xa8: {  	s4 =	sshll.u32 s28, $0x1;
	[dreg:$0x2] =	wrdreg s2  }
0xa9: {  	[dreg:$0x3] =	wrdreg s4  }
0xaa: {  	[dreg:$0x4] =	wrdreg $0xC0  }
0xab: {  	_ =	task [dreg:s6], $0x5FFFF  }
0xac: {  	[dreg:$0x1] =	wrdreg $0xFFFFFFFF  }
0xad: {  	[dreg:$0x0] =	wrdreg $0x60  }
0xae: {  	[dreg:$0x2] =	wrdreg s24  }
0xaf: {  	[dreg:$0x3] =	wrdreg $0x0  }
0xb0: {  	[dreg:$0x4] =	wrdreg $0x9  }
0xb1: {  	_ =	task.clear_ibuf [dreg:s6], $0x5FFFF;
	_ =	strace $0x90000046  }
0xb2: {  	s29 =	simm.s32 $0x9;
	_ =	strace $0x80000048  }
0xb3: {  	_ =	swait.ge [sflag:s29], $0x1  }
0xb4: {  	[sflag:s29] =	ssyncadd.s32 $0xFFFFFFFF  }
0xb5: {  	_ =	strace $0x90000048  }
0xb6: {  	_ =	sfence  }
0xb7: {  	s30 =	sld [smem:$0x0];
	_ =	sdelay $0x2  }
0xb8: {  	s31 =	sshll.u32 s1, $0xD;
	s1 =	sshrl.u32 s1, $0x2  }
0xb9: {  	s3 =	sand.u32 $0x4000, s31;
	s1 =	sadd.s32 s1, s30  }
0xba: {  	s0 =	sor.u32 s3, s0;
	s1 =	sshll.u32 s1, $0x11  }
0xbb: {  	s0 =	sor.u32 s1, s0  }
0xbc: {  	s0 =	sadd.s32 $0x8F2B, s0  }
0xbd: {  	[sflag:s0] =	ssyncadd.remote.s32 $0x1  }
0xbe: {  	_ =	sfence.sel $0xFFFF  }
0xbf: {  	[dreg:$0x0] =	wrdreg $0xFFFFFFFF;
	(pc) =	sbr.abs _section_cstart, $3  }
0xc0: {  	[dreg:$0x1] =	wrdreg $0xFFFFFFFF  }
0xc1: {  	_ =	task.clear_ibuf [dreg:s6], $0x2FFFF;
	_ =	strace $0x9FFFFFFF  }
0xc2: {  	(tm) =	ssettm $0x7FFFFFFF  }
0xc3: {  	_ =	shalt  }
tec
execute0_lowered:
.L_overlay_start_1:
0x0: {  	(tag) =	ssettag $0x1  }
0x1: {  	s0 =	rddreg [dreg:$0x0]  }
0x2: {  	s2 =	rddreg [dreg:$0x1];
	s9 =	stileid.u32  }
0x3: {  	s4 =	srdreg.scid;
	s3 =	simm.s32 $0x0;
	s11 =	simm.s32 $0x4580  }
0x4: {  	s12 =	simm.s32 $0x1880;
	s13 =	simm.s32 $0x280;
	s14 =	simm.s32 $0x1B00  }
0x5: {  	s15 =	simm.s32 $0x1;
	s16 =	simm.s32 $0x1D80;
	s17 =	simm.s32 $0x2  }
0x6: {  	s18 =	simm.s32 $0x2000;
	s19 =	simm.s32 $0x2280;
	s20 =	simm.s32 $0x2500  }
0x7: {  	s21 =	simm.s32 $0x2780;
	s22 =	simm.s32 $0x2A00;
	s28 =	simm.s32 $0x3680  }
0x8: {  	s29 =	simm.s32 $0x3900;
	s30 =	simm.s32 $0x3B80;
	s1 =	smul.u32 $0x6540, s9  }
0x9: {  	s31 =	simm.s32 $0x3E00;
	s4 =	sand.u32 $0x1, s4;
	s5 =	smul.u32 $0x1880, s9  }
0xa: {  	[smem:$0x7FF] =	sst s3;
	s7 =	sadd.s32 $0xCA800, s0;
	s10 =	sadd.s32 $0xCAC00, s0  }
0xb: {  	s24 =	sshll.u32 s9, $0x6;
	s6 =	smul.u32 $0x18800, s4;
	_ =	strace $0x80000047  }
0xc: {  	[dreg:$0x4] =	wrdreg s7;
	s23 =	ssub.s32 $0x2, s4;
	s4 =	smul.u32 $0x32A0, s4  }
0xd: {  	[dreg:$0x5] =	wrdreg s10;
	s10 =	simm.s32 $0x3;
	s8 =	sshrl.u32 s23, $0x1  }
0xe: {  	s1 =	sadd.s32 s1, s0;
	s6 =	sadd.s32 s5, s6;
	s7 =	ssub.s32 s23, s8  }
0xf: {  	s5 =	sadd.s32 s5, s2;
	s1 =	sadd.s32 s4, s1;
	s23 =	simm.s32 $0x2C80  }
0x10: {  	s4 =	simm.s32 $0x0;
	s6 =	sshrl.u32 s6, $0x3;
	s26 =	smax.u32 s7, $0x1  }
0x11: {  	s25 =	sadd.s32 $0x65400, s1;
	s7 =	sshrl.u32 s5, $0x3;
	[dreg:$0x8] =	wrdreg s26  }
0x12: {  	s1 =	simm.s32 $0x4300;
	s0 =	sadd.s32 s6, s0;
	[dreg:$0x3] =	wrdreg s25  }
0x13: {  	s6 =	sor.u32 $0x1C03, s24;
	s24 =	simm.s32 $0x2F00;
	[dreg:$0x9] =	wrdreg s7  }
0x14: {  	s25 =	simm.s32 $0x3180;
	s0 =	sadd.s32 $0xCAE00, s0;
	[dreg:$0x6] =	wrdreg s6  }
0x15: {  	s26 =	simm.s32 $0x3400;
	[dreg:$0x7] =	wrdreg s0;
	s0 =	simm.s32 $0x4080  }
.LBB2_1:
0x16: {  	s5 =	rddreg [dreg:$0x4]  }
0x17: {  	[spmem:s7], [sflag:s6] =	dma.local [hbm:s5], $0x310  }
0x18: {  	_ =	swait.ge [sflag:s10], $0x310  }
0x19: {  	[sflag:s10] =	ssyncset.done $0x0  }
0x1a: {  	s7 =	rddreg [dreg:$0x5];
	[sflag:s10] =	ssyncadd.s32 $0xFFFFFCF0  }
0x1b: {  	[tilespmem:s11], [sflag:$0x3] =	stream.linear.gather [hbm4b:s7+s3], $0x280, $0x38;
	[tilespmem:$0x4800] =	vst v63  }
0x1c: {  	_ =	swait.ge [sflag:s10], $0x280  }
0x1d: {  	[sflag:s10] =	ssyncset.done $0x0  }
0x1e: {  	p0 =	por $0x1, $0x1;
	[sflag:s10] =	ssyncadd.s32 $0xFFFFFD80  }
0x1f: {  	s5 =	simm.s32 @!p0 $0x1;
	[bflag:$0x0] =	sbarrier.arrive $0xFFFF  }
0x20: {  	_ =	swait.ge @!p0 [sflag:s5], $0x280  }
0x21: {  	[sflag:s5] =	ssyncset.done @!p0 $0x0  }
0x22: {  	[sflag:s5] =	ssyncadd.s32 @!p0 $0xFFFFFD80;
	s5 =	simm.s32 @!p0 $0x2  }
0x23: {  	_ =	swait.ge @!p0 [sflag:s5], $0x280  }
0x24: {  	s8 =	rddreg [dreg:$0x3];
	[sflag:s5] =	ssyncset.done @!p0 $0x0  }
0x25: {  	[sflag:s5] =	ssyncadd.s32 @!p0 $0xFFFFFD80;
	s9 =	sadd.s32 $0x0, s8  }
0x26: {  	[tilespmem:s12], [sflag:$0x3] =	stream.linear.gather [hbm4b:s9+s3], $0x2D00, $0x38;
	[tilespmem:$0x4800] =	vst v63  }
0x27: {  	_ =	swait.ge [sflag:s10], $0x2D00  }
0x28: {  	[sflag:s10] =	ssyncset.done $0x0  }
0x29: {  	[sflag:s10] =	ssyncadd.s32 $0xFFFFD300  }
0x2a: {  	[spmem:s2] =	stream.indirect.scatter.add.f32 [tilespmem:s11], [sflag:$0x1], $0x1, s12, s13, $0xb8;
	[tilespmem:$0x4800] =	vst v63  }
0x2b: {  	_ = 	snop  }
0x2c: {  	[spmem:s2] =	stream.indirect.scatter.add.f32 [tilespmem:s11], [sflag:$0x2], $0x1, s14, s13, $0xb8;
	[tilespmem:$0x4800] =	vst v63  }
0x2d: {  	_ =	swait.ge [sflag:s15], $0x280  }
0x2e: {  	[sflag:s15] =	ssyncset.done $0x0  }
0x2f: {  	[sflag:s15] =	ssyncadd.s32 $0xFFFFFD80  }
0x30: {  	[spmem:s2] =	stream.indirect.scatter.add.f32 [tilespmem:s11], [sflag:$0x1], $0x1, s16, s13, $0xb8;
	[tilespmem:$0x4800] =	vst v63  }
0x31: {  	_ =	swait.ge [sflag:s17], $0x280  }
0x32: {  	[sflag:s17] =	ssyncset.done $0x0  }
0x33: {  	[sflag:s17] =	ssyncadd.s32 $0xFFFFFD80  }
0x34: {  	[spmem:s2] =	stream.indirect.scatter.add.f32 [tilespmem:s11], [sflag:$0x2], $0x1, s18, s13, $0xb8;
	[tilespmem:$0x4800] =	vst v63  }
0x35: {  	_ =	swait.ge [sflag:s15], $0x280  }
0x36: {  	[sflag:s15] =	ssyncset.done $0x0  }
0x37: {  	[sflag:s15] =	ssyncadd.s32 $0xFFFFFD80  }
0x38: {  	[spmem:s2] =	stream.indirect.scatter.add.f32 [tilespmem:s11], [sflag:$0x1], $0x1, s19, s13, $0xb8;
	[tilespmem:$0x4800] =	vst v63  }
0x39: {  	_ =	swait.ge [sflag:s17], $0x280  }
0x3a: {  	[sflag:s17] =	ssyncset.done $0x0  }
0x3b: {  	[sflag:s17] =	ssyncadd.s32 $0xFFFFFD80  }
0x3c: {  	[spmem:s2] =	stream.indirect.scatter.add.f32 [tilespmem:s11], [sflag:$0x2], $0x1, s20, s13, $0xb8;
	[tilespmem:$0x4800] =	vst v63  }
0x3d: {  	_ =	swait.ge [sflag:s15], $0x280  }
0x3e: {  	[sflag:s15] =	ssyncset.done $0x0  }
0x3f: {  	[sflag:s15] =	ssyncadd.s32 $0xFFFFFD80  }
0x40: {  	[spmem:s2] =	stream.indirect.scatter.add.f32 [tilespmem:s11], [sflag:$0x1], $0x1, s21, s13, $0xb8;
	[tilespmem:$0x4800] =	vst v63  }
0x41: {  	_ =	swait.ge [sflag:s17], $0x280  }
0x42: {  	[sflag:s17] =	ssyncset.done $0x0  }
0x43: {  	[sflag:s17] =	ssyncadd.s32 $0xFFFFFD80  }
0x44: {  	[spmem:s2] =	stream.indirect.scatter.add.f32 [tilespmem:s11], [sflag:$0x2], $0x1, s22, s13, $0xb8;
	[tilespmem:$0x4800] =	vst v63  }
0x45: {  	_ =	swait.ge [sflag:s15], $0x280  }
0x46: {  	[sflag:s15] =	ssyncset.done $0x0  }
0x47: {  	[sflag:s15] =	ssyncadd.s32 $0xFFFFFD80  }
0x48: {  	[spmem:s2] =	stream.indirect.scatter.add.f32 [tilespmem:s11], [sflag:$0x1], $0x1, s23, s13, $0xb8;
	[tilespmem:$0x4800] =	vst v63  }
0x49: {  	_ =	swait.ge [sflag:s17], $0x280  }
0x4a: {  	[sflag:s17] =	ssyncset.done $0x0  }
0x4b: {  	[sflag:s17] =	ssyncadd.s32 $0xFFFFFD80  }
0x4c: {  	[spmem:s2] =	stream.indirect.scatter.add.f32 [tilespmem:s11], [sflag:$0x2], $0x1, s24, s13, $0xb8;
	[tilespmem:$0x4800] =	vst v63  }
0x4d: {  	_ =	swait.ge [sflag:s15], $0x280  }
0x4e: {  	[sflag:s15] =	ssyncset.done $0x0  }
0x4f: {  	[sflag:s15] =	ssyncadd.s32 $0xFFFFFD80  }
0x50: {  	[spmem:s2] =	stream.indirect.scatter.add.f32 [tilespmem:s11], [sflag:$0x1], $0x1, s25, s13, $0xb8;
	[tilespmem:$0x4800] =	vst v63  }
0x51: {  	_ =	swait.ge [sflag:s17], $0x280  }
0x52: {  	[sflag:s17] =	ssyncset.done $0x0  }
0x53: {  	[sflag:s17] =	ssyncadd.s32 $0xFFFFFD80  }
0x54: {  	[spmem:s2] =	stream.indirect.scatter.add.f32 [tilespmem:s11], [sflag:$0x2], $0x1, s26, s13, $0xb8;
	[tilespmem:$0x4800] =	vst v63  }
0x55: {  	_ =	swait.ge [sflag:s15], $0x280  }
0x56: {  	[sflag:s15] =	ssyncset.done $0x0  }
0x57: {  	[sflag:s15] =	ssyncadd.s32 $0xFFFFFD80  }
0x58: {  	[spmem:s2] =	stream.indirect.scatter.add.f32 [tilespmem:s11], [sflag:$0x1], $0x1, s28, s13, $0xb8;
	[tilespmem:$0x4800] =	vst v63  }
0x59: {  	_ =	swait.ge [sflag:s17], $0x280  }
0x5a: {  	[sflag:s17] =	ssyncset.done $0x0  }
0x5b: {  	[sflag:s17] =	ssyncadd.s32 $0xFFFFFD80  }
0x5c: {  	[spmem:s2] =	stream.indirect.scatter.add.f32 [tilespmem:s11], [sflag:$0x2], $0x1, s29, s13, $0xb8;
	[tilespmem:$0x4800] =	vst v63  }
0x5d: {  	_ =	swait.ge [sflag:s15], $0x280  }
0x5e: {  	[sflag:s15] =	ssyncset.done $0x0  }
0x5f: {  	[sflag:s15] =	ssyncadd.s32 $0xFFFFFD80  }
0x60: {  	[spmem:s2] =	stream.indirect.scatter.add.f32 [tilespmem:s11], [sflag:$0x1], $0x1, s30, s13, $0xb8;
	[tilespmem:$0x4800] =	vst v63  }
0x61: {  	_ =	swait.ge [sflag:s17], $0x280  }
0x62: {  	[sflag:s17] =	ssyncset.done $0x0  }
0x63: {  	[sflag:s17] =	ssyncadd.s32 $0xFFFFFD80  }
0x64: {  	[spmem:s2] =	stream.indirect.scatter.add.f32 [tilespmem:s11], [sflag:$0x2], $0x1, s31, s13, $0xb8;
	[tilespmem:$0x4800] =	vst v63  }
0x65: {  	_ =	swait.ge [sflag:s15], $0x280  }
0x66: {  	[sflag:s15] =	ssyncset.done $0x0  }
0x67: {  	[sflag:s15] =	ssyncadd.s32 $0xFFFFFD80  }
0x68: {  	[spmem:s2] =	stream.indirect.scatter.add.f32 [tilespmem:s11], [sflag:$0x1], $0x1, s0, s13, $0xb8;
	[tilespmem:$0x4800] =	vst v63  }
0x69: {  	p1 =	por $0x0, $0x0;
	_ =	swait.ge [sflag:s17], $0x280  }
0x6a: {  	s7 =	simm.s32 $0xB40;
	s5 =	simm.s32 $0x5A0;
	[sflag:s17] =	ssyncset.done $0x0  }
.LBB2_2:
0x6b: {  	s8 =	simm.s32 @!p1 $0x1;
	[sflag:s17] =	ssyncadd.s32 $0xFFFFFD80  }
0x6c: {  	[spmem:s2] =	stream.indirect.scatter.add.f32 [tilespmem:s11], [sflag:$0x2], $0x1, s1, s13, $0xb8;
	[tilespmem:$0x4800] =	vst v63  }
0x6d: {  	_ =	swait.ge @!p1 [sflag:s8], $0x280  }
0x6e: {  	[sflag:s8] =	ssyncset.done @!p1 $0x0  }
0x6f: {  	[sflag:s8] =	ssyncadd.s32 @!p1 $0xFFFFFD80;
	s8 =	simm.s32 @!p1 $0x2  }
0x70: {  	_ =	swait.ge @!p1 [sflag:s8], $0x280  }
0x71: {  	[sflag:s8] =	ssyncset.done @!p1 $0x0;
	s9 =	rddreg [dreg:$0x3]  }
0x72: {  	[sflag:s8] =	ssyncadd.s32 @!p1 $0xFFFFFD80;
	s9 =	sadd.s32 s5, s9  }
0x73: {  	[tilespmem:s12], [sflag:$0x3] =	stream.linear.gather [hbm4b:s9+s3], $0x2D00, $0x38;
	[tilespmem:$0x4800] =	vst v63  }
0x74: {  	_ =	swait.ge [sflag:s10], $0x2D00  }
0x75: {  	[sflag:s10] =	ssyncset.done $0x0  }
0x76: {  	[sflag:s10] =	ssyncadd.s32 $0xFFFFD300  }
0x77: {  	[spmem:s2] =	stream.indirect.scatter.add.f32 [tilespmem:s11], [sflag:$0x1], $0x1, s12, s13, $0xb8;
	[tilespmem:$0x4800] =	vst v63  }
0x78: {  	_ = 	snop  }
0x79: {  	[spmem:s2] =	stream.indirect.scatter.add.f32 [tilespmem:s11], [sflag:$0x2], $0x1, s14, s13, $0xb8;
	[tilespmem:$0x4800] =	vst v63  }
0x7a: {  	_ =	swait.ge [sflag:s15], $0x280  }
0x7b: {  	[sflag:s15] =	ssyncset.done $0x0  }
0x7c: {  	[sflag:s15] =	ssyncadd.s32 $0xFFFFFD80  }
0x7d: {  	[spmem:s2] =	stream.indirect.scatter.add.f32 [tilespmem:s11], [sflag:$0x1], $0x1, s16, s13, $0xb8;
	[tilespmem:$0x4800] =	vst v63  }
0x7e: {  	_ =	swait.ge [sflag:s17], $0x280  }
0x7f: {  	[sflag:s17] =	ssyncset.done $0x0  }
0x80: {  	[sflag:s17] =	ssyncadd.s32 $0xFFFFFD80  }
0x81: {  	[spmem:s2] =	stream.indirect.scatter.add.f32 [tilespmem:s11], [sflag:$0x2], $0x1, s18, s13, $0xb8;
	[tilespmem:$0x4800] =	vst v63  }
0x82: {  	_ =	swait.ge [sflag:s15], $0x280  }
0x83: {  	[sflag:s15] =	ssyncset.done $0x0  }
0x84: {  	[sflag:s15] =	ssyncadd.s32 $0xFFFFFD80  }
0x85: {  	[spmem:s2] =	stream.indirect.scatter.add.f32 [tilespmem:s11], [sflag:$0x1], $0x1, s19, s13, $0xb8;
	[tilespmem:$0x4800] =	vst v63  }
0x86: {  	_ =	swait.ge [sflag:s17], $0x280  }
0x87: {  	[sflag:s17] =	ssyncset.done $0x0  }
0x88: {  	[sflag:s17] =	ssyncadd.s32 $0xFFFFFD80  }
0x89: {  	[spmem:s2] =	stream.indirect.scatter.add.f32 [tilespmem:s11], [sflag:$0x2], $0x1, s20, s13, $0xb8;
	[tilespmem:$0x4800] =	vst v63  }
0x8a: {  	_ =	swait.ge [sflag:s15], $0x280  }
0x8b: {  	[sflag:s15] =	ssyncset.done $0x0  }
0x8c: {  	[sflag:s15] =	ssyncadd.s32 $0xFFFFFD80  }
0x8d: {  	[spmem:s2] =	stream.indirect.scatter.add.f32 [tilespmem:s11], [sflag:$0x1], $0x1, s21, s13, $0xb8;
	[tilespmem:$0x4800] =	vst v63  }
0x8e: {  	_ =	swait.ge [sflag:s17], $0x280  }
0x8f: {  	[sflag:s17] =	ssyncset.done $0x0  }
0x90: {  	[sflag:s17] =	ssyncadd.s32 $0xFFFFFD80  }
0x91: {  	[spmem:s2] =	stream.indirect.scatter.add.f32 [tilespmem:s11], [sflag:$0x2], $0x1, s22, s13, $0xb8;
	[tilespmem:$0x4800] =	vst v63  }
0x92: {  	_ =	swait.ge [sflag:s15], $0x280  }
0x93: {  	[sflag:s15] =	ssyncset.done $0x0  }
0x94: {  	[sflag:s15] =	ssyncadd.s32 $0xFFFFFD80  }
0x95: {  	[spmem:s2] =	stream.indirect.scatter.add.f32 [tilespmem:s11], [sflag:$0x1], $0x1, s23, s13, $0xb8;
	[tilespmem:$0x4800] =	vst v63  }
0x96: {  	_ =	swait.ge [sflag:s17], $0x280  }
0x97: {  	[sflag:s17] =	ssyncset.done $0x0  }
0x98: {  	[sflag:s17] =	ssyncadd.s32 $0xFFFFFD80  }
0x99: {  	[spmem:s2] =	stream.indirect.scatter.add.f32 [tilespmem:s11], [sflag:$0x2], $0x1, s24, s13, $0xb8;
	[tilespmem:$0x4800] =	vst v63  }
0x9a: {  	_ =	swait.ge [sflag:s15], $0x280  }
0x9b: {  	[sflag:s15] =	ssyncset.done $0x0  }
0x9c: {  	[sflag:s15] =	ssyncadd.s32 $0xFFFFFD80  }
0x9d: {  	[spmem:s2] =	stream.indirect.scatter.add.f32 [tilespmem:s11], [sflag:$0x1], $0x1, s25, s13, $0xb8;
	[tilespmem:$0x4800] =	vst v63  }
0x9e: {  	_ =	swait.ge [sflag:s17], $0x280  }
0x9f: {  	[sflag:s17] =	ssyncset.done $0x0  }
0xa0: {  	[sflag:s17] =	ssyncadd.s32 $0xFFFFFD80  }
0xa1: {  	[spmem:s2] =	stream.indirect.scatter.add.f32 [tilespmem:s11], [sflag:$0x2], $0x1, s26, s13, $0xb8;
	[tilespmem:$0x4800] =	vst v63  }
0xa2: {  	_ =	swait.ge [sflag:s15], $0x280  }
0xa3: {  	[sflag:s15] =	ssyncset.done $0x0  }
0xa4: {  	[sflag:s15] =	ssyncadd.s32 $0xFFFFFD80  }
0xa5: {  	[spmem:s2] =	stream.indirect.scatter.add.f32 [tilespmem:s11], [sflag:$0x1], $0x1, s28, s13, $0xb8;
	[tilespmem:$0x4800] =	vst v63  }
0xa6: {  	_ =	swait.ge [sflag:s17], $0x280  }
0xa7: {  	[sflag:s17] =	ssyncset.done $0x0  }
0xa8: {  	[sflag:s17] =	ssyncadd.s32 $0xFFFFFD80  }
0xa9: {  	[spmem:s2] =	stream.indirect.scatter.add.f32 [tilespmem:s11], [sflag:$0x2], $0x1, s29, s13, $0xb8;
	[tilespmem:$0x4800] =	vst v63  }
0xaa: {  	_ =	swait.ge [sflag:s15], $0x280  }
0xab: {  	[sflag:s15] =	ssyncset.done $0x0  }
0xac: {  	[sflag:s15] =	ssyncadd.s32 $0xFFFFFD80  }
0xad: {  	[spmem:s2] =	stream.indirect.scatter.add.f32 [tilespmem:s11], [sflag:$0x1], $0x1, s30, s13, $0xb8;
	[tilespmem:$0x4800] =	vst v63  }
0xae: {  	_ =	swait.ge [sflag:s17], $0x280  }
0xaf: {  	[sflag:s17] =	ssyncset.done $0x0  }
0xb0: {  	s6 =	smov.u32 s7;
	s7 =	sadd.s32 $0x5A0, s7;
	[sflag:s17] =	ssyncadd.s32 $0xFFFFFD80  }
0xb1: {  	[spmem:s2] =	stream.indirect.scatter.add.f32 [tilespmem:s11], [sflag:$0x2], $0x1, s31, s13, $0xb8;
	[tilespmem:$0x4800] =	vst v63  }
0xb2: {  	p0 =	sne.s32 s7, $0x32A0;
	_ =	swait.ge [sflag:s15], $0x280  }
.Ltmp0:
0xb3: {  	[sflag:s15] =	ssyncset.done $0x0;
	(pc) =	sbr.rel @p0 .LBB2_2-.Ltmp0, $4  }
0xb4: {  	[sflag:s15] =	ssyncadd.s32 $0xFFFFFD80  }
0xb5: {  	[spmem:s2] =	stream.indirect.scatter.add.f32 [tilespmem:s11], [sflag:$0x1], $0x1, s0, s13, $0xb8;
	[tilespmem:$0x4800] =	vst v63  }
0xb6: {  	s5 =	smov.u32 s6;
	_ =	swait.ge [sflag:s17], $0x280  }
0xb7: {  	p1 =	seq.s32 s5, $0x0;
	[sflag:s17] =	ssyncset.done $0x0  }
0xb8: {  	s6 =	simm.s32 @!p1 $0x1;
	[sflag:s17] =	ssyncadd.s32 $0xFFFFFD80  }
0xb9: {  	[spmem:s2] =	stream.indirect.scatter.add.f32 [tilespmem:s11], [sflag:$0x2], $0x1, s1, s13, $0xb8;
	[tilespmem:$0x4800] =	vst v63  }
0xba: {  	_ =	swait.ge @!p1 [sflag:s6], $0x280  }
0xbb: {  	[sflag:s6] =	ssyncset.done @!p1 $0x0  }
0xbc: {  	[sflag:s6] =	ssyncadd.s32 @!p1 $0xFFFFFD80;
	s6 =	simm.s32 @!p1 $0x2  }
0xbd: {  	_ =	swait.ge @!p1 [sflag:s6], $0x280  }
0xbe: {  	s7 =	rddreg [dreg:$0x3];
	[sflag:s6] =	ssyncset.done @!p1 $0x0  }
0xbf: {  	[sflag:s6] =	ssyncadd.s32 @!p1 $0xFFFFFD80;
	s5 =	sadd.s32 s5, s7  }
0xc0: {  	[tilespmem:s12], [sflag:$0x3] =	stream.linear.gather [hbm4b:s5+s3], $0x2D00, $0x38;
	[tilespmem:$0x4800] =	vst v63  }
0xc1: {  	_ =	swait.ge [sflag:s10], $0x2D00  }
0xc2: {  	[sflag:s10] =	ssyncset.done $0x0  }
0xc3: {  	[sflag:s10] =	ssyncadd.s32 $0xFFFFD300  }
0xc4: {  	[spmem:s2] =	stream.indirect.scatter.add.f32 [tilespmem:s11], [sflag:$0x1], $0x1, s12, s13, $0xb8;
	[tilespmem:$0x4800] =	vst v63  }
0xc5: {  	_ = 	snop  }
0xc6: {  	[spmem:s2] =	stream.indirect.scatter.add.f32 [tilespmem:s11], [sflag:$0x2], $0x1, s14, s13, $0xb8;
	[tilespmem:$0x4800] =	vst v63  }
0xc7: {  	_ =	swait.ge [sflag:s15], $0x280  }
0xc8: {  	[sflag:s15] =	ssyncset.done $0x0  }
0xc9: {  	[sflag:s15] =	ssyncadd.s32 $0xFFFFFD80  }
0xca: {  	[spmem:s2] =	stream.indirect.scatter.add.f32 [tilespmem:s11], [sflag:$0x1], $0x1, s16, s13, $0xb8;
	[tilespmem:$0x4800] =	vst v63  }
0xcb: {  	_ =	swait.ge [sflag:s17], $0x280  }
0xcc: {  	[sflag:s17] =	ssyncset.done $0x0  }
0xcd: {  	[sflag:s17] =	ssyncadd.s32 $0xFFFFFD80  }
0xce: {  	[spmem:s2] =	stream.indirect.scatter.add.f32 [tilespmem:s11], [sflag:$0x2], $0x1, s18, s13, $0xb8;
	[tilespmem:$0x4800] =	vst v63  }
0xcf: {  	_ =	swait.ge [sflag:s15], $0x280  }
0xd0: {  	[sflag:s15] =	ssyncset.done $0x0  }
0xd1: {  	[sflag:s15] =	ssyncadd.s32 $0xFFFFFD80  }
0xd2: {  	[spmem:s2] =	stream.indirect.scatter.add.f32 [tilespmem:s11], [sflag:$0x1], $0x1, s19, s13, $0xb8;
	[tilespmem:$0x4800] =	vst v63  }
0xd3: {  	_ =	swait.ge [sflag:s17], $0x280  }
0xd4: {  	[sflag:s17] =	ssyncset.done $0x0  }
0xd5: {  	[sflag:s17] =	ssyncadd.s32 $0xFFFFFD80  }
0xd6: {  	[spmem:s2] =	stream.indirect.scatter.add.f32 [tilespmem:s11], [sflag:$0x2], $0x1, s20, s13, $0xb8;
	[tilespmem:$0x4800] =	vst v63  }
0xd7: {  	_ =	swait.ge [sflag:s15], $0x280  }
0xd8: {  	[sflag:s15] =	ssyncset.done $0x0  }
0xd9: {  	[sflag:s15] =	ssyncadd.s32 $0xFFFFFD80  }
0xda: {  	[spmem:s2] =	stream.indirect.scatter.add.f32 [tilespmem:s11], [sflag:$0x1], $0x1, s21, s13, $0xb8;
	[tilespmem:$0x4800] =	vst v63  }
0xdb: {  	_ =	swait.ge [sflag:s17], $0x280  }
0xdc: {  	[sflag:s17] =	ssyncset.done $0x0  }
0xdd: {  	[sflag:s17] =	ssyncadd.s32 $0xFFFFFD80  }
0xde: {  	[spmem:s2] =	stream.indirect.scatter.add.f32 [tilespmem:s11], [sflag:$0x2], $0x1, s22, s13, $0xb8;
	[tilespmem:$0x4800] =	vst v63  }
0xdf: {  	_ =	swait.ge [sflag:s15], $0x280  }
0xe0: {  	[sflag:s15] =	ssyncset.done $0x0  }
0xe1: {  	[sflag:s15] =	ssyncadd.s32 $0xFFFFFD80  }
0xe2: {  	[spmem:s2] =	stream.indirect.scatter.add.f32 [tilespmem:s11], [sflag:$0x1], $0x1, s23, s13, $0xb8;
	[tilespmem:$0x4800] =	vst v63  }
0xe3: {  	_ =	swait.ge [sflag:s17], $0x280  }
0xe4: {  	[sflag:s17] =	ssyncset.done $0x0  }
0xe5: {  	[sflag:s17] =	ssyncadd.s32 $0xFFFFFD80  }
0xe6: {  	[spmem:s2] =	stream.indirect.scatter.add.f32 [tilespmem:s11], [sflag:$0x2], $0x1, s24, s13, $0xb8;
	[tilespmem:$0x4800] =	vst v63  }
0xe7: {  	_ =	swait.ge [sflag:s15], $0x280  }
0xe8: {  	[sflag:s15] =	ssyncset.done $0x0  }
0xe9: {  	[sflag:s15] =	ssyncadd.s32 $0xFFFFFD80  }
0xea: {  	[spmem:s2] =	stream.indirect.scatter.add.f32 [tilespmem:s11], [sflag:$0x1], $0x1, s25, s13, $0xb8;
	[tilespmem:$0x4800] =	vst v63  }
0xeb: {  	_ =	swait.ge [sflag:s17], $0x280  }
0xec: {  	[sflag:s17] =	ssyncset.done $0x0  }
0xed: {  	[sflag:s17] =	ssyncadd.s32 $0xFFFFFD80  }
0xee: {  	[spmem:s2] =	stream.indirect.scatter.add.f32 [tilespmem:s11], [sflag:$0x2], $0x1, s26, s13, $0xb8;
	[tilespmem:$0x4800] =	vst v63  }
0xef: {  	_ =	swait.ge [sflag:s15], $0x280  }
0xf0: {  	[sflag:s15] =	ssyncset.done $0x0  }
0xf1: {  	[sflag:s15] =	ssyncadd.s32 $0xFFFFFD80  }
0xf2: {  	[spmem:s2] =	stream.indirect.scatter.add.f32 [tilespmem:s11], [sflag:$0x1], $0x1, s28, s13, $0xb8;
	[tilespmem:$0x4800] =	vst v63  }
0xf3: {  	_ =	swait.ge [sflag:s17], $0x280  }
0xf4: {  	[sflag:s17] =	ssyncset.done $0x0  }
0xf5: {  	[sflag:s17] =	ssyncadd.s32 $0xFFFFFD80  }
0xf6: {  	[spmem:s2] =	stream.indirect.scatter.add.f32 [tilespmem:s11], [sflag:$0x2], $0x1, s29, s13, $0xb8;
	[tilespmem:$0x4800] =	vst v63  }
0xf7: {  	_ =	swait.ge [sflag:s15], $0x280  }
0xf8: {  	[sflag:s15] =	ssyncset.done $0x0  }
0xf9: {  	[sflag:s15] =	ssyncadd.s32 $0xFFFFFD80  }
0xfa: {  	[spmem:s2] =	stream.indirect.scatter.add.f32 [tilespmem:s11], [sflag:$0x1], $0x1, s30, s13, $0xb8;
	[tilespmem:$0x4800] =	vst v63  }
0xfb: {  	_ =	swait.ge [sflag:s17], $0x280  }
0xfc: {  	[sflag:s17] =	ssyncset.done $0x0  }
0xfd: {  	[sflag:s17] =	ssyncadd.s32 $0xFFFFFD80  }
0xfe: {  	[spmem:s2] =	stream.indirect.scatter.add.f32 [tilespmem:s11], [sflag:$0x2], $0x1, s31, s13, $0xb8;
	[tilespmem:$0x4800] =	vst v63  }
0xff: {  	_ =	swait.ge [sflag:s15], $0x280  }
0x100: {  	[sflag:s15] =	ssyncset.done $0x0  }
0x101: {  	[sflag:s15] =	ssyncadd.s32 $0xFFFFFD80  }
0x102: {  	[spmem:s2] =	stream.indirect.scatter.add.f32 [tilespmem:s11], [sflag:$0x1], $0x1, s0, s13, $0xb8;
	[tilespmem:$0x4800] =	vst v63  }
0x103: {  	_ =	swait.ge [sflag:s17], $0x280  }
0x104: {  	[sflag:s17] =	ssyncset.done $0x0  }
0x105: {  	[sflag:s17] =	ssyncadd.s32 $0xFFFFFD80  }
0x106: {  	[spmem:s2] =	stream.indirect.scatter.add.f32 [tilespmem:s11], [sflag:$0x2], $0x1, s1, s13, $0xb8;
	[tilespmem:$0x4800] =	vst v63  }
0x107: {  	_ =	swait.ge [sflag:s15], $0x280  }
0x108: {  	[sflag:s15] =	ssyncset.done $0x0  }
0x109: {  	[sflag:s15] =	ssyncadd.s32 $0xFFFFFD80  }
0x10a: {  	_ =	swait.ge [sflag:s17], $0x280  }
0x10b: {  	[sflag:s17] =	ssyncset.done $0x0  }
0x10c: {  	[sflag:s17] =	ssyncadd.s32 $0xFFFFFD80  }
0x10d: {  	[bflag:$0x0] =	sbarrier.arrive $0xFFFF  }
0x10e: {  	s6 =	rddreg [dreg:$0x6]  }
0x10f: {  	s8 =	rddreg [dreg:$0x7]  }
0x110: {  	s7 =	rddreg [dreg:$0x9]  }
0x111: {  	[hbm:s8], [sflag:s6] =	dma.local [spmem:s7], $0x310  }
0x112: {  	_ =	swait.ge [sflag:s10], $0x310  }
0x113: {  	s4 =	sadd.s32 $0x1, s4;
	s9 =	rddreg [dreg:$0x8]  }
0x114: {  	p0 =	sne.s32 s4, s9  }
.Ltmp1:
0x115: {  	_ = 	snop;
	(pc) =	sbr.rel @p0 .LBB2_1-.Ltmp1, $3  }
0x116: {  	_ =	sdelay $0x1  }
0x117: {  	[sflag:s10] =	ssyncset.done $0x0  }
0x118: {  	[sflag:s10] =	ssyncadd.s32 $0xFFFFFCF0  }
0x119: {  	_ =	sfence.sel $0x180000  }
0x11a: {  	[bflag:$0x0] =	sbarrier.arrive $0xFFFF  }
0x11b: {  	_ =	strace $0x90000047  }
0x11c: {  	s0 =	stileid.u32;
	[bflag:$0x2] =	sbarrier.arrive $0xFFFF  }
0x11d: {  	p0 =	sne.s32 s0, $0x0;
	s0 =	rddreg [dreg:$0x2]  }
0x11e: {  	s0 =	sadd.s32 @!p0 $0x100000, s0  }
0x11f: {  	[sflag:s0] =	ssyncadd.tile.s32 @!p0 $0x1;
	_ =	shalt  }
.Lfunc_end2:
_tile_overlayer_lowered:
.L_overlay_start_2:
0x120: {  	(tag) =	ssettag $0x2  }
0x121: {  	s0 =	rddreg [dreg:$0x0];
	s2 =	stileid.u32  }
0x122: {  	s1 =	rddreg [dreg:$0x1];
	p0 =	sne.s32 s2, $0x0  }
0x123: {  	s3 =	rddreg [dreg:$0x2];
	[bflag:$0x3] =	sbarrier.arrive $0xFFFF;
	s2 =	simm.s32 @!p0 $0x1C03  }
0x124: {  	[timem:s3], [sflag:s2] =	dma.local @!p0 [hbm:s0], s1  }
0x125: {  	s0 =	simm.s32 @!p0 $0x3  }
0x126: {  	_ =	swait.ge @!p0 [sflag:s0], s1  }
0x127: {  	s1 =	ssub.s32 @!p0 $0x0, s1;
	[sflag:s0] =	ssyncset.done @!p0 $0x0  }
0x128: {  	[sflag:s0] =	ssyncadd.s32 @!p0 s1  }
0x129: {  	[bflag:$0x3] =	sbarrier.arrive $0xFFFF  }
0x12a: {  	_ =	shalt  }

</sc_bundles>
